<compile_context>
chip_gen: v7x
topology: tpu7x:2x2x1
jax: 0.10.2.dev20260603
libtpu: 0.0.44.dev20260713+nightly
codegen_flags: <defaults>
</compile_context>

<pallas_src>
import jax
import jax.numpy as jnp
from jax import lax
from jax.experimental import pallas as pl
from jax.experimental.pallas import tpu as pltpu
from jax.experimental.pallas import tpu_sc as plsc

N_NODES = 50000
C = 20
M = 32
G = 64

N_PAIRS = N_NODES // 2
_NC = 2
_NS = 16
_NW = _NC * _NS
_W = 784
_CHUNKS = (128, 128, 128, 128, 128, 128, 16)


def _table_body(b_ref, pi_ref, t2_ref):
    bv = b_ref[...]
    piv = pi_ref[...]
    eb = jnp.exp(bv - jnp.max(bv, axis=1, keepdims=True))
    sm_b = eb / jnp.sum(eb, axis=1, keepdims=True)
    ep = jnp.exp(piv - jnp.max(piv, axis=0, keepdims=True))
    sm_pi = ep / jnp.sum(ep, axis=0, keepdims=True)
    unnorm = sm_pi[:, None, :] * sm_b + 1e-8
    t = jnp.log(jnp.sum(unnorm, axis=0))
    left = jnp.broadcast_to(t[:, None, :], (M, M, G))
    right = jnp.broadcast_to(t[None, :, :], (M, M, G))
    t2_ref[...] = jnp.concatenate([left, right], axis=-1).reshape(M * M, 2 * G)


def _compute_table(B, Pi):
    return pl.pallas_call(
        _table_body,
        out_shape=jax.ShapeDtypeStruct((M * M, 2 * G), jnp.float32),
    )(B, Pi)


def _gather_body(table_hbm, x_hbm, out_hbm, x_v, idx_v, rows_v, gsem, osem):
    wid = lax.axis_index("s") * _NC + lax.axis_index("c")
    base = jnp.where(wid == _NW - 1, N_PAIRS - _W, wid * _W)
    base = pl.multiple_of(base, 8)
    xoff = pl.multiple_of(base * 2, 16)
    pltpu.sync_copy(x_hbm.at[pl.ds(xoff, 2 * _W)], x_v)
    lane = lax.iota(jnp.int32, 16)
    ev = (lane * 2) % 16
    od = (lane * 2 + 1) % 16
    lo = lane < 8
    dn = lax.GatherDimensionNumbers(
        offset_dims=(), collapsed_slice_dims=(0,), start_index_map=(0,))

    def _shuf(v, i):
        return lax.gather(v, i[:, None], dn, slice_sizes=(1,),
                          mode=lax.GatherScatterMode.PROMISE_IN_BOUNDS)

    gathers = []
    off = 0
    for n in _CHUNKS:
        for g in range(off // 16, (off + n) // 16):
            va = x_v[pl.ds(32 * g, 16)]
            vb = x_v[pl.ds(32 * g + 16, 16)]
            even = jnp.where(lo, _shuf(va, ev), _shuf(vb, ev))
            odd = jnp.where(lo, _shuf(va, od), _shuf(vb, od))
            idx_v[pl.ds(16 * g, 16)] = even * M + odd
        gathers.append((off, n, pltpu.async_copy(
            table_hbm.at[idx_v.at[pl.ds(off, n)]],
            rows_v.at[pl.ds(off, n)], gsem)))
        off += n
    outs = []
    for off, n, cp in gathers:
        cp.wait()
        outs.append(pltpu.async_copy(
            rows_v.at[pl.ds(off, n)],
            out_hbm.at[pl.ds(base + off, n)], osem))
    for cp in outs:
        cp.wait()


def _gather(table, x):
    mesh = plsc.VectorSubcoreMesh(core_axis_name="c", subcore_axis_name="s")
    k = pl.kernel(
        _gather_body,
        mesh=mesh,
        out_type=jax.ShapeDtypeStruct((N_PAIRS, 2 * G), jnp.float32),
        scratch_types=[
            pltpu.VMEM((2 * _W,), jnp.int32),
            pltpu.VMEM((_W,), jnp.int32),
            pltpu.VMEM((_W, 2 * G), jnp.float32),
            pltpu.SemaphoreType.DMA,
            pltpu.SemaphoreType.DMA,
        ],
    )
    return k(table, x)


def kernel(x, edge_index, B, Pi):
    table2 = _compute_table(B, Pi)
    rows = _gather(table2, x.astype(jnp.int32))
    return rows.reshape(N_NODES, G)[:, None, :]

# --- scband reference (transcript-rebuilt; emitter-appended) ---
"""Pipeline reference for scband-cgmm-12781822672959 (READ-ONLY COPY).

The authoritative reference and input builder live on the scoring server;
editing this copy changes nothing except your own understanding.
"""

import jax, jax.numpy as jnp
import numpy as np

N_NODES = 50000
N_EDGES = 1600000
C = 20
M = 32
N_GEN = 64

def setup_inputs(seed: int = 0) -> dict:
    key = jax.random.key(seed)
    k1, k2, k3, k4 = jax.random.split(key, 4)
    x = jax.random.randint(k1, (N_NODES,), 0, M, dtype=jnp.int64 if jax.config.jax_enable_x64 else jnp.int32)
    edge_index = jax.random.randint(k2, (2, N_EDGES), 0, N_NODES, dtype=jnp.int64 if jax.config.jax_enable_x64 else jnp.int32)
    # learned parameters of CGMMLayer_0 (the only layer at construction time)
    B = jax.random.normal(k3, (C, M, N_GEN), dtype=jnp.float32) * 1.25
    Pi = jax.random.normal(k4, (C, N_GEN), dtype=jnp.float32) * 1.25
    return {"x": x, "edge_index": edge_index, "B": B, "Pi": Pi}


def reference(x, edge_index, B, Pi):
    # CGMM.forward with a single CGMMLayer_0 (as built by __init__); edge_index is unused
    # by layer 0 but is part of the forward signature.
    # _softmax_reparameterization: softmax B over M axis (per gen), Pi over C axis (per gen)
    sm_B = jax.nn.softmax(B, axis=1)          # [C, M, G]
    sm_Pi = jax.nn.softmax(Pi, axis=0)        # [C, G]
    # B[:, x] -> [C, N, G]; permute(1,0,2) -> [N, C, G]
    B_nodes = jnp.transpose(jnp.take(sm_B, x, axis=1), (1, 0, 2))  # [N, C, G]
    unnorm_posterior = sm_Pi[None, :, :] * B_nodes + 1e-08          # [N, C, G]
    # posterior computed but not returned by CGMM.forward (eval mode: no backward branch)
    posterior = unnorm_posterior / jnp.sum(unnorm_posterior, axis=1, keepdims=True)
    log_likelihood = jnp.log(jnp.sum(unnorm_posterior, axis=1))     # [N, G]
    # stack over layers dim=1 -> [N, 1, G]
    return log_likelihood[:, None, :]

if __name__ == "__main__":
    import jax
    _d = setup_inputs()
    print(jax.jit(kernel)(*tuple(_d.values())))

</pallas_src>

<mosaic_0001>
#map = affine_map<(d0, d1) -> (0, 0)>
#map1 = affine_map<(d0, d1) -> (0)>
module attributes {stable_mosaic.version = 14 : i64} {
  func.func @_gather_body(%arg0: i32, %arg1: i32, %arg2: memref<1024x128xf32, #tpu.memory_space<hbm>>, %arg3: memref<50000xi32, #tpu.memory_space<hbm>>, %arg4: memref<25000x128xf32, #tpu.memory_space<hbm>>, %arg5: memref<1568xi32, #tpu.memory_space<vmem>>, %arg6: memref<784xi32, #tpu.memory_space<vmem>>, %arg7: memref<784x128xf32, #tpu.memory_space<vmem>>, %arg8: memref<!tpu.dma_semaphore, #tpu.memory_space<semaphore_mem>>, %arg9: memref<!tpu.dma_semaphore, #tpu.memory_space<semaphore_mem>>) attributes {dimension_semantics = [#tpu.dimension_semantics<core_parallel>, #tpu.dimension_semantics<subcore_parallel>], iteration_bounds = array<i64: 2, 16>, scalar_prefetch = 0 : i64, scratch_operands = 5 : i64, tpu.core_type = #tpu.core_type<sc_vector_subcore>, window_params = [{transform_indices = #map}, {transform_indices = #map1}, {transform_indices = #map}]} {
    %mul3A = arith.constant 2 : i32
    %mul3A_0 = arith.muli %arg1, %mul3A : i32
    %add3A = arith.addi %mul3A_0, %arg0 : i32
    %eq3A = arith.constant 31 : i32
    %eq3A_1 = arith.cmpi eq, %add3A, %eq3A : i32
    %mul3A_2 = arith.constant 784 : i32
    %mul3A_3 = arith.muli %add3A, %mul3A_2 : i32
    %jit3A = arith.constant 24216 : i32
    %select_n3A = arith.select %eq3A_1, %jit3A, %mul3A_3 : i32
    %multiple_of3A = tpu.assume_multiple %select_n3A, 8 : i32
    %mul3A_4 = arith.constant 2 : i32
    %mul3A_5 = arith.muli %multiple_of3A, %mul3A_4 : i32
    %multiple_of3A_6 = tpu.assume_multiple %mul3A_5, 16 : i32
    "tpu.region"() ({
      %run_scoped3A = tpu.sem_alloc : memref<!tpu.dma_semaphore, #tpu.memory_space<semaphore_mem>>
      %dma_start3A_1691 = tpu.memref_slice %arg3[%multiple_of3A_6] : memref<50000xi32, #tpu.memory_space<hbm>> -> memref<1568xi32, #tpu.memory_space<hbm>>
      %dma_start3A_1692 = tpu.memref_slice %arg3[%multiple_of3A_6] : memref<50000xi32, #tpu.memory_space<hbm>> -> memref<1568xi32, #tpu.memory_space<hbm>>
      tpu.enqueue_dma source(%dma_start3A_1692 : memref<1568xi32, #tpu.memory_space<hbm>>) target(%arg5 : memref<1568xi32, #tpu.memory_space<vmem>>) target_semaphore(%run_scoped3A : memref<!tpu.dma_semaphore, #tpu.memory_space<semaphore_mem>>)
      %dma_wait3A_1693 = tpu.memref_slice %arg3[%multiple_of3A_6] : memref<50000xi32, #tpu.memory_space<hbm>> -> memref<1568xi32, #tpu.memory_space<hbm>>
      %dma_wait3A_1694 = tpu.memref_slice %arg3[%multiple_of3A_6] : memref<50000xi32, #tpu.memory_space<hbm>> -> memref<1568xi32, #tpu.memory_space<hbm>>
      tpu.wait_dma2 semaphore(%run_scoped3A : memref<!tpu.dma_semaphore, #tpu.memory_space<semaphore_mem>>) src(%dma_wait3A_1694 : memref<1568xi32, #tpu.memory_space<hbm>>) dst(%arg5 : memref<1568xi32, #tpu.memory_space<vmem>>)
      tpu.yield
    }) : () -> ()
    %iota3A = tpu.iota {dimensions = array<i32: 0>} : vector<16xi32>
    %mul3A_7 = arith.constant 2 : i32
    %mul3A_8 = vector.broadcast %mul3A_7 : i32 to vector<16xi32>
    %mul3A_9 = arith.muli %iota3A, %mul3A_8 : vector<16xi32>
    %jit3A_10 = arith.constant 16 : i32
    %eq3A_11 = arith.constant 0 : i32
    %eq3A_12 = arith.cmpi eq, %jit3A_10, %eq3A_11 : i32
    %jit3A_13 = arith.constant 1 : i32
    %select_n3A_14 = arith.select %eq3A_12, %jit3A_13, %jit3A_10 : i32
    %rem3A = vector.broadcast %select_n3A_14 : i32 to vector<16xi32>
    %rem3A_15 = arith.remsi %mul3A_9, %rem3A : vector<16xi32>
    %ne3A = arith.constant 0 : i32
    %ne3A_16 = vector.broadcast %ne3A : i32 to vector<16xi32>
    %ne3A_17 = arith.cmpi ne, %rem3A_15, %ne3A_16 : vector<16xi32>
    %lt3A = arith.constant 0 : i32
    %lt3A_18 = vector.broadcast %lt3A : i32 to vector<16xi32>
    %lt3A_19 = arith.cmpi slt, %rem3A_15, %lt3A_18 : vector<16xi32>
    %lt3A_20 = arith.constant 0 : i32
    %lt3A_21 = arith.cmpi slt, %select_n3A_14, %lt3A_20 : i32
    %ne3A_22 = vector.broadcast %lt3A_21 : i1 to vector<16xi1>
    %ne3A_23 = vector.broadcast %ne3A_22 : vector<16xi1> to vector<16xi1>
    %ne3A_24 = arith.xori %lt3A_19, %ne3A_23 : vector<16xi1>
    %and3A = arith.andi %ne3A_24, %ne3A_17 : vector<16xi1>
    %add3A_25 = vector.broadcast %select_n3A_14 : i32 to vector<16xi32>
    %add3A_26 = arith.addi %rem3A_15, %add3A_25 : vector<16xi32>
    %select_n3A_27 = arith.select %and3A, %add3A_26, %rem3A_15 : vector<16xi1>, vector<16xi32>
    %mul3A_28 = arith.constant 2 : i32
    %mul3A_29 = vector.broadcast %mul3A_28 : i32 to vector<16xi32>
    %mul3A_30 = arith.muli %iota3A, %mul3A_29 : vector<16xi32>
    %add3A_31 = arith.constant 1 : i32
    %add3A_32 = vector.broadcast %add3A_31 : i32 to vector<16xi32>
    %add3A_33 = arith.addi %mul3A_30, %add3A_32 : vector<16xi32>
    %jit3A_34 = arith.constant 16 : i32
    %eq3A_35 = arith.constant 0 : i32
    %eq3A_36 = arith.cmpi eq, %jit3A_34, %eq3A_35 : i32
    %jit3A_37 = arith.constant 1 : i32
    %select_n3A_38 = arith.select %eq3A_36, %jit3A_37, %jit3A_34 : i32
    %rem3A_39 = vector.broadcast %select_n3A_38 : i32 to vector<16xi32>
    %rem3A_40 = arith.remsi %add3A_33, %rem3A_39 : vector<16xi32>
    %ne3A_41 = arith.constant 0 : i32
    %ne3A_42 = vector.broadcast %ne3A_41 : i32 to vector<16xi32>
    %ne3A_43 = arith.cmpi ne, %rem3A_40, %ne3A_42 : vector<16xi32>
    %lt3A_44 = arith.constant 0 : i32
    %lt3A_45 = vector.broadcast %lt3A_44 : i32 to vector<16xi32>
    %lt3A_46 = arith.cmpi slt, %rem3A_40, %lt3A_45 : vector<16xi32>
    %lt3A_47 = arith.constant 0 : i32
    %lt3A_48 = arith.cmpi slt, %select_n3A_38, %lt3A_47 : i32
    %ne3A_49 = vector.broadcast %lt3A_48 : i1 to vector<16xi1>
    %ne3A_50 = vector.broadcast %ne3A_49 : vector<16xi1> to vector<16xi1>
    %ne3A_51 = arith.xori %lt3A_46, %ne3A_50 : vector<16xi1>
    %and3A_52 = arith.andi %ne3A_51, %ne3A_43 : vector<16xi1>
    %add3A_53 = vector.broadcast %select_n3A_38 : i32 to vector<16xi32>
    %add3A_54 = arith.addi %rem3A_40, %add3A_53 : vector<16xi32>
    %select_n3A_55 = arith.select %and3A_52, %add3A_54, %rem3A_40 : vector<16xi1>, vector<16xi32>
    %lt3A_56 = arith.constant 8 : i32
    %lt3A_57 = vector.broadcast %lt3A_56 : i32 to vector<16xi32>
    %lt3A_58 = arith.cmpi slt, %iota3A, %lt3A_57 : vector<16xi32>
    %get3A = arith.constant 0 : index
    %get3A_59 = tpu.vector_load %arg5[%get3A] {strides = array<i32>} : memref<1568xi32, #tpu.memory_space<vmem>>, vector<16xi32>,
    %get3A_60 = vector.shape_cast %get3A_59 : vector<16xi32> to vector<16xi32>
    %get3A_61 = arith.constant 16 : index
    %get3A_62 = tpu.vector_load %arg5[%get3A_61] {strides = array<i32>} : memref<1568xi32, #tpu.memory_space<vmem>>, vector<16xi32>,
    %get3A_63 = vector.shape_cast %get3A_62 : vector<16xi32> to vector<16xi32>
    %broadcast_in_dim3A = vector.shape_cast %select_n3A_27 : vector<16xi32> to vector<16x1xi32>
    %gather3A = vector.shape_cast %broadcast_in_dim3A : vector<16x1xi32> to vector<16xi32>
    %gather3A_64 = tpu.dynamic_gather %get3A_60[%gather3A] in [0] : vector<16xi32>, vector<16xi32> -> vector<16xi32>
    %broadcast_in_dim3A_65 = vector.shape_cast %select_n3A_27 : vector<16xi32> to vector<16x1xi32>
    %gather3A_66 = vector.shape_cast %broadcast_in_dim3A_65 : vector<16x1xi32> to vector<16xi32>
    %gather3A_67 = tpu.dynamic_gather %get3A_63[%gather3A_66] in [0] : vector<16xi32>, vector<16xi32> -> vector<16xi32>
    %select_n3A_68 = arith.select %lt3A_58, %gather3A_64, %gather3A_67 : vector<16xi1>, vector<16xi32>
    %broadcast_in_dim3A_69 = vector.shape_cast %select_n3A_55 : vector<16xi32> to vector<16x1xi32>
    %gather3A_70 = vector.shape_cast %broadcast_in_dim3A_69 : vector<16x1xi32> to vector<16xi32>
    %gather3A_71 = tpu.dynamic_gather %get3A_60[%gather3A_70] in [0] : vector<16xi32>, vector<16xi32> -> vector<16xi32>
    %broadcast_in_dim3A_72 = vector.shape_cast %select_n3A_55 : vector<16xi32> to vector<16x1xi32>
    %gather3A_73 = vector.shape_cast %broadcast_in_dim3A_72 : vector<16x1xi32> to vector<16xi32>
    %gather3A_74 = tpu.dynamic_gather %get3A_63[%gather3A_73] in [0] : vector<16xi32>, vector<16xi32> -> vector<16xi32>
    %select_n3A_75 = arith.select %lt3A_58, %gather3A_71, %gather3A_74 : vector<16xi1>, vector<16xi32>
    %mul3A_76 = arith.constant 32 : i32
    %mul3A_77 = vector.broadcast %mul3A_76 : i32 to vector<16xi32>
    %mul3A_78 = arith.muli %select_n3A_68, %mul3A_77 : vector<16xi32>
    %add3A_79 = arith.addi %mul3A_78, %select_n3A_75 : vector<16xi32>
    %swap3A = arith.constant 0 : index
    %swap3A_80 = tpu.vector_load %arg6[%swap3A] {strides = array<i32>} : memref<784xi32, #tpu.memory_space<vmem>>, vector<16xi32>,
    %swap3A_81 = vector.shape_cast %swap3A_80 : vector<16xi32> to vector<16xi32>
    %swap3A_82 = vector.shape_cast %add3A_79 : vector<16xi32> to vector<16xi32>
    tpu.vector_store %arg6[%swap3A], %swap3A_82 {strides = array<i32>} : memref<784xi32, #tpu.memory_space<vmem>>, vector<16xi32>,
    %get3A_83 = arith.constant 32 : index
    %get3A_84 = tpu.vector_load %arg5[%get3A_83] {strides = array<i32>} : memref<1568xi32, #tpu.memory_space<vmem>>, vector<16xi32>,
    %get3A_85 = vector.shape_cast %get3A_84 : vector<16xi32> to vector<16xi32>
    %get3A_86 = arith.constant 48 : index
    %get3A_87 = tpu.vector_load %arg5[%get3A_86] {strides = array<i32>} : memref<1568xi32, #tpu.memory_space<vmem>>, vector<16xi32>,
    %get3A_88 = vector.shape_cast %get3A_87 : vector<16xi32> to vector<16xi32>
    %broadcast_in_dim3A_89 = vector.shape_cast %select_n3A_27 : vector<16xi32> to vector<16x1xi32>
    %gather3A_90 = vector.shape_cast %broadcast_in_dim3A_89 : vector<16x1xi32> to vector<16xi32>
    %gather3A_91 = tpu.dynamic_gather %get3A_85[%gather3A_90] in [0] : vector<16xi32>, vector<16xi32> -> vector<16xi32>
    %broadcast_in_dim3A_92 = vector.shape_cast %select_n3A_27 : vector<16xi32> to vector<16x1xi32>
    %gather3A_93 = vector.shape_cast %broadcast_in_dim3A_92 : vector<16x1xi32> to vector<16xi32>
    %gather3A_94 = tpu.dynamic_gather %get3A_88[%gather3A_93] in [0] : vector<16xi32>, vector<16xi32> -> vector<16xi32>
    %select_n3A_95 = arith.select %lt3A_58, %gather3A_91, %gather3A_94 : vector<16xi1>, vector<16xi32>
    %broadcast_in_dim3A_96 = vector.shape_cast %select_n3A_55 : vector<16xi32> to vector<16x1xi32>
    %gather3A_97 = vector.shape_cast %broadcast_in_dim3A_96 : vector<16x1xi32> to vector<16xi32>
    %gather3A_98 = tpu.dynamic_gather %get3A_85[%gather3A_97] in [0] : vector<16xi32>, vector<16xi32> -> vector<16xi32>
    %broadcast_in_dim3A_99 = vector.shape_cast %select_n3A_55 : vector<16xi32> to vector<16x1xi32>
    %gather3A_100 = vector.shape_cast %broadcast_in_dim3A_99 : vector<16x1xi32> to vector<16xi32>
    %gather3A_101 = tpu.dynamic_gather %get3A_88[%gather3A_100] in [0] : vector<16xi32>, vector<16xi32> -> vector<16xi32>
    %select_n3A_102 = arith.select %lt3A_58, %gather3A_98, %gather3A_101 : vector<16xi1>, vector<16xi32>
    %mul3A_103 = arith.constant 32 : i32
    %mul3A_104 = vector.broadcast %mul3A_103 : i32 to vector<16xi32>
    %mul3A_105 = arith.muli %select_n3A_95, %mul3A_104 : vector<16xi32>
    %add3A_106 = arith.addi %mul3A_105, %select_n3A_102 : vector<16xi32>
    %swap3A_107 = arith.constant 16 : index
    %swap3A_108 = tpu.vector_load %arg6[%swap3A_107] {strides = array<i32>} : memref<784xi32, #tpu.memory_space<vmem>>, vector<16xi32>,
    %swap3A_109 = vector.shape_cast %swap3A_108 : vector<16xi32> to vector<16xi32>
    %swap3A_110 = vector.shape_cast %add3A_106 : vector<16xi32> to vector<16xi32>
    tpu.vector_store %arg6[%swap3A_107], %swap3A_110 {strides = array<i32>} : memref<784xi32, #tpu.memory_space<vmem>>, vector<16xi32>,
    %get3A_111 = arith.constant 64 : index
    %get3A_112 = tpu.vector_load %arg5[%get3A_111] {strides = array<i32>} : memref<1568xi32, #tpu.memory_space<vmem>>, vector<16xi32>,
    %get3A_113 = vector.shape_cast %get3A_112 : vector<16xi32> to vector<16xi32>
    %get3A_114 = arith.constant 80 : index
    %get3A_115 = tpu.vector_load %arg5[%get3A_114] {strides = array<i32>} : memref<1568xi32, #tpu.memory_space<vmem>>, vector<16xi32>,
    %get3A_116 = vector.shape_cast %get3A_115 : vector<16xi32> to vector<16xi32>
    %broadcast_in_dim3A_117 = vector.shape_cast %select_n3A_27 : vector<16xi32> to vector<16x1xi32>
    %gather3A_118 = vector.shape_cast %broadcast_in_dim3A_117 : vector<16x1xi32> to vector<16xi32>
    %gather3A_119 = tpu.dynamic_gather %get3A_113[%gather3A_118] in [0] : vector<16xi32>, vector<16xi32> -> vector<16xi32>
    %broadcast_in_dim3A_120 = vector.shape_cast %select_n3A_27 : vector<16xi32> to vector<16x1xi32>
    %gather3A_121 = vector.shape_cast %broadcast_in_dim3A_120 : vector<16x1xi32> to vector<16xi32>
    %gather3A_122 = tpu.dynamic_gather %get3A_116[%gather3A_121] in [0] : vector<16xi32>, vector<16xi32> -> vector<16xi32>
    %select_n3A_123 = arith.select %lt3A_58, %gather3A_119, %gather3A_122 : vector<16xi1>, vector<16xi32>
    %broadcast_in_dim3A_124 = vector.shape_cast %select_n3A_55 : vector<16xi32> to vector<16x1xi32>
    %gather3A_125 = vector.shape_cast %broadcast_in_dim3A_124 : vector<16x1xi32> to vector<16xi32>
    %gather3A_126 = tpu.dynamic_gather %get3A_113[%gather3A_125] in [0] : vector<16xi32>, vector<16xi32> -> vector<16xi32>
    %broadcast_in_dim3A_127 = vector.shape_cast %select_n3A_55 : vector<16xi32> to vector<16x1xi32>
    %gather3A_128 = vector.shape_cast %broadcast_in_dim3A_127 : vector<16x1xi32> to vector<16xi32>
    %gather3A_129 = tpu.dynamic_gather %get3A_116[%gather3A_128] in [0] : vector<16xi32>, vector<16xi32> -> vector<16xi32>
    %select_n3A_130 = arith.select %lt3A_58, %gather3A_126, %gather3A_129 : vector<16xi1>, vector<16xi32>
    %mul3A_131 = arith.constant 32 : i32
    %mul3A_132 = vector.broadcast %mul3A_131 : i32 to vector<16xi32>
    %mul3A_133 = arith.muli %select_n3A_123, %mul3A_132 : vector<16xi32>
    %add3A_134 = arith.addi %mul3A_133, %select_n3A_130 : vector<16xi32>
    %swap3A_135 = arith.constant 32 : index
    %swap3A_136 = tpu.vector_load %arg6[%swap3A_135] {strides = array<i32>} : memref<784xi32, #tpu.memory_space<vmem>>, vector<16xi32>,
    %swap3A_137 = vector.shape_cast %swap3A_136 : vector<16xi32> to vector<16xi32>
    %swap3A_138 = vector.shape_cast %add3A_134 : vector<16xi32> to vector<16xi32>
    tpu.vector_store %arg6[%swap3A_135], %swap3A_138 {strides = array<i32>} : memref<784xi32, #tpu.memory_space<vmem>>, vector<16xi32>,
    %get3A_139 = arith.constant 96 : index
    %get3A_140 = tpu.vector_load %arg5[%get3A_139] {strides = array<i32>} : memref<1568xi32, #tpu.memory_space<vmem>>, vector<16xi32>,
    %get3A_141 = vector.shape_cast %get3A_140 : vector<16xi32> to vector<16xi32>
    %get3A_142 = arith.constant 112 : index
    %get3A_143 = tpu.vector_load %arg5[%get3A_142] {strides = array<i32>} : memref<1568xi32, #tpu.memory_space<vmem>>, vector<16xi32>,
    %get3A_144 = vector.shape_cast %get3A_143 : vector<16xi32> to vector<16xi32>
    %broadcast_in_dim3A_145 = vector.shape_cast %select_n3A_27 : vector<16xi32> to vector<16x1xi32>
    %gather3A_146 = vector.shape_cast %broadcast_in_dim3A_145 : vector<16x1xi32> to vector<16xi32>
    %gather3A_147 = tpu.dynamic_gather %get3A_141[%gather3A_146] in [0] : vector<16xi32>, vector<16xi32> -> vector<16xi32>
    %broadcast_in_dim3A_148 = vector.shape_cast %select_n3A_27 : vector<16xi32> to vector<16x1xi32>
    %gather3A_149 = vector.shape_cast %broadcast_in_dim3A_148 : vector<16x1xi32> to vector<16xi32>
    %gather3A_150 = tpu.dynamic_gather %get3A_144[%gather3A_149] in [0] : vector<16xi32>, vector<16xi32> -> vector<16xi32>
    %select_n3A_151 = arith.select %lt3A_58, %gather3A_147, %gather3A_150 : vector<16xi1>, vector<16xi32>
    %broadcast_in_dim3A_152 = vector.shape_cast %select_n3A_55 : vector<16xi32> to vector<16x1xi32>
    %gather3A_153 = vector.shape_cast %broadcast_in_dim3A_152 : vector<16x1xi32> to vector<16xi32>
    %gather3A_154 = tpu.dynamic_gather %get3A_141[%gather3A_153] in [0] : vector<16xi32>, vector<16xi32> -> vector<16xi32>
    %broadcast_in_dim3A_155 = vector.shape_cast %select_n3A_55 : vector<16xi32> to vector<16x1xi32>
    %gather3A_156 = vector.shape_cast %broadcast_in_dim3A_155 : vector<16x1xi32> to vector<16xi32>
    %gather3A_157 = tpu.dynamic_gather %get3A_144[%gather3A_156] in [0] : vector<16xi32>, vector<16xi32> -> vector<16xi32>
    %select_n3A_158 = arith.select %lt3A_58, %gather3A_154, %gather3A_157 : vector<16xi1>, vector<16xi32>
    %mul3A_159 = arith.constant 32 : i32
    %mul3A_160 = vector.broadcast %mul3A_159 : i32 to vector<16xi32>
    %mul3A_161 = arith.muli %select_n3A_151, %mul3A_160 : vector<16xi32>
    %add3A_162 = arith.addi %mul3A_161, %select_n3A_158 : vector<16xi32>
    %swap3A_163 = arith.constant 48 : index
    %swap3A_164 = tpu.vector_load %arg6[%swap3A_163] {strides = array<i32>} : memref<784xi32, #tpu.memory_space<vmem>>, vector<16xi32>,
    %swap3A_165 = vector.shape_cast %swap3A_164 : vector<16xi32> to vector<16xi32>
    %swap3A_166 = vector.shape_cast %add3A_162 : vector<16xi32> to vector<16xi32>
    tpu.vector_store %arg6[%swap3A_163], %swap3A_166 {strides = array<i32>} : memref<784xi32, #tpu.memory_space<vmem>>, vector<16xi32>,
    %get3A_167 = arith.constant 128 : index
    %get3A_168 = tpu.vector_load %arg5[%get3A_167] {strides = array<i32>} : memref<1568xi32, #tpu.memory_space<vmem>>, vector<16xi32>,
    %get3A_169 = vector.shape_cast %get3A_168 : vector<16xi32> to vector<16xi32>
    %get3A_170 = arith.constant 144 : index
    %get3A_171 = tpu.vector_load %arg5[%get3A_170] {strides = array<i32>} : memref<1568xi32, #tpu.memory_space<vmem>>, vector<16xi32>,
    %get3A_172 = vector.shape_cast %get3A_171 : vector<16xi32> to vector<16xi32>
    %broadcast_in_dim3A_173 = vector.shape_cast %select_n3A_27 : vector<16xi32> to vector<16x1xi32>
    %gather3A_174 = vector.shape_cast %broadcast_in_dim3A_173 : vector<16x1xi32> to vector<16xi32>
    %gather3A_175 = tpu.dynamic_gather %get3A_169[%gather3A_174] in [0] : vector<16xi32>, vector<16xi32> -> vector<16xi32>
    %broadcast_in_dim3A_176 = vector.shape_cast %select_n3A_27 : vector<16xi32> to vector<16x1xi32>
    %gather3A_177 = vector.shape_cast %broadcast_in_dim3A_176 : vector<16x1xi32> to vector<16xi32>
    %gather3A_178 = tpu.dynamic_gather %get3A_172[%gather3A_177] in [0] : vector<16xi32>, vector<16xi32> -> vector<16xi32>
    %select_n3A_179 = arith.select %lt3A_58, %gather3A_175, %gather3A_178 : vector<16xi1>, vector<16xi32>
    %broadcast_in_dim3A_180 = vector.shape_cast %select_n3A_55 : vector<16xi32> to vector<16x1xi32>
    %gather3A_181 = vector.shape_cast %broadcast_in_dim3A_180 : vector<16x1xi32> to vector<16xi32>
    %gather3A_182 = tpu.dynamic_gather %get3A_169[%gather3A_181] in [0] : vector<16xi32>, vector<16xi32> -> vector<16xi32>
    %broadcast_in_dim3A_183 = vector.shape_cast %select_n3A_55 : vector<16xi32> to vector<16x1xi32>
    %gather3A_184 = vector.shape_cast %broadcast_in_dim3A_183 : vector<16x1xi32> to vector<16xi32>
    %gather3A_185 = tpu.dynamic_gather %get3A_172[%gather3A_184] in [0] : vector<16xi32>, vector<16xi32> -> vector<16xi32>
    %select_n3A_186 = arith.select %lt3A_58, %gather3A_182, %gather3A_185 : vector<16xi1>, vector<16xi32>
    %mul3A_187 = arith.constant 32 : i32
    %mul3A_188 = vector.broadcast %mul3A_187 : i32 to vector<16xi32>
    %mul3A_189 = arith.muli %select_n3A_179, %mul3A_188 : vector<16xi32>
    %add3A_190 = arith.addi %mul3A_189, %select_n3A_186 : vector<16xi32>
    %swap3A_191 = arith.constant 64 : index
    %swap3A_192 = tpu.vector_load %arg6[%swap3A_191] {strides = array<i32>} : memref<784xi32, #tpu.memory_space<vmem>>, vector<16xi32>,
    %swap3A_193 = vector.shape_cast %swap3A_192 : vector<16xi32> to vector<16xi32>
    %swap3A_194 = vector.shape_cast %add3A_190 : vector<16xi32> to vector<16xi32>
    tpu.vector_store %arg6[%swap3A_191], %swap3A_194 {strides = array<i32>} : memref<784xi32, #tpu.memory_space<vmem>>, vector<16xi32>,
    %get3A_195 = arith.constant 160 : index
    %get3A_196 = tpu.vector_load %arg5[%get3A_195] {strides = array<i32>} : memref<1568xi32, #tpu.memory_space<vmem>>, vector<16xi32>,
    %get3A_197 = vector.shape_cast %get3A_196 : vector<16xi32> to vector<16xi32>
    %get3A_198 = arith.constant 176 : index
    %get3A_199 = tpu.vector_load %arg5[%get3A_198] {strides = array<i32>} : memref<1568xi32, #tpu.memory_space<vmem>>, vector<16xi32>,
    %get3A_200 = vector.shape_cast %get3A_199 : vector<16xi32> to vector<16xi32>
    %broadcast_in_dim3A_201 = vector.shape_cast %select_n3A_27 : vector<16xi32> to vector<16x1xi32>
    %gather3A_202 = vector.shape_cast %broadcast_in_dim3A_201 : vector<16x1xi32> to vector<16xi32>
    %gather3A_203 = tpu.dynamic_gather %get3A_197[%gather3A_202] in [0] : vector<16xi32>, vector<16xi32> -> vector<16xi32>
    %broadcast_in_dim3A_204 = vector.shape_cast %select_n3A_27 : vector<16xi32> to vector<16x1xi32>
    %gather3A_205 = vector.shape_cast %broadcast_in_dim3A_204 : vector<16x1xi32> to vector<16xi32>
    %gather3A_206 = tpu.dynamic_gather %get3A_200[%gather3A_205] in [0] : vector<16xi32>, vector<16xi32> -> vector<16xi32>
    %select_n3A_207 = arith.select %lt3A_58, %gather3A_203, %gather3A_206 : vector<16xi1>, vector<16xi32>
    %broadcast_in_dim3A_208 = vector.shape_cast %select_n3A_55 : vector<16xi32> to vector<16x1xi32>
    %gather3A_209 = vector.shape_cast %broadcast_in_dim3A_208 : vector<16x1xi32> to vector<16xi32>
    %gather3A_210 = tpu.dynamic_gather %get3A_197[%gather3A_209] in [0] : vector<16xi32>, vector<16xi32> -> vector<16xi32>
    %broadcast_in_dim3A_211 = vector.shape_cast %select_n3A_55 : vector<16xi32> to vector<16x1xi32>
    %gather3A_212 = vector.shape_cast %broadcast_in_dim3A_211 : vector<16x1xi32> to vector<16xi32>
    %gather3A_213 = tpu.dynamic_gather %get3A_200[%gather3A_212] in [0] : vector<16xi32>, vector<16xi32> -> vector<16xi32>
    %select_n3A_214 = arith.select %lt3A_58, %gather3A_210, %gather3A_213 : vector<16xi1>, vector<16xi32>
    %mul3A_215 = arith.constant 32 : i32
    %mul3A_216 = vector.broadcast %mul3A_215 : i32 to vector<16xi32>
    %mul3A_217 = arith.muli %select_n3A_207, %mul3A_216 : vector<16xi32>
    %add3A_218 = arith.addi %mul3A_217, %select_n3A_214 : vector<16xi32>
    %swap3A_219 = arith.constant 80 : index
    %swap3A_220 = tpu.vector_load %arg6[%swap3A_219] {strides = array<i32>} : memref<784xi32, #tpu.memory_space<vmem>>, vector<16xi32>,
    %swap3A_221 = vector.shape_cast %swap3A_220 : vector<16xi32> to vector<16xi32>
    %swap3A_222 = vector.shape_cast %add3A_218 : vector<16xi32> to vector<16xi32>
    tpu.vector_store %arg6[%swap3A_219], %swap3A_222 {strides = array<i32>} : memref<784xi32, #tpu.memory_space<vmem>>, vector<16xi32>,
    %get3A_223 = arith.constant 192 : index
    %get3A_224 = tpu.vector_load %arg5[%get3A_223] {strides = array<i32>} : memref<1568xi32, #tpu.memory_space<vmem>>, vector<16xi32>,
    %get3A_225 = vector.shape_cast %get3A_224 : vector<16xi32> to vector<16xi32>
    %get3A_226 = arith.constant 208 : index
    %get3A_227 = tpu.vector_load %arg5[%get3A_226] {strides = array<i32>} : memref<1568xi32, #tpu.memory_space<vmem>>, vector<16xi32>,
    %get3A_228 = vector.shape_cast %get3A_227 : vector<16xi32> to vector<16xi32>
    %broadcast_in_dim3A_229 = vector.shape_cast %select_n3A_27 : vector<16xi32> to vector<16x1xi32>
    %gather3A_230 = vector.shape_cast %broadcast_in_dim3A_229 : vector<16x1xi32> to vector<16xi32>
    %gather3A_231 = tpu.dynamic_gather %get3A_225[%gather3A_230] in [0] : vector<16xi32>, vector<16xi32> -> vector<16xi32>
    %broadcast_in_dim3A_232 = vector.shape_cast %select_n3A_27 : vector<16xi32> to vector<16x1xi32>
    %gather3A_233 = vector.shape_cast %broadcast_in_dim3A_232 : vector<16x1xi32> to vector<16xi32>
    %gather3A_234 = tpu.dynamic_gather %get3A_228[%gather3A_233] in [0] : vector<16xi32>, vector<16xi32> -> vector<16xi32>
    %select_n3A_235 = arith.select %lt3A_58, %gather3A_231, %gather3A_234 : vector<16xi1>, vector<16xi32>
    %broadcast_in_dim3A_236 = vector.shape_cast %select_n3A_55 : vector<16xi32> to vector<16x1xi32>
    %gather3A_237 = vector.shape_cast %broadcast_in_dim3A_236 : vector<16x1xi32> to vector<16xi32>
    %gather3A_238 = tpu.dynamic_gather %get3A_225[%gather3A_237] in [0] : vector<16xi32>, vector<16xi32> -> vector<16xi32>
    %broadcast_in_dim3A_239 = vector.shape_cast %select_n3A_55 : vector<16xi32> to vector<16x1xi32>
    %gather3A_240 = vector.shape_cast %broadcast_in_dim3A_239 : vector<16x1xi32> to vector<16xi32>
    %gather3A_241 = tpu.dynamic_gather %get3A_228[%gather3A_240] in [0] : vector<16xi32>, vector<16xi32> -> vector<16xi32>
    %select_n3A_242 = arith.select %lt3A_58, %gather3A_238, %gather3A_241 : vector<16xi1>, vector<16xi32>
    %mul3A_243 = arith.constant 32 : i32
    %mul3A_244 = vector.broadcast %mul3A_243 : i32 to vector<16xi32>
    %mul3A_245 = arith.muli %select_n3A_235, %mul3A_244 : vector<16xi32>
    %add3A_246 = arith.addi %mul3A_245, %select_n3A_242 : vector<16xi32>
    %swap3A_247 = arith.constant 96 : index
    %swap3A_248 = tpu.vector_load %arg6[%swap3A_247] {strides = array<i32>} : memref<784xi32, #tpu.memory_space<vmem>>, vector<16xi32>,
    %swap3A_249 = vector.shape_cast %swap3A_248 : vector<16xi32> to vector<16xi32>
    %swap3A_250 = vector.shape_cast %add3A_246 : vector<16xi32> to vector<16xi32>
    tpu.vector_store %arg6[%swap3A_247], %swap3A_250 {strides = array<i32>} : memref<784xi32, #tpu.memory_space<vmem>>, vector<16xi32>,
    %get3A_251 = arith.constant 224 : index
    %get3A_252 = tpu.vector_load %arg5[%get3A_251] {strides = array<i32>} : memref<1568xi32, #tpu.memory_space<vmem>>, vector<16xi32>,
    %get3A_253 = vector.shape_cast %get3A_252 : vector<16xi32> to vector<16xi32>
    %get3A_254 = arith.constant 240 : index
    %get3A_255 = tpu.vector_load %arg5[%get3A_254] {strides = array<i32>} : memref<1568xi32, #tpu.memory_space<vmem>>, vector<16xi32>,
    %get3A_256 = vector.shape_cast %get3A_255 : vector<16xi32> to vector<16xi32>
    %broadcast_in_dim3A_257 = vector.shape_cast %select_n3A_27 : vector<16xi32> to vector<16x1xi32>
    %gather3A_258 = vector.shape_cast %broadcast_in_dim3A_257 : vector<16x1xi32> to vector<16xi32>
    %gather3A_259 = tpu.dynamic_gather %get3A_253[%gather3A_258] in [0] : vector<16xi32>, vector<16xi32> -> vector<16xi32>
    %broadcast_in_dim3A_260 = vector.shape_cast %select_n3A_27 : vector<16xi32> to vector<16x1xi32>
    %gather3A_261 = vector.shape_cast %broadcast_in_dim3A_260 : vector<16x1xi32> to vector<16xi32>
    %gather3A_262 = tpu.dynamic_gather %get3A_256[%gather3A_261] in [0] : vector<16xi32>, vector<16xi32> -> vector<16xi32>
    %select_n3A_263 = arith.select %lt3A_58, %gather3A_259, %gather3A_262 : vector<16xi1>, vector<16xi32>
    %broadcast_in_dim3A_264 = vector.shape_cast %select_n3A_55 : vector<16xi32> to vector<16x1xi32>
    %gather3A_265 = vector.shape_cast %broadcast_in_dim3A_264 : vector<16x1xi32> to vector<16xi32>
    %gather3A_266 = tpu.dynamic_gather %get3A_253[%gather3A_265] in [0] : vector<16xi32>, vector<16xi32> -> vector<16xi32>
    %broadcast_in_dim3A_267 = vector.shape_cast %select_n3A_55 : vector<16xi32> to vector<16x1xi32>
    %gather3A_268 = vector.shape_cast %broadcast_in_dim3A_267 : vector<16x1xi32> to vector<16xi32>
    %gather3A_269 = tpu.dynamic_gather %get3A_256[%gather3A_268] in [0] : vector<16xi32>, vector<16xi32> -> vector<16xi32>
    %select_n3A_270 = arith.select %lt3A_58, %gather3A_266, %gather3A_269 : vector<16xi1>, vector<16xi32>
    %mul3A_271 = arith.constant 32 : i32
    %mul3A_272 = vector.broadcast %mul3A_271 : i32 to vector<16xi32>
    %mul3A_273 = arith.muli %select_n3A_263, %mul3A_272 : vector<16xi32>
    %add3A_274 = arith.addi %mul3A_273, %select_n3A_270 : vector<16xi32>
    %swap3A_275 = arith.constant 112 : index
    %swap3A_276 = tpu.vector_load %arg6[%swap3A_275] {strides = array<i32>} : memref<784xi32, #tpu.memory_space<vmem>>, vector<16xi32>,
    %swap3A_277 = vector.shape_cast %swap3A_276 : vector<16xi32> to vector<16xi32>
    %swap3A_278 = vector.shape_cast %add3A_274 : vector<16xi32> to vector<16xi32>
    tpu.vector_store %arg6[%swap3A_275], %swap3A_278 {strides = array<i32>} : memref<784xi32, #tpu.memory_space<vmem>>, vector<16xi32>,
    %dma_start3A = arith.constant 0 : i32
    %dma_start3A_279 = arith.constant 0 : i32
    %dma_start3A_280 = tpu.memref_slice %arg7[%dma_start3A, %dma_start3A_279] : memref<784x128xf32, #tpu.memory_space<vmem>> -> memref<128x128xf32, #tpu.memory_space<vmem>>
    %dma_start3A_281 = arith.constant 0 : i32
    %dma_start3A_282 = tpu.memref_slice %arg6[%dma_start3A_281] : memref<784xi32, #tpu.memory_space<vmem>> -> memref<128xi32, #tpu.memory_space<vmem>>
    %dma_start3A_283 = arith.constant 0 : i32
    %dma_start3A_284 = arith.constant 0 : i32
    %dma_start3A_285 = tpu.memref_slice %arg2[%dma_start3A_283, %dma_start3A_284] : memref<1024x128xf32, #tpu.memory_space<hbm>> -> memref<1024x128xf32, #tpu.memory_space<hbm>>
    tpu.enqueue_indirect_dma source(%dma_start3A_285 : memref<1024x128xf32, #tpu.memory_space<hbm>>) target(%dma_start3A_280 : memref<128x128xf32, #tpu.memory_space<vmem>>) offsets(%dma_start3A_282 : memref<128xi32, #tpu.memory_space<vmem>>) semaphore(%arg8 : memref<!tpu.dma_semaphore, #tpu.memory_space<semaphore_mem>>)
    %get3A_286 = arith.constant 256 : index
    %get3A_287 = tpu.vector_load %arg5[%get3A_286] {strides = array<i32>} : memref<1568xi32, #tpu.memory_space<vmem>>, vector<16xi32>,
    %get3A_288 = vector.shape_cast %get3A_287 : vector<16xi32> to vector<16xi32>
    %get3A_289 = arith.constant 272 : index
    %get3A_290 = tpu.vector_load %arg5[%get3A_289] {strides = array<i32>} : memref<1568xi32, #tpu.memory_space<vmem>>, vector<16xi32>,
    %get3A_291 = vector.shape_cast %get3A_290 : vector<16xi32> to vector<16xi32>
    %broadcast_in_dim3A_292 = vector.shape_cast %select_n3A_27 : vector<16xi32> to vector<16x1xi32>
    %gather3A_293 = vector.shape_cast %broadcast_in_dim3A_292 : vector<16x1xi32> to vector<16xi32>
    %gather3A_294 = tpu.dynamic_gather %get3A_288[%gather3A_293] in [0] : vector<16xi32>, vector<16xi32> -> vector<16xi32>
    %broadcast_in_dim3A_295 = vector.shape_cast %select_n3A_27 : vector<16xi32> to vector<16x1xi32>
    %gather3A_296 = vector.shape_cast %broadcast_in_dim3A_295 : vector<16x1xi32> to vector<16xi32>
    %gather3A_297 = tpu.dynamic_gather %get3A_291[%gather3A_296] in [0] : vector<16xi32>, vector<16xi32> -> vector<16xi32>
    %select_n3A_298 = arith.select %lt3A_58, %gather3A_294, %gather3A_297 : vector<16xi1>, vector<16xi32>
    %broadcast_in_dim3A_299 = vector.shape_cast %select_n3A_55 : vector<16xi32> to vector<16x1xi32>
    %gather3A_300 = vector.shape_cast %broadcast_in_dim3A_299 : vector<16x1xi32> to vector<16xi32>
    %gather3A_301 = tpu.dynamic_gather %get3A_288[%gather3A_300] in [0] : vector<16xi32>, vector<16xi32> -> vector<16xi32>
    %broadcast_in_dim3A_302 = vector.shape_cast %select_n3A_55 : vector<16xi32> to vector<16x1xi32>
    %gather3A_303 = vector.shape_cast %broadcast_in_dim3A_302 : vector<16x1xi32> to vector<16xi32>
    %gather3A_304 = tpu.dynamic_gather %get3A_291[%gather3A_303] in [0] : vector<16xi32>, vector<16xi32> -> vector<16xi32>
    %select_n3A_305 = arith.select %lt3A_58, %gather3A_301, %gather3A_304 : vector<16xi1>, vector<16xi32>
    %mul3A_306 = arith.constant 32 : i32
    %mul3A_307 = vector.broadcast %mul3A_306 : i32 to vector<16xi32>
    %mul3A_308 = arith.muli %select_n3A_298, %mul3A_307 : vector<16xi32>
    %add3A_309 = arith.addi %mul3A_308, %select_n3A_305 : vector<16xi32>
    %swap3A_310 = arith.constant 128 : index
    %swap3A_311 = tpu.vector_load %arg6[%swap3A_310] {strides = array<i32>} : memref<784xi32, #tpu.memory_space<vmem>>, vector<16xi32>,
    %swap3A_312 = vector.shape_cast %swap3A_311 : vector<16xi32> to vector<16xi32>
    %swap3A_313 = vector.shape_cast %add3A_309 : vector<16xi32> to vector<16xi32>
    tpu.vector_store %arg6[%swap3A_310], %swap3A_313 {strides = array<i32>} : memref<784xi32, #tpu.memory_space<vmem>>, vector<16xi32>,
    %get3A_314 = arith.constant 288 : index
    %get3A_315 = tpu.vector_load %arg5[%get3A_314] {strides = array<i32>} : memref<1568xi32, #tpu.memory_space<vmem>>, vector<16xi32>,
    %get3A_316 = vector.shape_cast %get3A_315 : vector<16xi32> to vector<16xi32>
    %get3A_317 = arith.constant 304 : index
    %get3A_318 = tpu.vector_load %arg5[%get3A_317] {strides = array<i32>} : memref<1568xi32, #tpu.memory_space<vmem>>, vector<16xi32>,
    %get3A_319 = vector.shape_cast %get3A_318 : vector<16xi32> to vector<16xi32>
    %broadcast_in_dim3A_320 = vector.shape_cast %select_n3A_27 : vector<16xi32> to vector<16x1xi32>
    %gather3A_321 = vector.shape_cast %broadcast_in_dim3A_320 : vector<16x1xi32> to vector<16xi32>
    %gather3A_322 = tpu.dynamic_gather %get3A_316[%gather3A_321] in [0] : vector<16xi32>, vector<16xi32> -> vector<16xi32>
    %broadcast_in_dim3A_323 = vector.shape_cast %select_n3A_27 : vector<16xi32> to vector<16x1xi32>
    %gather3A_324 = vector.shape_cast %broadcast_in_dim3A_323 : vector<16x1xi32> to vector<16xi32>
    %gather3A_325 = tpu.dynamic_gather %get3A_319[%gather3A_324] in [0] : vector<16xi32>, vector<16xi32> -> vector<16xi32>
    %select_n3A_326 = arith.select %lt3A_58, %gather3A_322, %gather3A_325 : vector<16xi1>, vector<16xi32>
    %broadcast_in_dim3A_327 = vector.shape_cast %select_n3A_55 : vector<16xi32> to vector<16x1xi32>
    %gather3A_328 = vector.shape_cast %broadcast_in_dim3A_327 : vector<16x1xi32> to vector<16xi32>
    %gather3A_329 = tpu.dynamic_gather %get3A_316[%gather3A_328] in [0] : vector<16xi32>, vector<16xi32> -> vector<16xi32>
    %broadcast_in_dim3A_330 = vector.shape_cast %select_n3A_55 : vector<16xi32> to vector<16x1xi32>
    %gather3A_331 = vector.shape_cast %broadcast_in_dim3A_330 : vector<16x1xi32> to vector<16xi32>
    %gather3A_332 = tpu.dynamic_gather %get3A_319[%gather3A_331] in [0] : vector<16xi32>, vector<16xi32> -> vector<16xi32>
    %select_n3A_333 = arith.select %lt3A_58, %gather3A_329, %gather3A_332 : vector<16xi1>, vector<16xi32>
    %mul3A_334 = arith.constant 32 : i32
    %mul3A_335 = vector.broadcast %mul3A_334 : i32 to vector<16xi32>
    %mul3A_336 = arith.muli %select_n3A_326, %mul3A_335 : vector<16xi32>
    %add3A_337 = arith.addi %mul3A_336, %select_n3A_333 : vector<16xi32>
    %swap3A_338 = arith.constant 144 : index
    %swap3A_339 = tpu.vector_load %arg6[%swap3A_338] {strides = array<i32>} : memref<784xi32, #tpu.memory_space<vmem>>, vector<16xi32>,
    %swap3A_340 = vector.shape_cast %swap3A_339 : vector<16xi32> to vector<16xi32>
    %swap3A_341 = vector.shape_cast %add3A_337 : vector<16xi32> to vector<16xi32>
    tpu.vector_store %arg6[%swap3A_338], %swap3A_341 {strides = array<i32>} : memref<784xi32, #tpu.memory_space<vmem>>, vector<16xi32>,
    %get3A_342 = arith.constant 320 : index
    %get3A_343 = tpu.vector_load %arg5[%get3A_342] {strides = array<i32>} : memref<1568xi32, #tpu.memory_space<vmem>>, vector<16xi32>,
    %get3A_344 = vector.shape_cast %get3A_343 : vector<16xi32> to vector<16xi32>
    %get3A_345 = arith.constant 336 : index
    %get3A_346 = tpu.vector_load %arg5[%get3A_345] {strides = array<i32>} : memref<1568xi32, #tpu.memory_space<vmem>>, vector<16xi32>,
    %get3A_347 = vector.shape_cast %get3A_346 : vector<16xi32> to vector<16xi32>
    %broadcast_in_dim3A_348 = vector.shape_cast %select_n3A_27 : vector<16xi32> to vector<16x1xi32>
    %gather3A_349 = vector.shape_cast %broadcast_in_dim3A_348 : vector<16x1xi32> to vector<16xi32>
    %gather3A_350 = tpu.dynamic_gather %get3A_344[%gather3A_349] in [0] : vector<16xi32>, vector<16xi32> -> vector<16xi32>
    %broadcast_in_dim3A_351 = vector.shape_cast %select_n3A_27 : vector<16xi32> to vector<16x1xi32>
    %gather3A_352 = vector.shape_cast %broadcast_in_dim3A_351 : vector<16x1xi32> to vector<16xi32>
    %gather3A_353 = tpu.dynamic_gather %get3A_347[%gather3A_352] in [0] : vector<16xi32>, vector<16xi32> -> vector<16xi32>
    %select_n3A_354 = arith.select %lt3A_58, %gather3A_350, %gather3A_353 : vector<16xi1>, vector<16xi32>
    %broadcast_in_dim3A_355 = vector.shape_cast %select_n3A_55 : vector<16xi32> to vector<16x1xi32>
    %gather3A_356 = vector.shape_cast %broadcast_in_dim3A_355 : vector<16x1xi32> to vector<16xi32>
    %gather3A_357 = tpu.dynamic_gather %get3A_344[%gather3A_356] in [0] : vector<16xi32>, vector<16xi32> -> vector<16xi32>
    %broadcast_in_dim3A_358 = vector.shape_cast %select_n3A_55 : vector<16xi32> to vector<16x1xi32>
    %gather3A_359 = vector.shape_cast %broadcast_in_dim3A_358 : vector<16x1xi32> to vector<16xi32>
    %gather3A_360 = tpu.dynamic_gather %get3A_347[%gather3A_359] in [0] : vector<16xi32>, vector<16xi32> -> vector<16xi32>
    %select_n3A_361 = arith.select %lt3A_58, %gather3A_357, %gather3A_360 : vector<16xi1>, vector<16xi32>
    %mul3A_362 = arith.constant 32 : i32
    %mul3A_363 = vector.broadcast %mul3A_362 : i32 to vector<16xi32>
    %mul3A_364 = arith.muli %select_n3A_354, %mul3A_363 : vector<16xi32>
    %add3A_365 = arith.addi %mul3A_364, %select_n3A_361 : vector<16xi32>
    %swap3A_366 = arith.constant 160 : index
    %swap3A_367 = tpu.vector_load %arg6[%swap3A_366] {strides = array<i32>} : memref<784xi32, #tpu.memory_space<vmem>>, vector<16xi32>,
    %swap3A_368 = vector.shape_cast %swap3A_367 : vector<16xi32> to vector<16xi32>
    %swap3A_369 = vector.shape_cast %add3A_365 : vector<16xi32> to vector<16xi32>
    tpu.vector_store %arg6[%swap3A_366], %swap3A_369 {strides = array<i32>} : memref<784xi32, #tpu.memory_space<vmem>>, vector<16xi32>,
    %get3A_370 = arith.constant 352 : index
    %get3A_371 = tpu.vector_load %arg5[%get3A_370] {strides = array<i32>} : memref<1568xi32, #tpu.memory_space<vmem>>, vector<16xi32>,
    %get3A_372 = vector.shape_cast %get3A_371 : vector<16xi32> to vector<16xi32>
    %get3A_373 = arith.constant 368 : index
    %get3A_374 = tpu.vector_load %arg5[%get3A_373] {strides = array<i32>} : memref<1568xi32, #tpu.memory_space<vmem>>, vector<16xi32>,
    %get3A_375 = vector.shape_cast %get3A_374 : vector<16xi32> to vector<16xi32>
    %broadcast_in_dim3A_376 = vector.shape_cast %select_n3A_27 : vector<16xi32> to vector<16x1xi32>
    %gather3A_377 = vector.shape_cast %broadcast_in_dim3A_376 : vector<16x1xi32> to vector<16xi32>
    %gather3A_378 = tpu.dynamic_gather %get3A_372[%gather3A_377] in [0] : vector<16xi32>, vector<16xi32> -> vector<16xi32>
    %broadcast_in_dim3A_379 = vector.shape_cast %select_n3A_27 : vector<16xi32> to vector<16x1xi32>
    %gather3A_380 = vector.shape_cast %broadcast_in_dim3A_379 : vector<16x1xi32> to vector<16xi32>
    %gather3A_381 = tpu.dynamic_gather %get3A_375[%gather3A_380] in [0] : vector<16xi32>, vector<16xi32> -> vector<16xi32>
    %select_n3A_382 = arith.select %lt3A_58, %gather3A_378, %gather3A_381 : vector<16xi1>, vector<16xi32>
    %broadcast_in_dim3A_383 = vector.shape_cast %select_n3A_55 : vector<16xi32> to vector<16x1xi32>
    %gather3A_384 = vector.shape_cast %broadcast_in_dim3A_383 : vector<16x1xi32> to vector<16xi32>
    %gather3A_385 = tpu.dynamic_gather %get3A_372[%gather3A_384] in [0] : vector<16xi32>, vector<16xi32> -> vector<16xi32>
    %broadcast_in_dim3A_386 = vector.shape_cast %select_n3A_55 : vector<16xi32> to vector<16x1xi32>
    %gather3A_387 = vector.shape_cast %broadcast_in_dim3A_386 : vector<16x1xi32> to vector<16xi32>
    %gather3A_388 = tpu.dynamic_gather %get3A_375[%gather3A_387] in [0] : vector<16xi32>, vector<16xi32> -> vector<16xi32>
    %select_n3A_389 = arith.select %lt3A_58, %gather3A_385, %gather3A_388 : vector<16xi1>, vector<16xi32>
    %mul3A_390 = arith.constant 32 : i32
    %mul3A_391 = vector.broadcast %mul3A_390 : i32 to vector<16xi32>
    %mul3A_392 = arith.muli %select_n3A_382, %mul3A_391 : vector<16xi32>
    %add3A_393 = arith.addi %mul3A_392, %select_n3A_389 : vector<16xi32>
    %swap3A_394 = arith.constant 176 : index
    %swap3A_395 = tpu.vector_load %arg6[%swap3A_394] {strides = array<i32>} : memref<784xi32, #tpu.memory_space<vmem>>, vector<16xi32>,
    %swap3A_396 = vector.shape_cast %swap3A_395 : vector<16xi32> to vector<16xi32>
    %swap3A_397 = vector.shape_cast %add3A_393 : vector<16xi32> to vector<16xi32>
    tpu.vector_store %arg6[%swap3A_394], %swap3A_397 {strides = array<i32>} : memref<784xi32, #tpu.memory_space<vmem>>, vector<16xi32>,
    %get3A_398 = arith.constant 384 : index
    %get3A_399 = tpu.vector_load %arg5[%get3A_398] {strides = array<i32>} : memref<1568xi32, #tpu.memory_space<vmem>>, vector<16xi32>,
    %get3A_400 = vector.shape_cast %get3A_399 : vector<16xi32> to vector<16xi32>
    %get3A_401 = arith.constant 400 : index
    %get3A_402 = tpu.vector_load %arg5[%get3A_401] {strides = array<i32>} : memref<1568xi32, #tpu.memory_space<vmem>>, vector<16xi32>,
    %get3A_403 = vector.shape_cast %get3A_402 : vector<16xi32> to vector<16xi32>
    %broadcast_in_dim3A_404 = vector.shape_cast %select_n3A_27 : vector<16xi32> to vector<16x1xi32>
    %gather3A_405 = vector.shape_cast %broadcast_in_dim3A_404 : vector<16x1xi32> to vector<16xi32>
    %gather3A_406 = tpu.dynamic_gather %get3A_400[%gather3A_405] in [0] : vector<16xi32>, vector<16xi32> -> vector<16xi32>
    %broadcast_in_dim3A_407 = vector.shape_cast %select_n3A_27 : vector<16xi32> to vector<16x1xi32>
    %gather3A_408 = vector.shape_cast %broadcast_in_dim3A_407 : vector<16x1xi32> to vector<16xi32>
    %gather3A_409 = tpu.dynamic_gather %get3A_403[%gather3A_408] in [0] : vector<16xi32>, vector<16xi32> -> vector<16xi32>
    %select_n3A_410 = arith.select %lt3A_58, %gather3A_406, %gather3A_409 : vector<16xi1>, vector<16xi32>
    %broadcast_in_dim3A_411 = vector.shape_cast %select_n3A_55 : vector<16xi32> to vector<16x1xi32>
    %gather3A_412 = vector.shape_cast %broadcast_in_dim3A_411 : vector<16x1xi32> to vector<16xi32>
    %gather3A_413 = tpu.dynamic_gather %get3A_400[%gather3A_412] in [0] : vector<16xi32>, vector<16xi32> -> vector<16xi32>
    %broadcast_in_dim3A_414 = vector.shape_cast %select_n3A_55 : vector<16xi32> to vector<16x1xi32>
    %gather3A_415 = vector.shape_cast %broadcast_in_dim3A_414 : vector<16x1xi32> to vector<16xi32>
    %gather3A_416 = tpu.dynamic_gather %get3A_403[%gather3A_415] in [0] : vector<16xi32>, vector<16xi32> -> vector<16xi32>
    %select_n3A_417 = arith.select %lt3A_58, %gather3A_413, %gather3A_416 : vector<16xi1>, vector<16xi32>
    %mul3A_418 = arith.constant 32 : i32
    %mul3A_419 = vector.broadcast %mul3A_418 : i32 to vector<16xi32>
    %mul3A_420 = arith.muli %select_n3A_410, %mul3A_419 : vector<16xi32>
    %add3A_421 = arith.addi %mul3A_420, %select_n3A_417 : vector<16xi32>
    %swap3A_422 = arith.constant 192 : index
    %swap3A_423 = tpu.vector_load %arg6[%swap3A_422] {strides = array<i32>} : memref<784xi32, #tpu.memory_space<vmem>>, vector<16xi32>,
    %swap3A_424 = vector.shape_cast %swap3A_423 : vector<16xi32> to vector<16xi32>
    %swap3A_425 = vector.shape_cast %add3A_421 : vector<16xi32> to vector<16xi32>
    tpu.vector_store %arg6[%swap3A_422], %swap3A_425 {strides = array<i32>} : memref<784xi32, #tpu.memory_space<vmem>>, vector<16xi32>,
    %get3A_426 = arith.constant 416 : index
    %get3A_427 = tpu.vector_load %arg5[%get3A_426] {strides = array<i32>} : memref<1568xi32, #tpu.memory_space<vmem>>, vector<16xi32>,
    %get3A_428 = vector.shape_cast %get3A_427 : vector<16xi32> to vector<16xi32>
    %get3A_429 = arith.constant 432 : index
    %get3A_430 = tpu.vector_load %arg5[%get3A_429] {strides = array<i32>} : memref<1568xi32, #tpu.memory_space<vmem>>, vector<16xi32>,
    %get3A_431 = vector.shape_cast %get3A_430 : vector<16xi32> to vector<16xi32>
    %broadcast_in_dim3A_432 = vector.shape_cast %select_n3A_27 : vector<16xi32> to vector<16x1xi32>
    %gather3A_433 = vector.shape_cast %broadcast_in_dim3A_432 : vector<16x1xi32> to vector<16xi32>
    %gather3A_434 = tpu.dynamic_gather %get3A_428[%gather3A_433] in [0] : vector<16xi32>, vector<16xi32> -> vector<16xi32>
    %broadcast_in_dim3A_435 = vector.shape_cast %select_n3A_27 : vector<16xi32> to vector<16x1xi32>
    %gather3A_436 = vector.shape_cast %broadcast_in_dim3A_435 : vector<16x1xi32> to vector<16xi32>
    %gather3A_437 = tpu.dynamic_gather %get3A_431[%gather3A_436] in [0] : vector<16xi32>, vector<16xi32> -> vector<16xi32>
    %select_n3A_438 = arith.select %lt3A_58, %gather3A_434, %gather3A_437 : vector<16xi1>, vector<16xi32>
    %broadcast_in_dim3A_439 = vector.shape_cast %select_n3A_55 : vector<16xi32> to vector<16x1xi32>
    %gather3A_440 = vector.shape_cast %broadcast_in_dim3A_439 : vector<16x1xi32> to vector<16xi32>
    %gather3A_441 = tpu.dynamic_gather %get3A_428[%gather3A_440] in [0] : vector<16xi32>, vector<16xi32> -> vector<16xi32>
    %broadcast_in_dim3A_442 = vector.shape_cast %select_n3A_55 : vector<16xi32> to vector<16x1xi32>
    %gather3A_443 = vector.shape_cast %broadcast_in_dim3A_442 : vector<16x1xi32> to vector<16xi32>
    %gather3A_444 = tpu.dynamic_gather %get3A_431[%gather3A_443] in [0] : vector<16xi32>, vector<16xi32> -> vector<16xi32>
    %select_n3A_445 = arith.select %lt3A_58, %gather3A_441, %gather3A_444 : vector<16xi1>, vector<16xi32>
    %mul3A_446 = arith.constant 32 : i32
    %mul3A_447 = vector.broadcast %mul3A_446 : i32 to vector<16xi32>
    %mul3A_448 = arith.muli %select_n3A_438, %mul3A_447 : vector<16xi32>
    %add3A_449 = arith.addi %mul3A_448, %select_n3A_445 : vector<16xi32>
    %swap3A_450 = arith.constant 208 : index
    %swap3A_451 = tpu.vector_load %arg6[%swap3A_450] {strides = array<i32>} : memref<784xi32, #tpu.memory_space<vmem>>, vector<16xi32>,
    %swap3A_452 = vector.shape_cast %swap3A_451 : vector<16xi32> to vector<16xi32>
    %swap3A_453 = vector.shape_cast %add3A_449 : vector<16xi32> to vector<16xi32>
    tpu.vector_store %arg6[%swap3A_450], %swap3A_453 {strides = array<i32>} : memref<784xi32, #tpu.memory_space<vmem>>, vector<16xi32>,
    %get3A_454 = arith.constant 448 : index
    %get3A_455 = tpu.vector_load %arg5[%get3A_454] {strides = array<i32>} : memref<1568xi32, #tpu.memory_space<vmem>>, vector<16xi32>,
    %get3A_456 = vector.shape_cast %get3A_455 : vector<16xi32> to vector<16xi32>
    %get3A_457 = arith.constant 464 : index
    %get3A_458 = tpu.vector_load %arg5[%get3A_457] {strides = array<i32>} : memref<1568xi32, #tpu.memory_space<vmem>>, vector<16xi32>,
    %get3A_459 = vector.shape_cast %get3A_458 : vector<16xi32> to vector<16xi32>
    %broadcast_in_dim3A_460 = vector.shape_cast %select_n3A_27 : vector<16xi32> to vector<16x1xi32>
    %gather3A_461 = vector.shape_cast %broadcast_in_dim3A_460 : vector<16x1xi32> to vector<16xi32>
    %gather3A_462 = tpu.dynamic_gather %get3A_456[%gather3A_461] in [0] : vector<16xi32>, vector<16xi32> -> vector<16xi32>
    %broadcast_in_dim3A_463 = vector.shape_cast %select_n3A_27 : vector<16xi32> to vector<16x1xi32>
    %gather3A_464 = vector.shape_cast %broadcast_in_dim3A_463 : vector<16x1xi32> to vector<16xi32>
    %gather3A_465 = tpu.dynamic_gather %get3A_459[%gather3A_464] in [0] : vector<16xi32>, vector<16xi32> -> vector<16xi32>
    %select_n3A_466 = arith.select %lt3A_58, %gather3A_462, %gather3A_465 : vector<16xi1>, vector<16xi32>
    %broadcast_in_dim3A_467 = vector.shape_cast %select_n3A_55 : vector<16xi32> to vector<16x1xi32>
    %gather3A_468 = vector.shape_cast %broadcast_in_dim3A_467 : vector<16x1xi32> to vector<16xi32>
    %gather3A_469 = tpu.dynamic_gather %get3A_456[%gather3A_468] in [0] : vector<16xi32>, vector<16xi32> -> vector<16xi32>
    %broadcast_in_dim3A_470 = vector.shape_cast %select_n3A_55 : vector<16xi32> to vector<16x1xi32>
    %gather3A_471 = vector.shape_cast %broadcast_in_dim3A_470 : vector<16x1xi32> to vector<16xi32>
    %gather3A_472 = tpu.dynamic_gather %get3A_459[%gather3A_471] in [0] : vector<16xi32>, vector<16xi32> -> vector<16xi32>
    %select_n3A_473 = arith.select %lt3A_58, %gather3A_469, %gather3A_472 : vector<16xi1>, vector<16xi32>
    %mul3A_474 = arith.constant 32 : i32
    %mul3A_475 = vector.broadcast %mul3A_474 : i32 to vector<16xi32>
    %mul3A_476 = arith.muli %select_n3A_466, %mul3A_475 : vector<16xi32>
    %add3A_477 = arith.addi %mul3A_476, %select_n3A_473 : vector<16xi32>
    %swap3A_478 = arith.constant 224 : index
    %swap3A_479 = tpu.vector_load %arg6[%swap3A_478] {strides = array<i32>} : memref<784xi32, #tpu.memory_space<vmem>>, vector<16xi32>,
    %swap3A_480 = vector.shape_cast %swap3A_479 : vector<16xi32> to vector<16xi32>
    %swap3A_481 = vector.shape_cast %add3A_477 : vector<16xi32> to vector<16xi32>
    tpu.vector_store %arg6[%swap3A_478], %swap3A_481 {strides = array<i32>} : memref<784xi32, #tpu.memory_space<vmem>>, vector<16xi32>,
    %get3A_482 = arith.constant 480 : index
    %get3A_483 = tpu.vector_load %arg5[%get3A_482] {strides = array<i32>} : memref<1568xi32, #tpu.memory_space<vmem>>, vector<16xi32>,
    %get3A_484 = vector.shape_cast %get3A_483 : vector<16xi32> to vector<16xi32>
    %get3A_485 = arith.constant 496 : index
    %get3A_486 = tpu.vector_load %arg5[%get3A_485] {strides = array<i32>} : memref<1568xi32, #tpu.memory_space<vmem>>, vector<16xi32>,
    %get3A_487 = vector.shape_cast %get3A_486 : vector<16xi32> to vector<16xi32>
    %broadcast_in_dim3A_488 = vector.shape_cast %select_n3A_27 : vector<16xi32> to vector<16x1xi32>
    %gather3A_489 = vector.shape_cast %broadcast_in_dim3A_488 : vector<16x1xi32> to vector<16xi32>
    %gather3A_490 = tpu.dynamic_gather %get3A_484[%gather3A_489] in [0] : vector<16xi32>, vector<16xi32> -> vector<16xi32>
    %broadcast_in_dim3A_491 = vector.shape_cast %select_n3A_27 : vector<16xi32> to vector<16x1xi32>
    %gather3A_492 = vector.shape_cast %broadcast_in_dim3A_491 : vector<16x1xi32> to vector<16xi32>
    %gather3A_493 = tpu.dynamic_gather %get3A_487[%gather3A_492] in [0] : vector<16xi32>, vector<16xi32> -> vector<16xi32>
    %select_n3A_494 = arith.select %lt3A_58, %gather3A_490, %gather3A_493 : vector<16xi1>, vector<16xi32>
    %broadcast_in_dim3A_495 = vector.shape_cast %select_n3A_55 : vector<16xi32> to vector<16x1xi32>
    %gather3A_496 = vector.shape_cast %broadcast_in_dim3A_495 : vector<16x1xi32> to vector<16xi32>
    %gather3A_497 = tpu.dynamic_gather %get3A_484[%gather3A_496] in [0] : vector<16xi32>, vector<16xi32> -> vector<16xi32>
    %broadcast_in_dim3A_498 = vector.shape_cast %select_n3A_55 : vector<16xi32> to vector<16x1xi32>
    %gather3A_499 = vector.shape_cast %broadcast_in_dim3A_498 : vector<16x1xi32> to vector<16xi32>
    %gather3A_500 = tpu.dynamic_gather %get3A_487[%gather3A_499] in [0] : vector<16xi32>, vector<16xi32> -> vector<16xi32>
    %select_n3A_501 = arith.select %lt3A_58, %gather3A_497, %gather3A_500 : vector<16xi1>, vector<16xi32>
    %mul3A_502 = arith.constant 32 : i32
    %mul3A_503 = vector.broadcast %mul3A_502 : i32 to vector<16xi32>
    %mul3A_504 = arith.muli %select_n3A_494, %mul3A_503 : vector<16xi32>
    %add3A_505 = arith.addi %mul3A_504, %select_n3A_501 : vector<16xi32>
    %swap3A_506 = arith.constant 240 : index
    %swap3A_507 = tpu.vector_load %arg6[%swap3A_506] {strides = array<i32>} : memref<784xi32, #tpu.memory_space<vmem>>, vector<16xi32>,
    %swap3A_508 = vector.shape_cast %swap3A_507 : vector<16xi32> to vector<16xi32>
    %swap3A_509 = vector.shape_cast %add3A_505 : vector<16xi32> to vector<16xi32>
    tpu.vector_store %arg6[%swap3A_506], %swap3A_509 {strides = array<i32>} : memref<784xi32, #tpu.memory_space<vmem>>, vector<16xi32>,
    %dma_start3A_510 = arith.constant 128 : i32
    %dma_start3A_511 = arith.constant 0 : i32
    %dma_start3A_512 = tpu.memref_slice %arg7[%dma_start3A_510, %dma_start3A_511] : memref<784x128xf32, #tpu.memory_space<vmem>> -> memref<128x128xf32, #tpu.memory_space<vmem>>
    %dma_start3A_513 = arith.constant 128 : i32
    %dma_start3A_514 = tpu.memref_slice %arg6[%dma_start3A_513] : memref<784xi32, #tpu.memory_space<vmem>> -> memref<128xi32, #tpu.memory_space<vmem>>
    %dma_start3A_515 = arith.constant 0 : i32
    %dma_start3A_516 = arith.constant 0 : i32
    %dma_start3A_517 = tpu.memref_slice %arg2[%dma_start3A_515, %dma_start3A_516] : memref<1024x128xf32, #tpu.memory_space<hbm>> -> memref<1024x128xf32, #tpu.memory_space<hbm>>
    tpu.enqueue_indirect_dma source(%dma_start3A_517 : memref<1024x128xf32, #tpu.memory_space<hbm>>) target(%dma_start3A_512 : memref<128x128xf32, #tpu.memory_space<vmem>>) offsets(%dma_start3A_514 : memref<128xi32, #tpu.memory_space<vmem>>) semaphore(%arg8 : memref<!tpu.dma_semaphore, #tpu.memory_space<semaphore_mem>>)
    %get3A_518 = arith.constant 512 : index
    %get3A_519 = tpu.vector_load %arg5[%get3A_518] {strides = array<i32>} : memref<1568xi32, #tpu.memory_space<vmem>>, vector<16xi32>,
    %get3A_520 = vector.shape_cast %get3A_519 : vector<16xi32> to vector<16xi32>
    %get3A_521 = arith.constant 528 : index
    %get3A_522 = tpu.vector_load %arg5[%get3A_521] {strides = array<i32>} : memref<1568xi32, #tpu.memory_space<vmem>>, vector<16xi32>,
    %get3A_523 = vector.shape_cast %get3A_522 : vector<16xi32> to vector<16xi32>
    %broadcast_in_dim3A_524 = vector.shape_cast %select_n3A_27 : vector<16xi32> to vector<16x1xi32>
    %gather3A_525 = vector.shape_cast %broadcast_in_dim3A_524 : vector<16x1xi32> to vector<16xi32>
    %gather3A_526 = tpu.dynamic_gather %get3A_520[%gather3A_525] in [0] : vector<16xi32>, vector<16xi32> -> vector<16xi32>
    %broadcast_in_dim3A_527 = vector.shape_cast %select_n3A_27 : vector<16xi32> to vector<16x1xi32>
    %gather3A_528 = vector.shape_cast %broadcast_in_dim3A_527 : vector<16x1xi32> to vector<16xi32>
    %gather3A_529 = tpu.dynamic_gather %get3A_523[%gather3A_528] in [0] : vector<16xi32>, vector<16xi32> -> vector<16xi32>
    %select_n3A_530 = arith.select %lt3A_58, %gather3A_526, %gather3A_529 : vector<16xi1>, vector<16xi32>
    %broadcast_in_dim3A_531 = vector.shape_cast %select_n3A_55 : vector<16xi32> to vector<16x1xi32>
    %gather3A_532 = vector.shape_cast %broadcast_in_dim3A_531 : vector<16x1xi32> to vector<16xi32>
    %gather3A_533 = tpu.dynamic_gather %get3A_520[%gather3A_532] in [0] : vector<16xi32>, vector<16xi32> -> vector<16xi32>
    %broadcast_in_dim3A_534 = vector.shape_cast %select_n3A_55 : vector<16xi32> to vector<16x1xi32>
    %gather3A_535 = vector.shape_cast %broadcast_in_dim3A_534 : vector<16x1xi32> to vector<16xi32>
    %gather3A_536 = tpu.dynamic_gather %get3A_523[%gather3A_535] in [0] : vector<16xi32>, vector<16xi32> -> vector<16xi32>
    %select_n3A_537 = arith.select %lt3A_58, %gather3A_533, %gather3A_536 : vector<16xi1>, vector<16xi32>
    %mul3A_538 = arith.constant 32 : i32
    %mul3A_539 = vector.broadcast %mul3A_538 : i32 to vector<16xi32>
    %mul3A_540 = arith.muli %select_n3A_530, %mul3A_539 : vector<16xi32>
    %add3A_541 = arith.addi %mul3A_540, %select_n3A_537 : vector<16xi32>
    %swap3A_542 = arith.constant 256 : index
    %swap3A_543 = tpu.vector_load %arg6[%swap3A_542] {strides = array<i32>} : memref<784xi32, #tpu.memory_space<vmem>>, vector<16xi32>,
    %swap3A_544 = vector.shape_cast %swap3A_543 : vector<16xi32> to vector<16xi32>
    %swap3A_545 = vector.shape_cast %add3A_541 : vector<16xi32> to vector<16xi32>
    tpu.vector_store %arg6[%swap3A_542], %swap3A_545 {strides = array<i32>} : memref<784xi32, #tpu.memory_space<vmem>>, vector<16xi32>,
    %get3A_546 = arith.constant 544 : index
    %get3A_547 = tpu.vector_load %arg5[%get3A_546] {strides = array<i32>} : memref<1568xi32, #tpu.memory_space<vmem>>, vector<16xi32>,
    %get3A_548 = vector.shape_cast %get3A_547 : vector<16xi32> to vector<16xi32>
    %get3A_549 = arith.constant 560 : index
    %get3A_550 = tpu.vector_load %arg5[%get3A_549] {strides = array<i32>} : memref<1568xi32, #tpu.memory_space<vmem>>, vector<16xi32>,
    %get3A_551 = vector.shape_cast %get3A_550 : vector<16xi32> to vector<16xi32>
    %broadcast_in_dim3A_552 = vector.shape_cast %select_n3A_27 : vector<16xi32> to vector<16x1xi32>
    %gather3A_553 = vector.shape_cast %broadcast_in_dim3A_552 : vector<16x1xi32> to vector<16xi32>
    %gather3A_554 = tpu.dynamic_gather %get3A_548[%gather3A_553] in [0] : vector<16xi32>, vector<16xi32> -> vector<16xi32>
    %broadcast_in_dim3A_555 = vector.shape_cast %select_n3A_27 : vector<16xi32> to vector<16x1xi32>
    %gather3A_556 = vector.shape_cast %broadcast_in_dim3A_555 : vector<16x1xi32> to vector<16xi32>
    %gather3A_557 = tpu.dynamic_gather %get3A_551[%gather3A_556] in [0] : vector<16xi32>, vector<16xi32> -> vector<16xi32>
    %select_n3A_558 = arith.select %lt3A_58, %gather3A_554, %gather3A_557 : vector<16xi1>, vector<16xi32>
    %broadcast_in_dim3A_559 = vector.shape_cast %select_n3A_55 : vector<16xi32> to vector<16x1xi32>
    %gather3A_560 = vector.shape_cast %broadcast_in_dim3A_559 : vector<16x1xi32> to vector<16xi32>
    %gather3A_561 = tpu.dynamic_gather %get3A_548[%gather3A_560] in [0] : vector<16xi32>, vector<16xi32> -> vector<16xi32>
    %broadcast_in_dim3A_562 = vector.shape_cast %select_n3A_55 : vector<16xi32> to vector<16x1xi32>
    %gather3A_563 = vector.shape_cast %broadcast_in_dim3A_562 : vector<16x1xi32> to vector<16xi32>
    %gather3A_564 = tpu.dynamic_gather %get3A_551[%gather3A_563] in [0] : vector<16xi32>, vector<16xi32> -> vector<16xi32>
    %select_n3A_565 = arith.select %lt3A_58, %gather3A_561, %gather3A_564 : vector<16xi1>, vector<16xi32>
    %mul3A_566 = arith.constant 32 : i32
    %mul3A_567 = vector.broadcast %mul3A_566 : i32 to vector<16xi32>
    %mul3A_568 = arith.muli %select_n3A_558, %mul3A_567 : vector<16xi32>
    %add3A_569 = arith.addi %mul3A_568, %select_n3A_565 : vector<16xi32>
    %swap3A_570 = arith.constant 272 : index
    %swap3A_571 = tpu.vector_load %arg6[%swap3A_570] {strides = array<i32>} : memref<784xi32, #tpu.memory_space<vmem>>, vector<16xi32>,
    %swap3A_572 = vector.shape_cast %swap3A_571 : vector<16xi32> to vector<16xi32>
    %swap3A_573 = vector.shape_cast %add3A_569 : vector<16xi32> to vector<16xi32>
    tpu.vector_store %arg6[%swap3A_570], %swap3A_573 {strides = array<i32>} : memref<784xi32, #tpu.memory_space<vmem>>, vector<16xi32>,
    %get3A_574 = arith.constant 576 : index
    %get3A_575 = tpu.vector_load %arg5[%get3A_574] {strides = array<i32>} : memref<1568xi32, #tpu.memory_space<vmem>>, vector<16xi32>,
    %get3A_576 = vector.shape_cast %get3A_575 : vector<16xi32> to vector<16xi32>
    %get3A_577 = arith.constant 592 : index
    %get3A_578 = tpu.vector_load %arg5[%get3A_577] {strides = array<i32>} : memref<1568xi32, #tpu.memory_space<vmem>>, vector<16xi32>,
    %get3A_579 = vector.shape_cast %get3A_578 : vector<16xi32> to vector<16xi32>
    %broadcast_in_dim3A_580 = vector.shape_cast %select_n3A_27 : vector<16xi32> to vector<16x1xi32>
    %gather3A_581 = vector.shape_cast %broadcast_in_dim3A_580 : vector<16x1xi32> to vector<16xi32>
    %gather3A_582 = tpu.dynamic_gather %get3A_576[%gather3A_581] in [0] : vector<16xi32>, vector<16xi32> -> vector<16xi32>
    %broadcast_in_dim3A_583 = vector.shape_cast %select_n3A_27 : vector<16xi32> to vector<16x1xi32>
    %gather3A_584 = vector.shape_cast %broadcast_in_dim3A_583 : vector<16x1xi32> to vector<16xi32>
    %gather3A_585 = tpu.dynamic_gather %get3A_579[%gather3A_584] in [0] : vector<16xi32>, vector<16xi32> -> vector<16xi32>
    %select_n3A_586 = arith.select %lt3A_58, %gather3A_582, %gather3A_585 : vector<16xi1>, vector<16xi32>
    %broadcast_in_dim3A_587 = vector.shape_cast %select_n3A_55 : vector<16xi32> to vector<16x1xi32>
    %gather3A_588 = vector.shape_cast %broadcast_in_dim3A_587 : vector<16x1xi32> to vector<16xi32>
    %gather3A_589 = tpu.dynamic_gather %get3A_576[%gather3A_588] in [0] : vector<16xi32>, vector<16xi32> -> vector<16xi32>
    %broadcast_in_dim3A_590 = vector.shape_cast %select_n3A_55 : vector<16xi32> to vector<16x1xi32>
    %gather3A_591 = vector.shape_cast %broadcast_in_dim3A_590 : vector<16x1xi32> to vector<16xi32>
    %gather3A_592 = tpu.dynamic_gather %get3A_579[%gather3A_591] in [0] : vector<16xi32>, vector<16xi32> -> vector<16xi32>
    %select_n3A_593 = arith.select %lt3A_58, %gather3A_589, %gather3A_592 : vector<16xi1>, vector<16xi32>
    %mul3A_594 = arith.constant 32 : i32
    %mul3A_595 = vector.broadcast %mul3A_594 : i32 to vector<16xi32>
    %mul3A_596 = arith.muli %select_n3A_586, %mul3A_595 : vector<16xi32>
    %add3A_597 = arith.addi %mul3A_596, %select_n3A_593 : vector<16xi32>
    %swap3A_598 = arith.constant 288 : index
    %swap3A_599 = tpu.vector_load %arg6[%swap3A_598] {strides = array<i32>} : memref<784xi32, #tpu.memory_space<vmem>>, vector<16xi32>,
    %swap3A_600 = vector.shape_cast %swap3A_599 : vector<16xi32> to vector<16xi32>
    %swap3A_601 = vector.shape_cast %add3A_597 : vector<16xi32> to vector<16xi32>
    tpu.vector_store %arg6[%swap3A_598], %swap3A_601 {strides = array<i32>} : memref<784xi32, #tpu.memory_space<vmem>>, vector<16xi32>,
    %get3A_602 = arith.constant 608 : index
    %get3A_603 = tpu.vector_load %arg5[%get3A_602] {strides = array<i32>} : memref<1568xi32, #tpu.memory_space<vmem>>, vector<16xi32>,
    %get3A_604 = vector.shape_cast %get3A_603 : vector<16xi32> to vector<16xi32>
    %get3A_605 = arith.constant 624 : index
    %get3A_606 = tpu.vector_load %arg5[%get3A_605] {strides = array<i32>} : memref<1568xi32, #tpu.memory_space<vmem>>, vector<16xi32>,
    %get3A_607 = vector.shape_cast %get3A_606 : vector<16xi32> to vector<16xi32>
    %broadcast_in_dim3A_608 = vector.shape_cast %select_n3A_27 : vector<16xi32> to vector<16x1xi32>
    %gather3A_609 = vector.shape_cast %broadcast_in_dim3A_608 : vector<16x1xi32> to vector<16xi32>
    %gather3A_610 = tpu.dynamic_gather %get3A_604[%gather3A_609] in [0] : vector<16xi32>, vector<16xi32> -> vector<16xi32>
    %broadcast_in_dim3A_611 = vector.shape_cast %select_n3A_27 : vector<16xi32> to vector<16x1xi32>
    %gather3A_612 = vector.shape_cast %broadcast_in_dim3A_611 : vector<16x1xi32> to vector<16xi32>
    %gather3A_613 = tpu.dynamic_gather %get3A_607[%gather3A_612] in [0] : vector<16xi32>, vector<16xi32> -> vector<16xi32>
    %select_n3A_614 = arith.select %lt3A_58, %gather3A_610, %gather3A_613 : vector<16xi1>, vector<16xi32>
    %broadcast_in_dim3A_615 = vector.shape_cast %select_n3A_55 : vector<16xi32> to vector<16x1xi32>
    %gather3A_616 = vector.shape_cast %broadcast_in_dim3A_615 : vector<16x1xi32> to vector<16xi32>
    %gather3A_617 = tpu.dynamic_gather %get3A_604[%gather3A_616] in [0] : vector<16xi32>, vector<16xi32> -> vector<16xi32>
    %broadcast_in_dim3A_618 = vector.shape_cast %select_n3A_55 : vector<16xi32> to vector<16x1xi32>
    %gather3A_619 = vector.shape_cast %broadcast_in_dim3A_618 : vector<16x1xi32> to vector<16xi32>
    %gather3A_620 = tpu.dynamic_gather %get3A_607[%gather3A_619] in [0] : vector<16xi32>, vector<16xi32> -> vector<16xi32>
    %select_n3A_621 = arith.select %lt3A_58, %gather3A_617, %gather3A_620 : vector<16xi1>, vector<16xi32>
    %mul3A_622 = arith.constant 32 : i32
    %mul3A_623 = vector.broadcast %mul3A_622 : i32 to vector<16xi32>
    %mul3A_624 = arith.muli %select_n3A_614, %mul3A_623 : vector<16xi32>
    %add3A_625 = arith.addi %mul3A_624, %select_n3A_621 : vector<16xi32>
    %swap3A_626 = arith.constant 304 : index
    %swap3A_627 = tpu.vector_load %arg6[%swap3A_626] {strides = array<i32>} : memref<784xi32, #tpu.memory_space<vmem>>, vector<16xi32>,
    %swap3A_628 = vector.shape_cast %swap3A_627 : vector<16xi32> to vector<16xi32>
    %swap3A_629 = vector.shape_cast %add3A_625 : vector<16xi32> to vector<16xi32>
    tpu.vector_store %arg6[%swap3A_626], %swap3A_629 {strides = array<i32>} : memref<784xi32, #tpu.memory_space<vmem>>, vector<16xi32>,
    %get3A_630 = arith.constant 640 : index
    %get3A_631 = tpu.vector_load %arg5[%get3A_630] {strides = array<i32>} : memref<1568xi32, #tpu.memory_space<vmem>>, vector<16xi32>,
    %get3A_632 = vector.shape_cast %get3A_631 : vector<16xi32> to vector<16xi32>
    %get3A_633 = arith.constant 656 : index
    %get3A_634 = tpu.vector_load %arg5[%get3A_633] {strides = array<i32>} : memref<1568xi32, #tpu.memory_space<vmem>>, vector<16xi32>,
    %get3A_635 = vector.shape_cast %get3A_634 : vector<16xi32> to vector<16xi32>
    %broadcast_in_dim3A_636 = vector.shape_cast %select_n3A_27 : vector<16xi32> to vector<16x1xi32>
    %gather3A_637 = vector.shape_cast %broadcast_in_dim3A_636 : vector<16x1xi32> to vector<16xi32>
    %gather3A_638 = tpu.dynamic_gather %get3A_632[%gather3A_637] in [0] : vector<16xi32>, vector<16xi32> -> vector<16xi32>
    %broadcast_in_dim3A_639 = vector.shape_cast %select_n3A_27 : vector<16xi32> to vector<16x1xi32>
    %gather3A_640 = vector.shape_cast %broadcast_in_dim3A_639 : vector<16x1xi32> to vector<16xi32>
    %gather3A_641 = tpu.dynamic_gather %get3A_635[%gather3A_640] in [0] : vector<16xi32>, vector<16xi32> -> vector<16xi32>
    %select_n3A_642 = arith.select %lt3A_58, %gather3A_638, %gather3A_641 : vector<16xi1>, vector<16xi32>
    %broadcast_in_dim3A_643 = vector.shape_cast %select_n3A_55 : vector<16xi32> to vector<16x1xi32>
    %gather3A_644 = vector.shape_cast %broadcast_in_dim3A_643 : vector<16x1xi32> to vector<16xi32>
    %gather3A_645 = tpu.dynamic_gather %get3A_632[%gather3A_644] in [0] : vector<16xi32>, vector<16xi32> -> vector<16xi32>
    %broadcast_in_dim3A_646 = vector.shape_cast %select_n3A_55 : vector<16xi32> to vector<16x1xi32>
    %gather3A_647 = vector.shape_cast %broadcast_in_dim3A_646 : vector<16x1xi32> to vector<16xi32>
    %gather3A_648 = tpu.dynamic_gather %get3A_635[%gather3A_647] in [0] : vector<16xi32>, vector<16xi32> -> vector<16xi32>
    %select_n3A_649 = arith.select %lt3A_58, %gather3A_645, %gather3A_648 : vector<16xi1>, vector<16xi32>
    %mul3A_650 = arith.constant 32 : i32
    %mul3A_651 = vector.broadcast %mul3A_650 : i32 to vector<16xi32>
    %mul3A_652 = arith.muli %select_n3A_642, %mul3A_651 : vector<16xi32>
    %add3A_653 = arith.addi %mul3A_652, %select_n3A_649 : vector<16xi32>
    %swap3A_654 = arith.constant 320 : index
    %swap3A_655 = tpu.vector_load %arg6[%swap3A_654] {strides = array<i32>} : memref<784xi32, #tpu.memory_space<vmem>>, vector<16xi32>,
    %swap3A_656 = vector.shape_cast %swap3A_655 : vector<16xi32> to vector<16xi32>
    %swap3A_657 = vector.shape_cast %add3A_653 : vector<16xi32> to vector<16xi32>
    tpu.vector_store %arg6[%swap3A_654], %swap3A_657 {strides = array<i32>} : memref<784xi32, #tpu.memory_space<vmem>>, vector<16xi32>,
    %get3A_658 = arith.constant 672 : index
    %get3A_659 = tpu.vector_load %arg5[%get3A_658] {strides = array<i32>} : memref<1568xi32, #tpu.memory_space<vmem>>, vector<16xi32>,
    %get3A_660 = vector.shape_cast %get3A_659 : vector<16xi32> to vector<16xi32>
    %get3A_661 = arith.constant 688 : index
    %get3A_662 = tpu.vector_load %arg5[%get3A_661] {strides = array<i32>} : memref<1568xi32, #tpu.memory_space<vmem>>, vector<16xi32>,
    %get3A_663 = vector.shape_cast %get3A_662 : vector<16xi32> to vector<16xi32>
    %broadcast_in_dim3A_664 = vector.shape_cast %select_n3A_27 : vector<16xi32> to vector<16x1xi32>
    %gather3A_665 = vector.shape_cast %broadcast_in_dim3A_664 : vector<16x1xi32> to vector<16xi32>
    %gather3A_666 = tpu.dynamic_gather %get3A_660[%gather3A_665] in [0] : vector<16xi32>, vector<16xi32> -> vector<16xi32>
    %broadcast_in_dim3A_667 = vector.shape_cast %select_n3A_27 : vector<16xi32> to vector<16x1xi32>
    %gather3A_668 = vector.shape_cast %broadcast_in_dim3A_667 : vector<16x1xi32> to vector<16xi32>
    %gather3A_669 = tpu.dynamic_gather %get3A_663[%gather3A_668] in [0] : vector<16xi32>, vector<16xi32> -> vector<16xi32>
    %select_n3A_670 = arith.select %lt3A_58, %gather3A_666, %gather3A_669 : vector<16xi1>, vector<16xi32>
    %broadcast_in_dim3A_671 = vector.shape_cast %select_n3A_55 : vector<16xi32> to vector<16x1xi32>
    %gather3A_672 = vector.shape_cast %broadcast_in_dim3A_671 : vector<16x1xi32> to vector<16xi32>
    %gather3A_673 = tpu.dynamic_gather %get3A_660[%gather3A_672] in [0] : vector<16xi32>, vector<16xi32> -> vector<16xi32>
    %broadcast_in_dim3A_674 = vector.shape_cast %select_n3A_55 : vector<16xi32> to vector<16x1xi32>
    %gather3A_675 = vector.shape_cast %broadcast_in_dim3A_674 : vector<16x1xi32> to vector<16xi32>
    %gather3A_676 = tpu.dynamic_gather %get3A_663[%gather3A_675] in [0] : vector<16xi32>, vector<16xi32> -> vector<16xi32>
    %select_n3A_677 = arith.select %lt3A_58, %gather3A_673, %gather3A_676 : vector<16xi1>, vector<16xi32>
    %mul3A_678 = arith.constant 32 : i32
    %mul3A_679 = vector.broadcast %mul3A_678 : i32 to vector<16xi32>
    %mul3A_680 = arith.muli %select_n3A_670, %mul3A_679 : vector<16xi32>
    %add3A_681 = arith.addi %mul3A_680, %select_n3A_677 : vector<16xi32>
    %swap3A_682 = arith.constant 336 : index
    %swap3A_683 = tpu.vector_load %arg6[%swap3A_682] {strides = array<i32>} : memref<784xi32, #tpu.memory_space<vmem>>, vector<16xi32>,
    %swap3A_684 = vector.shape_cast %swap3A_683 : vector<16xi32> to vector<16xi32>
    %swap3A_685 = vector.shape_cast %add3A_681 : vector<16xi32> to vector<16xi32>
    tpu.vector_store %arg6[%swap3A_682], %swap3A_685 {strides = array<i32>} : memref<784xi32, #tpu.memory_space<vmem>>, vector<16xi32>,
    %get3A_686 = arith.constant 704 : index
    %get3A_687 = tpu.vector_load %arg5[%get3A_686] {strides = array<i32>} : memref<1568xi32, #tpu.memory_space<vmem>>, vector<16xi32>,
    %get3A_688 = vector.shape_cast %get3A_687 : vector<16xi32> to vector<16xi32>
    %get3A_689 = arith.constant 720 : index
    %get3A_690 = tpu.vector_load %arg5[%get3A_689] {strides = array<i32>} : memref<1568xi32, #tpu.memory_space<vmem>>, vector<16xi32>,
    %get3A_691 = vector.shape_cast %get3A_690 : vector<16xi32> to vector<16xi32>
    %broadcast_in_dim3A_692 = vector.shape_cast %select_n3A_27 : vector<16xi32> to vector<16x1xi32>
    %gather3A_693 = vector.shape_cast %broadcast_in_dim3A_692 : vector<16x1xi32> to vector<16xi32>
    %gather3A_694 = tpu.dynamic_gather %get3A_688[%gather3A_693] in [0] : vector<16xi32>, vector<16xi32> -> vector<16xi32>
    %broadcast_in_dim3A_695 = vector.shape_cast %select_n3A_27 : vector<16xi32> to vector<16x1xi32>
    %gather3A_696 = vector.shape_cast %broadcast_in_dim3A_695 : vector<16x1xi32> to vector<16xi32>
    %gather3A_697 = tpu.dynamic_gather %get3A_691[%gather3A_696] in [0] : vector<16xi32>, vector<16xi32> -> vector<16xi32>
    %select_n3A_698 = arith.select %lt3A_58, %gather3A_694, %gather3A_697 : vector<16xi1>, vector<16xi32>
    %broadcast_in_dim3A_699 = vector.shape_cast %select_n3A_55 : vector<16xi32> to vector<16x1xi32>
    %gather3A_700 = vector.shape_cast %broadcast_in_dim3A_699 : vector<16x1xi32> to vector<16xi32>
    %gather3A_701 = tpu.dynamic_gather %get3A_688[%gather3A_700] in [0] : vector<16xi32>, vector<16xi32> -> vector<16xi32>
    %broadcast_in_dim3A_702 = vector.shape_cast %select_n3A_55 : vector<16xi32> to vector<16x1xi32>
    %gather3A_703 = vector.shape_cast %broadcast_in_dim3A_702 : vector<16x1xi32> to vector<16xi32>
    %gather3A_704 = tpu.dynamic_gather %get3A_691[%gather3A_703] in [0] : vector<16xi32>, vector<16xi32> -> vector<16xi32>
    %select_n3A_705 = arith.select %lt3A_58, %gather3A_701, %gather3A_704 : vector<16xi1>, vector<16xi32>
    %mul3A_706 = arith.constant 32 : i32
    %mul3A_707 = vector.broadcast %mul3A_706 : i32 to vector<16xi32>
    %mul3A_708 = arith.muli %select_n3A_698, %mul3A_707 : vector<16xi32>
    %add3A_709 = arith.addi %mul3A_708, %select_n3A_705 : vector<16xi32>
    %swap3A_710 = arith.constant 352 : index
    %swap3A_711 = tpu.vector_load %arg6[%swap3A_710] {strides = array<i32>} : memref<784xi32, #tpu.memory_space<vmem>>, vector<16xi32>,
    %swap3A_712 = vector.shape_cast %swap3A_711 : vector<16xi32> to vector<16xi32>
    %swap3A_713 = vector.shape_cast %add3A_709 : vector<16xi32> to vector<16xi32>
    tpu.vector_store %arg6[%swap3A_710], %swap3A_713 {strides = array<i32>} : memref<784xi32, #tpu.memory_space<vmem>>, vector<16xi32>,
    %get3A_714 = arith.constant 736 : index
    %get3A_715 = tpu.vector_load %arg5[%get3A_714] {strides = array<i32>} : memref<1568xi32, #tpu.memory_space<vmem>>, vector<16xi32>,
    %get3A_716 = vector.shape_cast %get3A_715 : vector<16xi32> to vector<16xi32>
    %get3A_717 = arith.constant 752 : index
    %get3A_718 = tpu.vector_load %arg5[%get3A_717] {strides = array<i32>} : memref<1568xi32, #tpu.memory_space<vmem>>, vector<16xi32>,
    %get3A_719 = vector.shape_cast %get3A_718 : vector<16xi32> to vector<16xi32>
    %broadcast_in_dim3A_720 = vector.shape_cast %select_n3A_27 : vector<16xi32> to vector<16x1xi32>
    %gather3A_721 = vector.shape_cast %broadcast_in_dim3A_720 : vector<16x1xi32> to vector<16xi32>
    %gather3A_722 = tpu.dynamic_gather %get3A_716[%gather3A_721] in [0] : vector<16xi32>, vector<16xi32> -> vector<16xi32>
    %broadcast_in_dim3A_723 = vector.shape_cast %select_n3A_27 : vector<16xi32> to vector<16x1xi32>
    %gather3A_724 = vector.shape_cast %broadcast_in_dim3A_723 : vector<16x1xi32> to vector<16xi32>
    %gather3A_725 = tpu.dynamic_gather %get3A_719[%gather3A_724] in [0] : vector<16xi32>, vector<16xi32> -> vector<16xi32>
    %select_n3A_726 = arith.select %lt3A_58, %gather3A_722, %gather3A_725 : vector<16xi1>, vector<16xi32>
    %broadcast_in_dim3A_727 = vector.shape_cast %select_n3A_55 : vector<16xi32> to vector<16x1xi32>
    %gather3A_728 = vector.shape_cast %broadcast_in_dim3A_727 : vector<16x1xi32> to vector<16xi32>
    %gather3A_729 = tpu.dynamic_gather %get3A_716[%gather3A_728] in [0] : vector<16xi32>, vector<16xi32> -> vector<16xi32>
    %broadcast_in_dim3A_730 = vector.shape_cast %select_n3A_55 : vector<16xi32> to vector<16x1xi32>
    %gather3A_731 = vector.shape_cast %broadcast_in_dim3A_730 : vector<16x1xi32> to vector<16xi32>
    %gather3A_732 = tpu.dynamic_gather %get3A_719[%gather3A_731] in [0] : vector<16xi32>, vector<16xi32> -> vector<16xi32>
    %select_n3A_733 = arith.select %lt3A_58, %gather3A_729, %gather3A_732 : vector<16xi1>, vector<16xi32>
    %mul3A_734 = arith.constant 32 : i32
    %mul3A_735 = vector.broadcast %mul3A_734 : i32 to vector<16xi32>
    %mul3A_736 = arith.muli %select_n3A_726, %mul3A_735 : vector<16xi32>
    %add3A_737 = arith.addi %mul3A_736, %select_n3A_733 : vector<16xi32>
    %swap3A_738 = arith.constant 368 : index
    %swap3A_739 = tpu.vector_load %arg6[%swap3A_738] {strides = array<i32>} : memref<784xi32, #tpu.memory_space<vmem>>, vector<16xi32>,
    %swap3A_740 = vector.shape_cast %swap3A_739 : vector<16xi32> to vector<16xi32>
    %swap3A_741 = vector.shape_cast %add3A_737 : vector<16xi32> to vector<16xi32>
    tpu.vector_store %arg6[%swap3A_738], %swap3A_741 {strides = array<i32>} : memref<784xi32, #tpu.memory_space<vmem>>, vector<16xi32>,
    %dma_start3A_742 = arith.constant 256 : i32
    %dma_start3A_743 = arith.constant 0 : i32
    %dma_start3A_744 = tpu.memref_slice %arg7[%dma_start3A_742, %dma_start3A_743] : memref<784x128xf32, #tpu.memory_space<vmem>> -> memref<128x128xf32, #tpu.memory_space<vmem>>
    %dma_start3A_745 = arith.constant 256 : i32
    %dma_start3A_746 = tpu.memref_slice %arg6[%dma_start3A_745] : memref<784xi32, #tpu.memory_space<vmem>> -> memref<128xi32, #tpu.memory_space<vmem>>
    %dma_start3A_747 = arith.constant 0 : i32
    %dma_start3A_748 = arith.constant 0 : i32
    %dma_start3A_749 = tpu.memref_slice %arg2[%dma_start3A_747, %dma_start3A_748] : memref<1024x128xf32, #tpu.memory_space<hbm>> -> memref<1024x128xf32, #tpu.memory_space<hbm>>
    tpu.enqueue_indirect_dma source(%dma_start3A_749 : memref<1024x128xf32, #tpu.memory_space<hbm>>) target(%dma_start3A_744 : memref<128x128xf32, #tpu.memory_space<vmem>>) offsets(%dma_start3A_746 : memref<128xi32, #tpu.memory_space<vmem>>) semaphore(%arg8 : memref<!tpu.dma_semaphore, #tpu.memory_space<semaphore_mem>>)
    %get3A_750 = arith.constant 768 : index
    %get3A_751 = tpu.vector_load %arg5[%get3A_750] {strides = array<i32>} : memref<1568xi32, #tpu.memory_space<vmem>>, vector<16xi32>,
    %get3A_752 = vector.shape_cast %get3A_751 : vector<16xi32> to vector<16xi32>
    %get3A_753 = arith.constant 784 : index
    %get3A_754 = tpu.vector_load %arg5[%get3A_753] {strides = array<i32>} : memref<1568xi32, #tpu.memory_space<vmem>>, vector<16xi32>,
    %get3A_755 = vector.shape_cast %get3A_754 : vector<16xi32> to vector<16xi32>
    %broadcast_in_dim3A_756 = vector.shape_cast %select_n3A_27 : vector<16xi32> to vector<16x1xi32>
    %gather3A_757 = vector.shape_cast %broadcast_in_dim3A_756 : vector<16x1xi32> to vector<16xi32>
    %gather3A_758 = tpu.dynamic_gather %get3A_752[%gather3A_757] in [0] : vector<16xi32>, vector<16xi32> -> vector<16xi32>
    %broadcast_in_dim3A_759 = vector.shape_cast %select_n3A_27 : vector<16xi32> to vector<16x1xi32>
    %gather3A_760 = vector.shape_cast %broadcast_in_dim3A_759 : vector<16x1xi32> to vector<16xi32>
    %gather3A_761 = tpu.dynamic_gather %get3A_755[%gather3A_760] in [0] : vector<16xi32>, vector<16xi32> -> vector<16xi32>
    %select_n3A_762 = arith.select %lt3A_58, %gather3A_758, %gather3A_761 : vector<16xi1>, vector<16xi32>
    %broadcast_in_dim3A_763 = vector.shape_cast %select_n3A_55 : vector<16xi32> to vector<16x1xi32>
    %gather3A_764 = vector.shape_cast %broadcast_in_dim3A_763 : vector<16x1xi32> to vector<16xi32>
    %gather3A_765 = tpu.dynamic_gather %get3A_752[%gather3A_764] in [0] : vector<16xi32>, vector<16xi32> -> vector<16xi32>
    %broadcast_in_dim3A_766 = vector.shape_cast %select_n3A_55 : vector<16xi32> to vector<16x1xi32>
    %gather3A_767 = vector.shape_cast %broadcast_in_dim3A_766 : vector<16x1xi32> to vector<16xi32>
    %gather3A_768 = tpu.dynamic_gather %get3A_755[%gather3A_767] in [0] : vector<16xi32>, vector<16xi32> -> vector<16xi32>
    %select_n3A_769 = arith.select %lt3A_58, %gather3A_765, %gather3A_768 : vector<16xi1>, vector<16xi32>
    %mul3A_770 = arith.constant 32 : i32
    %mul3A_771 = vector.broadcast %mul3A_770 : i32 to vector<16xi32>
    %mul3A_772 = arith.muli %select_n3A_762, %mul3A_771 : vector<16xi32>
    %add3A_773 = arith.addi %mul3A_772, %select_n3A_769 : vector<16xi32>
    %swap3A_774 = arith.constant 384 : index
    %swap3A_775 = tpu.vector_load %arg6[%swap3A_774] {strides = array<i32>} : memref<784xi32, #tpu.memory_space<vmem>>, vector<16xi32>,
    %swap3A_776 = vector.shape_cast %swap3A_775 : vector<16xi32> to vector<16xi32>
    %swap3A_777 = vector.shape_cast %add3A_773 : vector<16xi32> to vector<16xi32>
    tpu.vector_store %arg6[%swap3A_774], %swap3A_777 {strides = array<i32>} : memref<784xi32, #tpu.memory_space<vmem>>, vector<16xi32>,
    %get3A_778 = arith.constant 800 : index
    %get3A_779 = tpu.vector_load %arg5[%get3A_778] {strides = array<i32>} : memref<1568xi32, #tpu.memory_space<vmem>>, vector<16xi32>,
    %get3A_780 = vector.shape_cast %get3A_779 : vector<16xi32> to vector<16xi32>
    %get3A_781 = arith.constant 816 : index
    %get3A_782 = tpu.vector_load %arg5[%get3A_781] {strides = array<i32>} : memref<1568xi32, #tpu.memory_space<vmem>>, vector<16xi32>,
    %get3A_783 = vector.shape_cast %get3A_782 : vector<16xi32> to vector<16xi32>
    %broadcast_in_dim3A_784 = vector.shape_cast %select_n3A_27 : vector<16xi32> to vector<16x1xi32>
    %gather3A_785 = vector.shape_cast %broadcast_in_dim3A_784 : vector<16x1xi32> to vector<16xi32>
    %gather3A_786 = tpu.dynamic_gather %get3A_780[%gather3A_785] in [0] : vector<16xi32>, vector<16xi32> -> vector<16xi32>
    %broadcast_in_dim3A_787 = vector.shape_cast %select_n3A_27 : vector<16xi32> to vector<16x1xi32>
    %gather3A_788 = vector.shape_cast %broadcast_in_dim3A_787 : vector<16x1xi32> to vector<16xi32>
    %gather3A_789 = tpu.dynamic_gather %get3A_783[%gather3A_788] in [0] : vector<16xi32>, vector<16xi32> -> vector<16xi32>
    %select_n3A_790 = arith.select %lt3A_58, %gather3A_786, %gather3A_789 : vector<16xi1>, vector<16xi32>
    %broadcast_in_dim3A_791 = vector.shape_cast %select_n3A_55 : vector<16xi32> to vector<16x1xi32>
    %gather3A_792 = vector.shape_cast %broadcast_in_dim3A_791 : vector<16x1xi32> to vector<16xi32>
    %gather3A_793 = tpu.dynamic_gather %get3A_780[%gather3A_792] in [0] : vector<16xi32>, vector<16xi32> -> vector<16xi32>
    %broadcast_in_dim3A_794 = vector.shape_cast %select_n3A_55 : vector<16xi32> to vector<16x1xi32>
    %gather3A_795 = vector.shape_cast %broadcast_in_dim3A_794 : vector<16x1xi32> to vector<16xi32>
    %gather3A_796 = tpu.dynamic_gather %get3A_783[%gather3A_795] in [0] : vector<16xi32>, vector<16xi32> -> vector<16xi32>
    %select_n3A_797 = arith.select %lt3A_58, %gather3A_793, %gather3A_796 : vector<16xi1>, vector<16xi32>
    %mul3A_798 = arith.constant 32 : i32
    %mul3A_799 = vector.broadcast %mul3A_798 : i32 to vector<16xi32>
    %mul3A_800 = arith.muli %select_n3A_790, %mul3A_799 : vector<16xi32>
    %add3A_801 = arith.addi %mul3A_800, %select_n3A_797 : vector<16xi32>
    %swap3A_802 = arith.constant 400 : index
    %swap3A_803 = tpu.vector_load %arg6[%swap3A_802] {strides = array<i32>} : memref<784xi32, #tpu.memory_space<vmem>>, vector<16xi32>,
    %swap3A_804 = vector.shape_cast %swap3A_803 : vector<16xi32> to vector<16xi32>
    %swap3A_805 = vector.shape_cast %add3A_801 : vector<16xi32> to vector<16xi32>
    tpu.vector_store %arg6[%swap3A_802], %swap3A_805 {strides = array<i32>} : memref<784xi32, #tpu.memory_space<vmem>>, vector<16xi32>,
    %get3A_806 = arith.constant 832 : index
    %get3A_807 = tpu.vector_load %arg5[%get3A_806] {strides = array<i32>} : memref<1568xi32, #tpu.memory_space<vmem>>, vector<16xi32>,
    %get3A_808 = vector.shape_cast %get3A_807 : vector<16xi32> to vector<16xi32>
    %get3A_809 = arith.constant 848 : index
    %get3A_810 = tpu.vector_load %arg5[%get3A_809] {strides = array<i32>} : memref<1568xi32, #tpu.memory_space<vmem>>, vector<16xi32>,
    %get3A_811 = vector.shape_cast %get3A_810 : vector<16xi32> to vector<16xi32>
    %broadcast_in_dim3A_812 = vector.shape_cast %select_n3A_27 : vector<16xi32> to vector<16x1xi32>
    %gather3A_813 = vector.shape_cast %broadcast_in_dim3A_812 : vector<16x1xi32> to vector<16xi32>
    %gather3A_814 = tpu.dynamic_gather %get3A_808[%gather3A_813] in [0] : vector<16xi32>, vector<16xi32> -> vector<16xi32>
    %broadcast_in_dim3A_815 = vector.shape_cast %select_n3A_27 : vector<16xi32> to vector<16x1xi32>
    %gather3A_816 = vector.shape_cast %broadcast_in_dim3A_815 : vector<16x1xi32> to vector<16xi32>
    %gather3A_817 = tpu.dynamic_gather %get3A_811[%gather3A_816] in [0] : vector<16xi32>, vector<16xi32> -> vector<16xi32>
    %select_n3A_818 = arith.select %lt3A_58, %gather3A_814, %gather3A_817 : vector<16xi1>, vector<16xi32>
    %broadcast_in_dim3A_819 = vector.shape_cast %select_n3A_55 : vector<16xi32> to vector<16x1xi32>
    %gather3A_820 = vector.shape_cast %broadcast_in_dim3A_819 : vector<16x1xi32> to vector<16xi32>
    %gather3A_821 = tpu.dynamic_gather %get3A_808[%gather3A_820] in [0] : vector<16xi32>, vector<16xi32> -> vector<16xi32>
    %broadcast_in_dim3A_822 = vector.shape_cast %select_n3A_55 : vector<16xi32> to vector<16x1xi32>
    %gather3A_823 = vector.shape_cast %broadcast_in_dim3A_822 : vector<16x1xi32> to vector<16xi32>
    %gather3A_824 = tpu.dynamic_gather %get3A_811[%gather3A_823] in [0] : vector<16xi32>, vector<16xi32> -> vector<16xi32>
    %select_n3A_825 = arith.select %lt3A_58, %gather3A_821, %gather3A_824 : vector<16xi1>, vector<16xi32>
    %mul3A_826 = arith.constant 32 : i32
    %mul3A_827 = vector.broadcast %mul3A_826 : i32 to vector<16xi32>
    %mul3A_828 = arith.muli %select_n3A_818, %mul3A_827 : vector<16xi32>
    %add3A_829 = arith.addi %mul3A_828, %select_n3A_825 : vector<16xi32>
    %swap3A_830 = arith.constant 416 : index
    %swap3A_831 = tpu.vector_load %arg6[%swap3A_830] {strides = array<i32>} : memref<784xi32, #tpu.memory_space<vmem>>, vector<16xi32>,
    %swap3A_832 = vector.shape_cast %swap3A_831 : vector<16xi32> to vector<16xi32>
    %swap3A_833 = vector.shape_cast %add3A_829 : vector<16xi32> to vector<16xi32>
    tpu.vector_store %arg6[%swap3A_830], %swap3A_833 {strides = array<i32>} : memref<784xi32, #tpu.memory_space<vmem>>, vector<16xi32>,
    %get3A_834 = arith.constant 864 : index
    %get3A_835 = tpu.vector_load %arg5[%get3A_834] {strides = array<i32>} : memref<1568xi32, #tpu.memory_space<vmem>>, vector<16xi32>,
    %get3A_836 = vector.shape_cast %get3A_835 : vector<16xi32> to vector<16xi32>
    %get3A_837 = arith.constant 880 : index
    %get3A_838 = tpu.vector_load %arg5[%get3A_837] {strides = array<i32>} : memref<1568xi32, #tpu.memory_space<vmem>>, vector<16xi32>,
    %get3A_839 = vector.shape_cast %get3A_838 : vector<16xi32> to vector<16xi32>
    %broadcast_in_dim3A_840 = vector.shape_cast %select_n3A_27 : vector<16xi32> to vector<16x1xi32>
    %gather3A_841 = vector.shape_cast %broadcast_in_dim3A_840 : vector<16x1xi32> to vector<16xi32>
    %gather3A_842 = tpu.dynamic_gather %get3A_836[%gather3A_841] in [0] : vector<16xi32>, vector<16xi32> -> vector<16xi32>
    %broadcast_in_dim3A_843 = vector.shape_cast %select_n3A_27 : vector<16xi32> to vector<16x1xi32>
    %gather3A_844 = vector.shape_cast %broadcast_in_dim3A_843 : vector<16x1xi32> to vector<16xi32>
    %gather3A_845 = tpu.dynamic_gather %get3A_839[%gather3A_844] in [0] : vector<16xi32>, vector<16xi32> -> vector<16xi32>
    %select_n3A_846 = arith.select %lt3A_58, %gather3A_842, %gather3A_845 : vector<16xi1>, vector<16xi32>
    %broadcast_in_dim3A_847 = vector.shape_cast %select_n3A_55 : vector<16xi32> to vector<16x1xi32>
    %gather3A_848 = vector.shape_cast %broadcast_in_dim3A_847 : vector<16x1xi32> to vector<16xi32>
    %gather3A_849 = tpu.dynamic_gather %get3A_836[%gather3A_848] in [0] : vector<16xi32>, vector<16xi32> -> vector<16xi32>
    %broadcast_in_dim3A_850 = vector.shape_cast %select_n3A_55 : vector<16xi32> to vector<16x1xi32>
    %gather3A_851 = vector.shape_cast %broadcast_in_dim3A_850 : vector<16x1xi32> to vector<16xi32>
    %gather3A_852 = tpu.dynamic_gather %get3A_839[%gather3A_851] in [0] : vector<16xi32>, vector<16xi32> -> vector<16xi32>
    %select_n3A_853 = arith.select %lt3A_58, %gather3A_849, %gather3A_852 : vector<16xi1>, vector<16xi32>
    %mul3A_854 = arith.constant 32 : i32
    %mul3A_855 = vector.broadcast %mul3A_854 : i32 to vector<16xi32>
    %mul3A_856 = arith.muli %select_n3A_846, %mul3A_855 : vector<16xi32>
    %add3A_857 = arith.addi %mul3A_856, %select_n3A_853 : vector<16xi32>
    %swap3A_858 = arith.constant 432 : index
    %swap3A_859 = tpu.vector_load %arg6[%swap3A_858] {strides = array<i32>} : memref<784xi32, #tpu.memory_space<vmem>>, vector<16xi32>,
    %swap3A_860 = vector.shape_cast %swap3A_859 : vector<16xi32> to vector<16xi32>
    %swap3A_861 = vector.shape_cast %add3A_857 : vector<16xi32> to vector<16xi32>
    tpu.vector_store %arg6[%swap3A_858], %swap3A_861 {strides = array<i32>} : memref<784xi32, #tpu.memory_space<vmem>>, vector<16xi32>,
    %get3A_862 = arith.constant 896 : index
    %get3A_863 = tpu.vector_load %arg5[%get3A_862] {strides = array<i32>} : memref<1568xi32, #tpu.memory_space<vmem>>, vector<16xi32>,
    %get3A_864 = vector.shape_cast %get3A_863 : vector<16xi32> to vector<16xi32>
    %get3A_865 = arith.constant 912 : index
    %get3A_866 = tpu.vector_load %arg5[%get3A_865] {strides = array<i32>} : memref<1568xi32, #tpu.memory_space<vmem>>, vector<16xi32>,
    %get3A_867 = vector.shape_cast %get3A_866 : vector<16xi32> to vector<16xi32>
    %broadcast_in_dim3A_868 = vector.shape_cast %select_n3A_27 : vector<16xi32> to vector<16x1xi32>
    %gather3A_869 = vector.shape_cast %broadcast_in_dim3A_868 : vector<16x1xi32> to vector<16xi32>
    %gather3A_870 = tpu.dynamic_gather %get3A_864[%gather3A_869] in [0] : vector<16xi32>, vector<16xi32> -> vector<16xi32>
    %broadcast_in_dim3A_871 = vector.shape_cast %select_n3A_27 : vector<16xi32> to vector<16x1xi32>
    %gather3A_872 = vector.shape_cast %broadcast_in_dim3A_871 : vector<16x1xi32> to vector<16xi32>
    %gather3A_873 = tpu.dynamic_gather %get3A_867[%gather3A_872] in [0] : vector<16xi32>, vector<16xi32> -> vector<16xi32>
    %select_n3A_874 = arith.select %lt3A_58, %gather3A_870, %gather3A_873 : vector<16xi1>, vector<16xi32>
    %broadcast_in_dim3A_875 = vector.shape_cast %select_n3A_55 : vector<16xi32> to vector<16x1xi32>
    %gather3A_876 = vector.shape_cast %broadcast_in_dim3A_875 : vector<16x1xi32> to vector<16xi32>
    %gather3A_877 = tpu.dynamic_gather %get3A_864[%gather3A_876] in [0] : vector<16xi32>, vector<16xi32> -> vector<16xi32>
    %broadcast_in_dim3A_878 = vector.shape_cast %select_n3A_55 : vector<16xi32> to vector<16x1xi32>
    %gather3A_879 = vector.shape_cast %broadcast_in_dim3A_878 : vector<16x1xi32> to vector<16xi32>
    %gather3A_880 = tpu.dynamic_gather %get3A_867[%gather3A_879] in [0] : vector<16xi32>, vector<16xi32> -> vector<16xi32>
    %select_n3A_881 = arith.select %lt3A_58, %gather3A_877, %gather3A_880 : vector<16xi1>, vector<16xi32>
    %mul3A_882 = arith.constant 32 : i32
    %mul3A_883 = vector.broadcast %mul3A_882 : i32 to vector<16xi32>
    %mul3A_884 = arith.muli %select_n3A_874, %mul3A_883 : vector<16xi32>
    %add3A_885 = arith.addi %mul3A_884, %select_n3A_881 : vector<16xi32>
    %swap3A_886 = arith.constant 448 : index
    %swap3A_887 = tpu.vector_load %arg6[%swap3A_886] {strides = array<i32>} : memref<784xi32, #tpu.memory_space<vmem>>, vector<16xi32>,
    %swap3A_888 = vector.shape_cast %swap3A_887 : vector<16xi32> to vector<16xi32>
    %swap3A_889 = vector.shape_cast %add3A_885 : vector<16xi32> to vector<16xi32>
    tpu.vector_store %arg6[%swap3A_886], %swap3A_889 {strides = array<i32>} : memref<784xi32, #tpu.memory_space<vmem>>, vector<16xi32>,
    %get3A_890 = arith.constant 928 : index
    %get3A_891 = tpu.vector_load %arg5[%get3A_890] {strides = array<i32>} : memref<1568xi32, #tpu.memory_space<vmem>>, vector<16xi32>,
    %get3A_892 = vector.shape_cast %get3A_891 : vector<16xi32> to vector<16xi32>
    %get3A_893 = arith.constant 944 : index
    %get3A_894 = tpu.vector_load %arg5[%get3A_893] {strides = array<i32>} : memref<1568xi32, #tpu.memory_space<vmem>>, vector<16xi32>,
    %get3A_895 = vector.shape_cast %get3A_894 : vector<16xi32> to vector<16xi32>
    %broadcast_in_dim3A_896 = vector.shape_cast %select_n3A_27 : vector<16xi32> to vector<16x1xi32>
    %gather3A_897 = vector.shape_cast %broadcast_in_dim3A_896 : vector<16x1xi32> to vector<16xi32>
    %gather3A_898 = tpu.dynamic_gather %get3A_892[%gather3A_897] in [0] : vector<16xi32>, vector<16xi32> -> vector<16xi32>
    %broadcast_in_dim3A_899 = vector.shape_cast %select_n3A_27 : vector<16xi32> to vector<16x1xi32>
    %gather3A_900 = vector.shape_cast %broadcast_in_dim3A_899 : vector<16x1xi32> to vector<16xi32>
    %gather3A_901 = tpu.dynamic_gather %get3A_895[%gather3A_900] in [0] : vector<16xi32>, vector<16xi32> -> vector<16xi32>
    %select_n3A_902 = arith.select %lt3A_58, %gather3A_898, %gather3A_901 : vector<16xi1>, vector<16xi32>
    %broadcast_in_dim3A_903 = vector.shape_cast %select_n3A_55 : vector<16xi32> to vector<16x1xi32>
    %gather3A_904 = vector.shape_cast %broadcast_in_dim3A_903 : vector<16x1xi32> to vector<16xi32>
    %gather3A_905 = tpu.dynamic_gather %get3A_892[%gather3A_904] in [0] : vector<16xi32>, vector<16xi32> -> vector<16xi32>
    %broadcast_in_dim3A_906 = vector.shape_cast %select_n3A_55 : vector<16xi32> to vector<16x1xi32>
    %gather3A_907 = vector.shape_cast %broadcast_in_dim3A_906 : vector<16x1xi32> to vector<16xi32>
    %gather3A_908 = tpu.dynamic_gather %get3A_895[%gather3A_907] in [0] : vector<16xi32>, vector<16xi32> -> vector<16xi32>
    %select_n3A_909 = arith.select %lt3A_58, %gather3A_905, %gather3A_908 : vector<16xi1>, vector<16xi32>
    %mul3A_910 = arith.constant 32 : i32
    %mul3A_911 = vector.broadcast %mul3A_910 : i32 to vector<16xi32>
    %mul3A_912 = arith.muli %select_n3A_902, %mul3A_911 : vector<16xi32>
    %add3A_913 = arith.addi %mul3A_912, %select_n3A_909 : vector<16xi32>
    %swap3A_914 = arith.constant 464 : index
    %swap3A_915 = tpu.vector_load %arg6[%swap3A_914] {strides = array<i32>} : memref<784xi32, #tpu.memory_space<vmem>>, vector<16xi32>,
    %swap3A_916 = vector.shape_cast %swap3A_915 : vector<16xi32> to vector<16xi32>
    %swap3A_917 = vector.shape_cast %add3A_913 : vector<16xi32> to vector<16xi32>
    tpu.vector_store %arg6[%swap3A_914], %swap3A_917 {strides = array<i32>} : memref<784xi32, #tpu.memory_space<vmem>>, vector<16xi32>,
    %get3A_918 = arith.constant 960 : index
    %get3A_919 = tpu.vector_load %arg5[%get3A_918] {strides = array<i32>} : memref<1568xi32, #tpu.memory_space<vmem>>, vector<16xi32>,
    %get3A_920 = vector.shape_cast %get3A_919 : vector<16xi32> to vector<16xi32>
    %get3A_921 = arith.constant 976 : index
    %get3A_922 = tpu.vector_load %arg5[%get3A_921] {strides = array<i32>} : memref<1568xi32, #tpu.memory_space<vmem>>, vector<16xi32>,
    %get3A_923 = vector.shape_cast %get3A_922 : vector<16xi32> to vector<16xi32>
    %broadcast_in_dim3A_924 = vector.shape_cast %select_n3A_27 : vector<16xi32> to vector<16x1xi32>
    %gather3A_925 = vector.shape_cast %broadcast_in_dim3A_924 : vector<16x1xi32> to vector<16xi32>
    %gather3A_926 = tpu.dynamic_gather %get3A_920[%gather3A_925] in [0] : vector<16xi32>, vector<16xi32> -> vector<16xi32>
    %broadcast_in_dim3A_927 = vector.shape_cast %select_n3A_27 : vector<16xi32> to vector<16x1xi32>
    %gather3A_928 = vector.shape_cast %broadcast_in_dim3A_927 : vector<16x1xi32> to vector<16xi32>
    %gather3A_929 = tpu.dynamic_gather %get3A_923[%gather3A_928] in [0] : vector<16xi32>, vector<16xi32> -> vector<16xi32>
    %select_n3A_930 = arith.select %lt3A_58, %gather3A_926, %gather3A_929 : vector<16xi1>, vector<16xi32>
    %broadcast_in_dim3A_931 = vector.shape_cast %select_n3A_55 : vector<16xi32> to vector<16x1xi32>
    %gather3A_932 = vector.shape_cast %broadcast_in_dim3A_931 : vector<16x1xi32> to vector<16xi32>
    %gather3A_933 = tpu.dynamic_gather %get3A_920[%gather3A_932] in [0] : vector<16xi32>, vector<16xi32> -> vector<16xi32>
    %broadcast_in_dim3A_934 = vector.shape_cast %select_n3A_55 : vector<16xi32> to vector<16x1xi32>
    %gather3A_935 = vector.shape_cast %broadcast_in_dim3A_934 : vector<16x1xi32> to vector<16xi32>
    %gather3A_936 = tpu.dynamic_gather %get3A_923[%gather3A_935] in [0] : vector<16xi32>, vector<16xi32> -> vector<16xi32>
    %select_n3A_937 = arith.select %lt3A_58, %gather3A_933, %gather3A_936 : vector<16xi1>, vector<16xi32>
    %mul3A_938 = arith.constant 32 : i32
    %mul3A_939 = vector.broadcast %mul3A_938 : i32 to vector<16xi32>
    %mul3A_940 = arith.muli %select_n3A_930, %mul3A_939 : vector<16xi32>
    %add3A_941 = arith.addi %mul3A_940, %select_n3A_937 : vector<16xi32>
    %swap3A_942 = arith.constant 480 : index
    %swap3A_943 = tpu.vector_load %arg6[%swap3A_942] {strides = array<i32>} : memref<784xi32, #tpu.memory_space<vmem>>, vector<16xi32>,
    %swap3A_944 = vector.shape_cast %swap3A_943 : vector<16xi32> to vector<16xi32>
    %swap3A_945 = vector.shape_cast %add3A_941 : vector<16xi32> to vector<16xi32>
    tpu.vector_store %arg6[%swap3A_942], %swap3A_945 {strides = array<i32>} : memref<784xi32, #tpu.memory_space<vmem>>, vector<16xi32>,
    %get3A_946 = arith.constant 992 : index
    %get3A_947 = tpu.vector_load %arg5[%get3A_946] {strides = array<i32>} : memref<1568xi32, #tpu.memory_space<vmem>>, vector<16xi32>,
    %get3A_948 = vector.shape_cast %get3A_947 : vector<16xi32> to vector<16xi32>
    %get3A_949 = arith.constant 1008 : index
    %get3A_950 = tpu.vector_load %arg5[%get3A_949] {strides = array<i32>} : memref<1568xi32, #tpu.memory_space<vmem>>, vector<16xi32>,
    %get3A_951 = vector.shape_cast %get3A_950 : vector<16xi32> to vector<16xi32>
    %broadcast_in_dim3A_952 = vector.shape_cast %select_n3A_27 : vector<16xi32> to vector<16x1xi32>
    %gather3A_953 = vector.shape_cast %broadcast_in_dim3A_952 : vector<16x1xi32> to vector<16xi32>
    %gather3A_954 = tpu.dynamic_gather %get3A_948[%gather3A_953] in [0] : vector<16xi32>, vector<16xi32> -> vector<16xi32>
    %broadcast_in_dim3A_955 = vector.shape_cast %select_n3A_27 : vector<16xi32> to vector<16x1xi32>
    %gather3A_956 = vector.shape_cast %broadcast_in_dim3A_955 : vector<16x1xi32> to vector<16xi32>
    %gather3A_957 = tpu.dynamic_gather %get3A_951[%gather3A_956] in [0] : vector<16xi32>, vector<16xi32> -> vector<16xi32>
    %select_n3A_958 = arith.select %lt3A_58, %gather3A_954, %gather3A_957 : vector<16xi1>, vector<16xi32>
    %broadcast_in_dim3A_959 = vector.shape_cast %select_n3A_55 : vector<16xi32> to vector<16x1xi32>
    %gather3A_960 = vector.shape_cast %broadcast_in_dim3A_959 : vector<16x1xi32> to vector<16xi32>
    %gather3A_961 = tpu.dynamic_gather %get3A_948[%gather3A_960] in [0] : vector<16xi32>, vector<16xi32> -> vector<16xi32>
    %broadcast_in_dim3A_962 = vector.shape_cast %select_n3A_55 : vector<16xi32> to vector<16x1xi32>
    %gather3A_963 = vector.shape_cast %broadcast_in_dim3A_962 : vector<16x1xi32> to vector<16xi32>
    %gather3A_964 = tpu.dynamic_gather %get3A_951[%gather3A_963] in [0] : vector<16xi32>, vector<16xi32> -> vector<16xi32>
    %select_n3A_965 = arith.select %lt3A_58, %gather3A_961, %gather3A_964 : vector<16xi1>, vector<16xi32>
    %mul3A_966 = arith.constant 32 : i32
    %mul3A_967 = vector.broadcast %mul3A_966 : i32 to vector<16xi32>
    %mul3A_968 = arith.muli %select_n3A_958, %mul3A_967 : vector<16xi32>
    %add3A_969 = arith.addi %mul3A_968, %select_n3A_965 : vector<16xi32>
    %swap3A_970 = arith.constant 496 : index
    %swap3A_971 = tpu.vector_load %arg6[%swap3A_970] {strides = array<i32>} : memref<784xi32, #tpu.memory_space<vmem>>, vector<16xi32>,
    %swap3A_972 = vector.shape_cast %swap3A_971 : vector<16xi32> to vector<16xi32>
    %swap3A_973 = vector.shape_cast %add3A_969 : vector<16xi32> to vector<16xi32>
    tpu.vector_store %arg6[%swap3A_970], %swap3A_973 {strides = array<i32>} : memref<784xi32, #tpu.memory_space<vmem>>, vector<16xi32>,
    %dma_start3A_974 = arith.constant 384 : i32
    %dma_start3A_975 = arith.constant 0 : i32
    %dma_start3A_976 = tpu.memref_slice %arg7[%dma_start3A_974, %dma_start3A_975] : memref<784x128xf32, #tpu.memory_space<vmem>> -> memref<128x128xf32, #tpu.memory_space<vmem>>
    %dma_start3A_977 = arith.constant 384 : i32
    %dma_start3A_978 = tpu.memref_slice %arg6[%dma_start3A_977] : memref<784xi32, #tpu.memory_space<vmem>> -> memref<128xi32, #tpu.memory_space<vmem>>
    %dma_start3A_979 = arith.constant 0 : i32
    %dma_start3A_980 = arith.constant 0 : i32
    %dma_start3A_981 = tpu.memref_slice %arg2[%dma_start3A_979, %dma_start3A_980] : memref<1024x128xf32, #tpu.memory_space<hbm>> -> memref<1024x128xf32, #tpu.memory_space<hbm>>
    tpu.enqueue_indirect_dma source(%dma_start3A_981 : memref<1024x128xf32, #tpu.memory_space<hbm>>) target(%dma_start3A_976 : memref<128x128xf32, #tpu.memory_space<vmem>>) offsets(%dma_start3A_978 : memref<128xi32, #tpu.memory_space<vmem>>) semaphore(%arg8 : memref<!tpu.dma_semaphore, #tpu.memory_space<semaphore_mem>>)
    %get3A_982 = arith.constant 1024 : index
    %get3A_983 = tpu.vector_load %arg5[%get3A_982] {strides = array<i32>} : memref<1568xi32, #tpu.memory_space<vmem>>, vector<16xi32>,
    %get3A_984 = vector.shape_cast %get3A_983 : vector<16xi32> to vector<16xi32>
    %get3A_985 = arith.constant 1040 : index
    %get3A_986 = tpu.vector_load %arg5[%get3A_985] {strides = array<i32>} : memref<1568xi32, #tpu.memory_space<vmem>>, vector<16xi32>,
    %get3A_987 = vector.shape_cast %get3A_986 : vector<16xi32> to vector<16xi32>
    %broadcast_in_dim3A_988 = vector.shape_cast %select_n3A_27 : vector<16xi32> to vector<16x1xi32>
    %gather3A_989 = vector.shape_cast %broadcast_in_dim3A_988 : vector<16x1xi32> to vector<16xi32>
    %gather3A_990 = tpu.dynamic_gather %get3A_984[%gather3A_989] in [0] : vector<16xi32>, vector<16xi32> -> vector<16xi32>
    %broadcast_in_dim3A_991 = vector.shape_cast %select_n3A_27 : vector<16xi32> to vector<16x1xi32>
    %gather3A_992 = vector.shape_cast %broadcast_in_dim3A_991 : vector<16x1xi32> to vector<16xi32>
    %gather3A_993 = tpu.dynamic_gather %get3A_987[%gather3A_992] in [0] : vector<16xi32>, vector<16xi32> -> vector<16xi32>
    %select_n3A_994 = arith.select %lt3A_58, %gather3A_990, %gather3A_993 : vector<16xi1>, vector<16xi32>
    %broadcast_in_dim3A_995 = vector.shape_cast %select_n3A_55 : vector<16xi32> to vector<16x1xi32>
    %gather3A_996 = vector.shape_cast %broadcast_in_dim3A_995 : vector<16x1xi32> to vector<16xi32>
    %gather3A_997 = tpu.dynamic_gather %get3A_984[%gather3A_996] in [0] : vector<16xi32>, vector<16xi32> -> vector<16xi32>
    %broadcast_in_dim3A_998 = vector.shape_cast %select_n3A_55 : vector<16xi32> to vector<16x1xi32>
    %gather3A_999 = vector.shape_cast %broadcast_in_dim3A_998 : vector<16x1xi32> to vector<16xi32>
    %gather3A_1000 = tpu.dynamic_gather %get3A_987[%gather3A_999] in [0] : vector<16xi32>, vector<16xi32> -> vector<16xi32>
    %select_n3A_1001 = arith.select %lt3A_58, %gather3A_997, %gather3A_1000 : vector<16xi1>, vector<16xi32>
    %mul3A_1002 = arith.constant 32 : i32
    %mul3A_1003 = vector.broadcast %mul3A_1002 : i32 to vector<16xi32>
    %mul3A_1004 = arith.muli %select_n3A_994, %mul3A_1003 : vector<16xi32>
    %add3A_1005 = arith.addi %mul3A_1004, %select_n3A_1001 : vector<16xi32>
    %swap3A_1006 = arith.constant 512 : index
    %swap3A_1007 = tpu.vector_load %arg6[%swap3A_1006] {strides = array<i32>} : memref<784xi32, #tpu.memory_space<vmem>>, vector<16xi32>,
    %swap3A_1008 = vector.shape_cast %swap3A_1007 : vector<16xi32> to vector<16xi32>
    %swap3A_1009 = vector.shape_cast %add3A_1005 : vector<16xi32> to vector<16xi32>
    tpu.vector_store %arg6[%swap3A_1006], %swap3A_1009 {strides = array<i32>} : memref<784xi32, #tpu.memory_space<vmem>>, vector<16xi32>,
    %get3A_1010 = arith.constant 1056 : index
    %get3A_1011 = tpu.vector_load %arg5[%get3A_1010] {strides = array<i32>} : memref<1568xi32, #tpu.memory_space<vmem>>, vector<16xi32>,
    %get3A_1012 = vector.shape_cast %get3A_1011 : vector<16xi32> to vector<16xi32>
    %get3A_1013 = arith.constant 1072 : index
    %get3A_1014 = tpu.vector_load %arg5[%get3A_1013] {strides = array<i32>} : memref<1568xi32, #tpu.memory_space<vmem>>, vector<16xi32>,
    %get3A_1015 = vector.shape_cast %get3A_1014 : vector<16xi32> to vector<16xi32>
    %broadcast_in_dim3A_1016 = vector.shape_cast %select_n3A_27 : vector<16xi32> to vector<16x1xi32>
    %gather3A_1017 = vector.shape_cast %broadcast_in_dim3A_1016 : vector<16x1xi32> to vector<16xi32>
    %gather3A_1018 = tpu.dynamic_gather %get3A_1012[%gather3A_1017] in [0] : vector<16xi32>, vector<16xi32> -> vector<16xi32>
    %broadcast_in_dim3A_1019 = vector.shape_cast %select_n3A_27 : vector<16xi32> to vector<16x1xi32>
    %gather3A_1020 = vector.shape_cast %broadcast_in_dim3A_1019 : vector<16x1xi32> to vector<16xi32>
    %gather3A_1021 = tpu.dynamic_gather %get3A_1015[%gather3A_1020] in [0] : vector<16xi32>, vector<16xi32> -> vector<16xi32>
    %select_n3A_1022 = arith.select %lt3A_58, %gather3A_1018, %gather3A_1021 : vector<16xi1>, vector<16xi32>
    %broadcast_in_dim3A_1023 = vector.shape_cast %select_n3A_55 : vector<16xi32> to vector<16x1xi32>
    %gather3A_1024 = vector.shape_cast %broadcast_in_dim3A_1023 : vector<16x1xi32> to vector<16xi32>
    %gather3A_1025 = tpu.dynamic_gather %get3A_1012[%gather3A_1024] in [0] : vector<16xi32>, vector<16xi32> -> vector<16xi32>
    %broadcast_in_dim3A_1026 = vector.shape_cast %select_n3A_55 : vector<16xi32> to vector<16x1xi32>
    %gather3A_1027 = vector.shape_cast %broadcast_in_dim3A_1026 : vector<16x1xi32> to vector<16xi32>
    %gather3A_1028 = tpu.dynamic_gather %get3A_1015[%gather3A_1027] in [0] : vector<16xi32>, vector<16xi32> -> vector<16xi32>
    %select_n3A_1029 = arith.select %lt3A_58, %gather3A_1025, %gather3A_1028 : vector<16xi1>, vector<16xi32>
    %mul3A_1030 = arith.constant 32 : i32
    %mul3A_1031 = vector.broadcast %mul3A_1030 : i32 to vector<16xi32>
    %mul3A_1032 = arith.muli %select_n3A_1022, %mul3A_1031 : vector<16xi32>
    %add3A_1033 = arith.addi %mul3A_1032, %select_n3A_1029 : vector<16xi32>
    %swap3A_1034 = arith.constant 528 : index
    %swap3A_1035 = tpu.vector_load %arg6[%swap3A_1034] {strides = array<i32>} : memref<784xi32, #tpu.memory_space<vmem>>, vector<16xi32>,
    %swap3A_1036 = vector.shape_cast %swap3A_1035 : vector<16xi32> to vector<16xi32>
    %swap3A_1037 = vector.shape_cast %add3A_1033 : vector<16xi32> to vector<16xi32>
    tpu.vector_store %arg6[%swap3A_1034], %swap3A_1037 {strides = array<i32>} : memref<784xi32, #tpu.memory_space<vmem>>, vector<16xi32>,
    %get3A_1038 = arith.constant 1088 : index
    %get3A_1039 = tpu.vector_load %arg5[%get3A_1038] {strides = array<i32>} : memref<1568xi32, #tpu.memory_space<vmem>>, vector<16xi32>,
    %get3A_1040 = vector.shape_cast %get3A_1039 : vector<16xi32> to vector<16xi32>
    %get3A_1041 = arith.constant 1104 : index
    %get3A_1042 = tpu.vector_load %arg5[%get3A_1041] {strides = array<i32>} : memref<1568xi32, #tpu.memory_space<vmem>>, vector<16xi32>,
    %get3A_1043 = vector.shape_cast %get3A_1042 : vector<16xi32> to vector<16xi32>
    %broadcast_in_dim3A_1044 = vector.shape_cast %select_n3A_27 : vector<16xi32> to vector<16x1xi32>
    %gather3A_1045 = vector.shape_cast %broadcast_in_dim3A_1044 : vector<16x1xi32> to vector<16xi32>
    %gather3A_1046 = tpu.dynamic_gather %get3A_1040[%gather3A_1045] in [0] : vector<16xi32>, vector<16xi32> -> vector<16xi32>
    %broadcast_in_dim3A_1047 = vector.shape_cast %select_n3A_27 : vector<16xi32> to vector<16x1xi32>
    %gather3A_1048 = vector.shape_cast %broadcast_in_dim3A_1047 : vector<16x1xi32> to vector<16xi32>
    %gather3A_1049 = tpu.dynamic_gather %get3A_1043[%gather3A_1048] in [0] : vector<16xi32>, vector<16xi32> -> vector<16xi32>
    %select_n3A_1050 = arith.select %lt3A_58, %gather3A_1046, %gather3A_1049 : vector<16xi1>, vector<16xi32>
    %broadcast_in_dim3A_1051 = vector.shape_cast %select_n3A_55 : vector<16xi32> to vector<16x1xi32>
    %gather3A_1052 = vector.shape_cast %broadcast_in_dim3A_1051 : vector<16x1xi32> to vector<16xi32>
    %gather3A_1053 = tpu.dynamic_gather %get3A_1040[%gather3A_1052] in [0] : vector<16xi32>, vector<16xi32> -> vector<16xi32>
    %broadcast_in_dim3A_1054 = vector.shape_cast %select_n3A_55 : vector<16xi32> to vector<16x1xi32>
    %gather3A_1055 = vector.shape_cast %broadcast_in_dim3A_1054 : vector<16x1xi32> to vector<16xi32>
    %gather3A_1056 = tpu.dynamic_gather %get3A_1043[%gather3A_1055] in [0] : vector<16xi32>, vector<16xi32> -> vector<16xi32>
    %select_n3A_1057 = arith.select %lt3A_58, %gather3A_1053, %gather3A_1056 : vector<16xi1>, vector<16xi32>
    %mul3A_1058 = arith.constant 32 : i32
    %mul3A_1059 = vector.broadcast %mul3A_1058 : i32 to vector<16xi32>
    %mul3A_1060 = arith.muli %select_n3A_1050, %mul3A_1059 : vector<16xi32>
    %add3A_1061 = arith.addi %mul3A_1060, %select_n3A_1057 : vector<16xi32>
    %swap3A_1062 = arith.constant 544 : index
    %swap3A_1063 = tpu.vector_load %arg6[%swap3A_1062] {strides = array<i32>} : memref<784xi32, #tpu.memory_space<vmem>>, vector<16xi32>,
    %swap3A_1064 = vector.shape_cast %swap3A_1063 : vector<16xi32> to vector<16xi32>
    %swap3A_1065 = vector.shape_cast %add3A_1061 : vector<16xi32> to vector<16xi32>
    tpu.vector_store %arg6[%swap3A_1062], %swap3A_1065 {strides = array<i32>} : memref<784xi32, #tpu.memory_space<vmem>>, vector<16xi32>,
    %get3A_1066 = arith.constant 1120 : index
    %get3A_1067 = tpu.vector_load %arg5[%get3A_1066] {strides = array<i32>} : memref<1568xi32, #tpu.memory_space<vmem>>, vector<16xi32>,
    %get3A_1068 = vector.shape_cast %get3A_1067 : vector<16xi32> to vector<16xi32>
    %get3A_1069 = arith.constant 1136 : index
    %get3A_1070 = tpu.vector_load %arg5[%get3A_1069] {strides = array<i32>} : memref<1568xi32, #tpu.memory_space<vmem>>, vector<16xi32>,
    %get3A_1071 = vector.shape_cast %get3A_1070 : vector<16xi32> to vector<16xi32>
    %broadcast_in_dim3A_1072 = vector.shape_cast %select_n3A_27 : vector<16xi32> to vector<16x1xi32>
    %gather3A_1073 = vector.shape_cast %broadcast_in_dim3A_1072 : vector<16x1xi32> to vector<16xi32>
    %gather3A_1074 = tpu.dynamic_gather %get3A_1068[%gather3A_1073] in [0] : vector<16xi32>, vector<16xi32> -> vector<16xi32>
    %broadcast_in_dim3A_1075 = vector.shape_cast %select_n3A_27 : vector<16xi32> to vector<16x1xi32>
    %gather3A_1076 = vector.shape_cast %broadcast_in_dim3A_1075 : vector<16x1xi32> to vector<16xi32>
    %gather3A_1077 = tpu.dynamic_gather %get3A_1071[%gather3A_1076] in [0] : vector<16xi32>, vector<16xi32> -> vector<16xi32>
    %select_n3A_1078 = arith.select %lt3A_58, %gather3A_1074, %gather3A_1077 : vector<16xi1>, vector<16xi32>
    %broadcast_in_dim3A_1079 = vector.shape_cast %select_n3A_55 : vector<16xi32> to vector<16x1xi32>
    %gather3A_1080 = vector.shape_cast %broadcast_in_dim3A_1079 : vector<16x1xi32> to vector<16xi32>
    %gather3A_1081 = tpu.dynamic_gather %get3A_1068[%gather3A_1080] in [0] : vector<16xi32>, vector<16xi32> -> vector<16xi32>
    %broadcast_in_dim3A_1082 = vector.shape_cast %select_n3A_55 : vector<16xi32> to vector<16x1xi32>
    %gather3A_1083 = vector.shape_cast %broadcast_in_dim3A_1082 : vector<16x1xi32> to vector<16xi32>
    %gather3A_1084 = tpu.dynamic_gather %get3A_1071[%gather3A_1083] in [0] : vector<16xi32>, vector<16xi32> -> vector<16xi32>
    %select_n3A_1085 = arith.select %lt3A_58, %gather3A_1081, %gather3A_1084 : vector<16xi1>, vector<16xi32>
    %mul3A_1086 = arith.constant 32 : i32
    %mul3A_1087 = vector.broadcast %mul3A_1086 : i32 to vector<16xi32>
    %mul3A_1088 = arith.muli %select_n3A_1078, %mul3A_1087 : vector<16xi32>
    %add3A_1089 = arith.addi %mul3A_1088, %select_n3A_1085 : vector<16xi32>
    %swap3A_1090 = arith.constant 560 : index
    %swap3A_1091 = tpu.vector_load %arg6[%swap3A_1090] {strides = array<i32>} : memref<784xi32, #tpu.memory_space<vmem>>, vector<16xi32>,
    %swap3A_1092 = vector.shape_cast %swap3A_1091 : vector<16xi32> to vector<16xi32>
    %swap3A_1093 = vector.shape_cast %add3A_1089 : vector<16xi32> to vector<16xi32>
    tpu.vector_store %arg6[%swap3A_1090], %swap3A_1093 {strides = array<i32>} : memref<784xi32, #tpu.memory_space<vmem>>, vector<16xi32>,
    %get3A_1094 = arith.constant 1152 : index
    %get3A_1095 = tpu.vector_load %arg5[%get3A_1094] {strides = array<i32>} : memref<1568xi32, #tpu.memory_space<vmem>>, vector<16xi32>,
    %get3A_1096 = vector.shape_cast %get3A_1095 : vector<16xi32> to vector<16xi32>
    %get3A_1097 = arith.constant 1168 : index
    %get3A_1098 = tpu.vector_load %arg5[%get3A_1097] {strides = array<i32>} : memref<1568xi32, #tpu.memory_space<vmem>>, vector<16xi32>,
    %get3A_1099 = vector.shape_cast %get3A_1098 : vector<16xi32> to vector<16xi32>
    %broadcast_in_dim3A_1100 = vector.shape_cast %select_n3A_27 : vector<16xi32> to vector<16x1xi32>
    %gather3A_1101 = vector.shape_cast %broadcast_in_dim3A_1100 : vector<16x1xi32> to vector<16xi32>
    %gather3A_1102 = tpu.dynamic_gather %get3A_1096[%gather3A_1101] in [0] : vector<16xi32>, vector<16xi32> -> vector<16xi32>
    %broadcast_in_dim3A_1103 = vector.shape_cast %select_n3A_27 : vector<16xi32> to vector<16x1xi32>
    %gather3A_1104 = vector.shape_cast %broadcast_in_dim3A_1103 : vector<16x1xi32> to vector<16xi32>
    %gather3A_1105 = tpu.dynamic_gather %get3A_1099[%gather3A_1104] in [0] : vector<16xi32>, vector<16xi32> -> vector<16xi32>
    %select_n3A_1106 = arith.select %lt3A_58, %gather3A_1102, %gather3A_1105 : vector<16xi1>, vector<16xi32>
    %broadcast_in_dim3A_1107 = vector.shape_cast %select_n3A_55 : vector<16xi32> to vector<16x1xi32>
    %gather3A_1108 = vector.shape_cast %broadcast_in_dim3A_1107 : vector<16x1xi32> to vector<16xi32>
    %gather3A_1109 = tpu.dynamic_gather %get3A_1096[%gather3A_1108] in [0] : vector<16xi32>, vector<16xi32> -> vector<16xi32>
    %broadcast_in_dim3A_1110 = vector.shape_cast %select_n3A_55 : vector<16xi32> to vector<16x1xi32>
    %gather3A_1111 = vector.shape_cast %broadcast_in_dim3A_1110 : vector<16x1xi32> to vector<16xi32>
    %gather3A_1112 = tpu.dynamic_gather %get3A_1099[%gather3A_1111] in [0] : vector<16xi32>, vector<16xi32> -> vector<16xi32>
    %select_n3A_1113 = arith.select %lt3A_58, %gather3A_1109, %gather3A_1112 : vector<16xi1>, vector<16xi32>
    %mul3A_1114 = arith.constant 32 : i32
    %mul3A_1115 = vector.broadcast %mul3A_1114 : i32 to vector<16xi32>
    %mul3A_1116 = arith.muli %select_n3A_1106, %mul3A_1115 : vector<16xi32>
    %add3A_1117 = arith.addi %mul3A_1116, %select_n3A_1113 : vector<16xi32>
    %swap3A_1118 = arith.constant 576 : index
    %swap3A_1119 = tpu.vector_load %arg6[%swap3A_1118] {strides = array<i32>} : memref<784xi32, #tpu.memory_space<vmem>>, vector<16xi32>,
    %swap3A_1120 = vector.shape_cast %swap3A_1119 : vector<16xi32> to vector<16xi32>
    %swap3A_1121 = vector.shape_cast %add3A_1117 : vector<16xi32> to vector<16xi32>
    tpu.vector_store %arg6[%swap3A_1118], %swap3A_1121 {strides = array<i32>} : memref<784xi32, #tpu.memory_space<vmem>>, vector<16xi32>,
    %get3A_1122 = arith.constant 1184 : index
    %get3A_1123 = tpu.vector_load %arg5[%get3A_1122] {strides = array<i32>} : memref<1568xi32, #tpu.memory_space<vmem>>, vector<16xi32>,
    %get3A_1124 = vector.shape_cast %get3A_1123 : vector<16xi32> to vector<16xi32>
    %get3A_1125 = arith.constant 1200 : index
    %get3A_1126 = tpu.vector_load %arg5[%get3A_1125] {strides = array<i32>} : memref<1568xi32, #tpu.memory_space<vmem>>, vector<16xi32>,
    %get3A_1127 = vector.shape_cast %get3A_1126 : vector<16xi32> to vector<16xi32>
    %broadcast_in_dim3A_1128 = vector.shape_cast %select_n3A_27 : vector<16xi32> to vector<16x1xi32>
    %gather3A_1129 = vector.shape_cast %broadcast_in_dim3A_1128 : vector<16x1xi32> to vector<16xi32>
    %gather3A_1130 = tpu.dynamic_gather %get3A_1124[%gather3A_1129] in [0] : vector<16xi32>, vector<16xi32> -> vector<16xi32>
    %broadcast_in_dim3A_1131 = vector.shape_cast %select_n3A_27 : vector<16xi32> to vector<16x1xi32>
    %gather3A_1132 = vector.shape_cast %broadcast_in_dim3A_1131 : vector<16x1xi32> to vector<16xi32>
    %gather3A_1133 = tpu.dynamic_gather %get3A_1127[%gather3A_1132] in [0] : vector<16xi32>, vector<16xi32> -> vector<16xi32>
    %select_n3A_1134 = arith.select %lt3A_58, %gather3A_1130, %gather3A_1133 : vector<16xi1>, vector<16xi32>
    %broadcast_in_dim3A_1135 = vector.shape_cast %select_n3A_55 : vector<16xi32> to vector<16x1xi32>
    %gather3A_1136 = vector.shape_cast %broadcast_in_dim3A_1135 : vector<16x1xi32> to vector<16xi32>
    %gather3A_1137 = tpu.dynamic_gather %get3A_1124[%gather3A_1136] in [0] : vector<16xi32>, vector<16xi32> -> vector<16xi32>
    %broadcast_in_dim3A_1138 = vector.shape_cast %select_n3A_55 : vector<16xi32> to vector<16x1xi32>
    %gather3A_1139 = vector.shape_cast %broadcast_in_dim3A_1138 : vector<16x1xi32> to vector<16xi32>
    %gather3A_1140 = tpu.dynamic_gather %get3A_1127[%gather3A_1139] in [0] : vector<16xi32>, vector<16xi32> -> vector<16xi32>
    %select_n3A_1141 = arith.select %lt3A_58, %gather3A_1137, %gather3A_1140 : vector<16xi1>, vector<16xi32>
    %mul3A_1142 = arith.constant 32 : i32
    %mul3A_1143 = vector.broadcast %mul3A_1142 : i32 to vector<16xi32>
    %mul3A_1144 = arith.muli %select_n3A_1134, %mul3A_1143 : vector<16xi32>
    %add3A_1145 = arith.addi %mul3A_1144, %select_n3A_1141 : vector<16xi32>
    %swap3A_1146 = arith.constant 592 : index
    %swap3A_1147 = tpu.vector_load %arg6[%swap3A_1146] {strides = array<i32>} : memref<784xi32, #tpu.memory_space<vmem>>, vector<16xi32>,
    %swap3A_1148 = vector.shape_cast %swap3A_1147 : vector<16xi32> to vector<16xi32>
    %swap3A_1149 = vector.shape_cast %add3A_1145 : vector<16xi32> to vector<16xi32>
    tpu.vector_store %arg6[%swap3A_1146], %swap3A_1149 {strides = array<i32>} : memref<784xi32, #tpu.memory_space<vmem>>, vector<16xi32>,
    %get3A_1150 = arith.constant 1216 : index
    %get3A_1151 = tpu.vector_load %arg5[%get3A_1150] {strides = array<i32>} : memref<1568xi32, #tpu.memory_space<vmem>>, vector<16xi32>,
    %get3A_1152 = vector.shape_cast %get3A_1151 : vector<16xi32> to vector<16xi32>
    %get3A_1153 = arith.constant 1232 : index
    %get3A_1154 = tpu.vector_load %arg5[%get3A_1153] {strides = array<i32>} : memref<1568xi32, #tpu.memory_space<vmem>>, vector<16xi32>,
    %get3A_1155 = vector.shape_cast %get3A_1154 : vector<16xi32> to vector<16xi32>
    %broadcast_in_dim3A_1156 = vector.shape_cast %select_n3A_27 : vector<16xi32> to vector<16x1xi32>
    %gather3A_1157 = vector.shape_cast %broadcast_in_dim3A_1156 : vector<16x1xi32> to vector<16xi32>
    %gather3A_1158 = tpu.dynamic_gather %get3A_1152[%gather3A_1157] in [0] : vector<16xi32>, vector<16xi32> -> vector<16xi32>
    %broadcast_in_dim3A_1159 = vector.shape_cast %select_n3A_27 : vector<16xi32> to vector<16x1xi32>
    %gather3A_1160 = vector.shape_cast %broadcast_in_dim3A_1159 : vector<16x1xi32> to vector<16xi32>
    %gather3A_1161 = tpu.dynamic_gather %get3A_1155[%gather3A_1160] in [0] : vector<16xi32>, vector<16xi32> -> vector<16xi32>
    %select_n3A_1162 = arith.select %lt3A_58, %gather3A_1158, %gather3A_1161 : vector<16xi1>, vector<16xi32>
    %broadcast_in_dim3A_1163 = vector.shape_cast %select_n3A_55 : vector<16xi32> to vector<16x1xi32>
    %gather3A_1164 = vector.shape_cast %broadcast_in_dim3A_1163 : vector<16x1xi32> to vector<16xi32>
    %gather3A_1165 = tpu.dynamic_gather %get3A_1152[%gather3A_1164] in [0] : vector<16xi32>, vector<16xi32> -> vector<16xi32>
    %broadcast_in_dim3A_1166 = vector.shape_cast %select_n3A_55 : vector<16xi32> to vector<16x1xi32>
    %gather3A_1167 = vector.shape_cast %broadcast_in_dim3A_1166 : vector<16x1xi32> to vector<16xi32>
    %gather3A_1168 = tpu.dynamic_gather %get3A_1155[%gather3A_1167] in [0] : vector<16xi32>, vector<16xi32> -> vector<16xi32>
    %select_n3A_1169 = arith.select %lt3A_58, %gather3A_1165, %gather3A_1168 : vector<16xi1>, vector<16xi32>
    %mul3A_1170 = arith.constant 32 : i32
    %mul3A_1171 = vector.broadcast %mul3A_1170 : i32 to vector<16xi32>
    %mul3A_1172 = arith.muli %select_n3A_1162, %mul3A_1171 : vector<16xi32>
    %add3A_1173 = arith.addi %mul3A_1172, %select_n3A_1169 : vector<16xi32>
    %swap3A_1174 = arith.constant 608 : index
    %swap3A_1175 = tpu.vector_load %arg6[%swap3A_1174] {strides = array<i32>} : memref<784xi32, #tpu.memory_space<vmem>>, vector<16xi32>,
    %swap3A_1176 = vector.shape_cast %swap3A_1175 : vector<16xi32> to vector<16xi32>
    %swap3A_1177 = vector.shape_cast %add3A_1173 : vector<16xi32> to vector<16xi32>
    tpu.vector_store %arg6[%swap3A_1174], %swap3A_1177 {strides = array<i32>} : memref<784xi32, #tpu.memory_space<vmem>>, vector<16xi32>,
    %get3A_1178 = arith.constant 1248 : index
    %get3A_1179 = tpu.vector_load %arg5[%get3A_1178] {strides = array<i32>} : memref<1568xi32, #tpu.memory_space<vmem>>, vector<16xi32>,
    %get3A_1180 = vector.shape_cast %get3A_1179 : vector<16xi32> to vector<16xi32>
    %get3A_1181 = arith.constant 1264 : index
    %get3A_1182 = tpu.vector_load %arg5[%get3A_1181] {strides = array<i32>} : memref<1568xi32, #tpu.memory_space<vmem>>, vector<16xi32>,
    %get3A_1183 = vector.shape_cast %get3A_1182 : vector<16xi32> to vector<16xi32>
    %broadcast_in_dim3A_1184 = vector.shape_cast %select_n3A_27 : vector<16xi32> to vector<16x1xi32>
    %gather3A_1185 = vector.shape_cast %broadcast_in_dim3A_1184 : vector<16x1xi32> to vector<16xi32>
    %gather3A_1186 = tpu.dynamic_gather %get3A_1180[%gather3A_1185] in [0] : vector<16xi32>, vector<16xi32> -> vector<16xi32>
    %broadcast_in_dim3A_1187 = vector.shape_cast %select_n3A_27 : vector<16xi32> to vector<16x1xi32>
    %gather3A_1188 = vector.shape_cast %broadcast_in_dim3A_1187 : vector<16x1xi32> to vector<16xi32>
    %gather3A_1189 = tpu.dynamic_gather %get3A_1183[%gather3A_1188] in [0] : vector<16xi32>, vector<16xi32> -> vector<16xi32>
    %select_n3A_1190 = arith.select %lt3A_58, %gather3A_1186, %gather3A_1189 : vector<16xi1>, vector<16xi32>
    %broadcast_in_dim3A_1191 = vector.shape_cast %select_n3A_55 : vector<16xi32> to vector<16x1xi32>
    %gather3A_1192 = vector.shape_cast %broadcast_in_dim3A_1191 : vector<16x1xi32> to vector<16xi32>
    %gather3A_1193 = tpu.dynamic_gather %get3A_1180[%gather3A_1192] in [0] : vector<16xi32>, vector<16xi32> -> vector<16xi32>
    %broadcast_in_dim3A_1194 = vector.shape_cast %select_n3A_55 : vector<16xi32> to vector<16x1xi32>
    %gather3A_1195 = vector.shape_cast %broadcast_in_dim3A_1194 : vector<16x1xi32> to vector<16xi32>
    %gather3A_1196 = tpu.dynamic_gather %get3A_1183[%gather3A_1195] in [0] : vector<16xi32>, vector<16xi32> -> vector<16xi32>
    %select_n3A_1197 = arith.select %lt3A_58, %gather3A_1193, %gather3A_1196 : vector<16xi1>, vector<16xi32>
    %mul3A_1198 = arith.constant 32 : i32
    %mul3A_1199 = vector.broadcast %mul3A_1198 : i32 to vector<16xi32>
    %mul3A_1200 = arith.muli %select_n3A_1190, %mul3A_1199 : vector<16xi32>
    %add3A_1201 = arith.addi %mul3A_1200, %select_n3A_1197 : vector<16xi32>
    %swap3A_1202 = arith.constant 624 : index
    %swap3A_1203 = tpu.vector_load %arg6[%swap3A_1202] {strides = array<i32>} : memref<784xi32, #tpu.memory_space<vmem>>, vector<16xi32>,
    %swap3A_1204 = vector.shape_cast %swap3A_1203 : vector<16xi32> to vector<16xi32>
    %swap3A_1205 = vector.shape_cast %add3A_1201 : vector<16xi32> to vector<16xi32>
    tpu.vector_store %arg6[%swap3A_1202], %swap3A_1205 {strides = array<i32>} : memref<784xi32, #tpu.memory_space<vmem>>, vector<16xi32>,
    %dma_start3A_1206 = arith.constant 512 : i32
    %dma_start3A_1207 = arith.constant 0 : i32
    %dma_start3A_1208 = tpu.memref_slice %arg7[%dma_start3A_1206, %dma_start3A_1207] : memref<784x128xf32, #tpu.memory_space<vmem>> -> memref<128x128xf32, #tpu.memory_space<vmem>>
    %dma_start3A_1209 = arith.constant 512 : i32
    %dma_start3A_1210 = tpu.memref_slice %arg6[%dma_start3A_1209] : memref<784xi32, #tpu.memory_space<vmem>> -> memref<128xi32, #tpu.memory_space<vmem>>
    %dma_start3A_1211 = arith.constant 0 : i32
    %dma_start3A_1212 = arith.constant 0 : i32
    %dma_start3A_1213 = tpu.memref_slice %arg2[%dma_start3A_1211, %dma_start3A_1212] : memref<1024x128xf32, #tpu.memory_space<hbm>> -> memref<1024x128xf32, #tpu.memory_space<hbm>>
    tpu.enqueue_indirect_dma source(%dma_start3A_1213 : memref<1024x128xf32, #tpu.memory_space<hbm>>) target(%dma_start3A_1208 : memref<128x128xf32, #tpu.memory_space<vmem>>) offsets(%dma_start3A_1210 : memref<128xi32, #tpu.memory_space<vmem>>) semaphore(%arg8 : memref<!tpu.dma_semaphore, #tpu.memory_space<semaphore_mem>>)
    %get3A_1214 = arith.constant 1280 : index
    %get3A_1215 = tpu.vector_load %arg5[%get3A_1214] {strides = array<i32>} : memref<1568xi32, #tpu.memory_space<vmem>>, vector<16xi32>,
    %get3A_1216 = vector.shape_cast %get3A_1215 : vector<16xi32> to vector<16xi32>
    %get3A_1217 = arith.constant 1296 : index
    %get3A_1218 = tpu.vector_load %arg5[%get3A_1217] {strides = array<i32>} : memref<1568xi32, #tpu.memory_space<vmem>>, vector<16xi32>,
    %get3A_1219 = vector.shape_cast %get3A_1218 : vector<16xi32> to vector<16xi32>
    %broadcast_in_dim3A_1220 = vector.shape_cast %select_n3A_27 : vector<16xi32> to vector<16x1xi32>
    %gather3A_1221 = vector.shape_cast %broadcast_in_dim3A_1220 : vector<16x1xi32> to vector<16xi32>
    %gather3A_1222 = tpu.dynamic_gather %get3A_1216[%gather3A_1221] in [0] : vector<16xi32>, vector<16xi32> -> vector<16xi32>
    %broadcast_in_dim3A_1223 = vector.shape_cast %select_n3A_27 : vector<16xi32> to vector<16x1xi32>
    %gather3A_1224 = vector.shape_cast %broadcast_in_dim3A_1223 : vector<16x1xi32> to vector<16xi32>
    %gather3A_1225 = tpu.dynamic_gather %get3A_1219[%gather3A_1224] in [0] : vector<16xi32>, vector<16xi32> -> vector<16xi32>
    %select_n3A_1226 = arith.select %lt3A_58, %gather3A_1222, %gather3A_1225 : vector<16xi1>, vector<16xi32>
    %broadcast_in_dim3A_1227 = vector.shape_cast %select_n3A_55 : vector<16xi32> to vector<16x1xi32>
    %gather3A_1228 = vector.shape_cast %broadcast_in_dim3A_1227 : vector<16x1xi32> to vector<16xi32>
    %gather3A_1229 = tpu.dynamic_gather %get3A_1216[%gather3A_1228] in [0] : vector<16xi32>, vector<16xi32> -> vector<16xi32>
    %broadcast_in_dim3A_1230 = vector.shape_cast %select_n3A_55 : vector<16xi32> to vector<16x1xi32>
    %gather3A_1231 = vector.shape_cast %broadcast_in_dim3A_1230 : vector<16x1xi32> to vector<16xi32>
    %gather3A_1232 = tpu.dynamic_gather %get3A_1219[%gather3A_1231] in [0] : vector<16xi32>, vector<16xi32> -> vector<16xi32>
    %select_n3A_1233 = arith.select %lt3A_58, %gather3A_1229, %gather3A_1232 : vector<16xi1>, vector<16xi32>
    %mul3A_1234 = arith.constant 32 : i32
    %mul3A_1235 = vector.broadcast %mul3A_1234 : i32 to vector<16xi32>
    %mul3A_1236 = arith.muli %select_n3A_1226, %mul3A_1235 : vector<16xi32>
    %add3A_1237 = arith.addi %mul3A_1236, %select_n3A_1233 : vector<16xi32>
    %swap3A_1238 = arith.constant 640 : index
    %swap3A_1239 = tpu.vector_load %arg6[%swap3A_1238] {strides = array<i32>} : memref<784xi32, #tpu.memory_space<vmem>>, vector<16xi32>,
    %swap3A_1240 = vector.shape_cast %swap3A_1239 : vector<16xi32> to vector<16xi32>
    %swap3A_1241 = vector.shape_cast %add3A_1237 : vector<16xi32> to vector<16xi32>
    tpu.vector_store %arg6[%swap3A_1238], %swap3A_1241 {strides = array<i32>} : memref<784xi32, #tpu.memory_space<vmem>>, vector<16xi32>,
    %get3A_1242 = arith.constant 1312 : index
    %get3A_1243 = tpu.vector_load %arg5[%get3A_1242] {strides = array<i32>} : memref<1568xi32, #tpu.memory_space<vmem>>, vector<16xi32>,
    %get3A_1244 = vector.shape_cast %get3A_1243 : vector<16xi32> to vector<16xi32>
    %get3A_1245 = arith.constant 1328 : index
    %get3A_1246 = tpu.vector_load %arg5[%get3A_1245] {strides = array<i32>} : memref<1568xi32, #tpu.memory_space<vmem>>, vector<16xi32>,
    %get3A_1247 = vector.shape_cast %get3A_1246 : vector<16xi32> to vector<16xi32>
    %broadcast_in_dim3A_1248 = vector.shape_cast %select_n3A_27 : vector<16xi32> to vector<16x1xi32>
    %gather3A_1249 = vector.shape_cast %broadcast_in_dim3A_1248 : vector<16x1xi32> to vector<16xi32>
    %gather3A_1250 = tpu.dynamic_gather %get3A_1244[%gather3A_1249] in [0] : vector<16xi32>, vector<16xi32> -> vector<16xi32>
    %broadcast_in_dim3A_1251 = vector.shape_cast %select_n3A_27 : vector<16xi32> to vector<16x1xi32>
    %gather3A_1252 = vector.shape_cast %broadcast_in_dim3A_1251 : vector<16x1xi32> to vector<16xi32>
    %gather3A_1253 = tpu.dynamic_gather %get3A_1247[%gather3A_1252] in [0] : vector<16xi32>, vector<16xi32> -> vector<16xi32>
    %select_n3A_1254 = arith.select %lt3A_58, %gather3A_1250, %gather3A_1253 : vector<16xi1>, vector<16xi32>
    %broadcast_in_dim3A_1255 = vector.shape_cast %select_n3A_55 : vector<16xi32> to vector<16x1xi32>
    %gather3A_1256 = vector.shape_cast %broadcast_in_dim3A_1255 : vector<16x1xi32> to vector<16xi32>
    %gather3A_1257 = tpu.dynamic_gather %get3A_1244[%gather3A_1256] in [0] : vector<16xi32>, vector<16xi32> -> vector<16xi32>
    %broadcast_in_dim3A_1258 = vector.shape_cast %select_n3A_55 : vector<16xi32> to vector<16x1xi32>
    %gather3A_1259 = vector.shape_cast %broadcast_in_dim3A_1258 : vector<16x1xi32> to vector<16xi32>
    %gather3A_1260 = tpu.dynamic_gather %get3A_1247[%gather3A_1259] in [0] : vector<16xi32>, vector<16xi32> -> vector<16xi32>
    %select_n3A_1261 = arith.select %lt3A_58, %gather3A_1257, %gather3A_1260 : vector<16xi1>, vector<16xi32>
    %mul3A_1262 = arith.constant 32 : i32
    %mul3A_1263 = vector.broadcast %mul3A_1262 : i32 to vector<16xi32>
    %mul3A_1264 = arith.muli %select_n3A_1254, %mul3A_1263 : vector<16xi32>
    %add3A_1265 = arith.addi %mul3A_1264, %select_n3A_1261 : vector<16xi32>
    %swap3A_1266 = arith.constant 656 : index
    %swap3A_1267 = tpu.vector_load %arg6[%swap3A_1266] {strides = array<i32>} : memref<784xi32, #tpu.memory_space<vmem>>, vector<16xi32>,
    %swap3A_1268 = vector.shape_cast %swap3A_1267 : vector<16xi32> to vector<16xi32>
    %swap3A_1269 = vector.shape_cast %add3A_1265 : vector<16xi32> to vector<16xi32>
    tpu.vector_store %arg6[%swap3A_1266], %swap3A_1269 {strides = array<i32>} : memref<784xi32, #tpu.memory_space<vmem>>, vector<16xi32>,
    %get3A_1270 = arith.constant 1344 : index
    %get3A_1271 = tpu.vector_load %arg5[%get3A_1270] {strides = array<i32>} : memref<1568xi32, #tpu.memory_space<vmem>>, vector<16xi32>,
    %get3A_1272 = vector.shape_cast %get3A_1271 : vector<16xi32> to vector<16xi32>
    %get3A_1273 = arith.constant 1360 : index
    %get3A_1274 = tpu.vector_load %arg5[%get3A_1273] {strides = array<i32>} : memref<1568xi32, #tpu.memory_space<vmem>>, vector<16xi32>,
    %get3A_1275 = vector.shape_cast %get3A_1274 : vector<16xi32> to vector<16xi32>
    %broadcast_in_dim3A_1276 = vector.shape_cast %select_n3A_27 : vector<16xi32> to vector<16x1xi32>
    %gather3A_1277 = vector.shape_cast %broadcast_in_dim3A_1276 : vector<16x1xi32> to vector<16xi32>
    %gather3A_1278 = tpu.dynamic_gather %get3A_1272[%gather3A_1277] in [0] : vector<16xi32>, vector<16xi32> -> vector<16xi32>
    %broadcast_in_dim3A_1279 = vector.shape_cast %select_n3A_27 : vector<16xi32> to vector<16x1xi32>
    %gather3A_1280 = vector.shape_cast %broadcast_in_dim3A_1279 : vector<16x1xi32> to vector<16xi32>
    %gather3A_1281 = tpu.dynamic_gather %get3A_1275[%gather3A_1280] in [0] : vector<16xi32>, vector<16xi32> -> vector<16xi32>
    %select_n3A_1282 = arith.select %lt3A_58, %gather3A_1278, %gather3A_1281 : vector<16xi1>, vector<16xi32>
    %broadcast_in_dim3A_1283 = vector.shape_cast %select_n3A_55 : vector<16xi32> to vector<16x1xi32>
    %gather3A_1284 = vector.shape_cast %broadcast_in_dim3A_1283 : vector<16x1xi32> to vector<16xi32>
    %gather3A_1285 = tpu.dynamic_gather %get3A_1272[%gather3A_1284] in [0] : vector<16xi32>, vector<16xi32> -> vector<16xi32>
    %broadcast_in_dim3A_1286 = vector.shape_cast %select_n3A_55 : vector<16xi32> to vector<16x1xi32>
    %gather3A_1287 = vector.shape_cast %broadcast_in_dim3A_1286 : vector<16x1xi32> to vector<16xi32>
    %gather3A_1288 = tpu.dynamic_gather %get3A_1275[%gather3A_1287] in [0] : vector<16xi32>, vector<16xi32> -> vector<16xi32>
    %select_n3A_1289 = arith.select %lt3A_58, %gather3A_1285, %gather3A_1288 : vector<16xi1>, vector<16xi32>
    %mul3A_1290 = arith.constant 32 : i32
    %mul3A_1291 = vector.broadcast %mul3A_1290 : i32 to vector<16xi32>
    %mul3A_1292 = arith.muli %select_n3A_1282, %mul3A_1291 : vector<16xi32>
    %add3A_1293 = arith.addi %mul3A_1292, %select_n3A_1289 : vector<16xi32>
    %swap3A_1294 = arith.constant 672 : index
    %swap3A_1295 = tpu.vector_load %arg6[%swap3A_1294] {strides = array<i32>} : memref<784xi32, #tpu.memory_space<vmem>>, vector<16xi32>,
    %swap3A_1296 = vector.shape_cast %swap3A_1295 : vector<16xi32> to vector<16xi32>
    %swap3A_1297 = vector.shape_cast %add3A_1293 : vector<16xi32> to vector<16xi32>
    tpu.vector_store %arg6[%swap3A_1294], %swap3A_1297 {strides = array<i32>} : memref<784xi32, #tpu.memory_space<vmem>>, vector<16xi32>,
    %get3A_1298 = arith.constant 1376 : index
    %get3A_1299 = tpu.vector_load %arg5[%get3A_1298] {strides = array<i32>} : memref<1568xi32, #tpu.memory_space<vmem>>, vector<16xi32>,
    %get3A_1300 = vector.shape_cast %get3A_1299 : vector<16xi32> to vector<16xi32>
    %get3A_1301 = arith.constant 1392 : index
    %get3A_1302 = tpu.vector_load %arg5[%get3A_1301] {strides = array<i32>} : memref<1568xi32, #tpu.memory_space<vmem>>, vector<16xi32>,
    %get3A_1303 = vector.shape_cast %get3A_1302 : vector<16xi32> to vector<16xi32>
    %broadcast_in_dim3A_1304 = vector.shape_cast %select_n3A_27 : vector<16xi32> to vector<16x1xi32>
    %gather3A_1305 = vector.shape_cast %broadcast_in_dim3A_1304 : vector<16x1xi32> to vector<16xi32>
    %gather3A_1306 = tpu.dynamic_gather %get3A_1300[%gather3A_1305] in [0] : vector<16xi32>, vector<16xi32> -> vector<16xi32>
    %broadcast_in_dim3A_1307 = vector.shape_cast %select_n3A_27 : vector<16xi32> to vector<16x1xi32>
    %gather3A_1308 = vector.shape_cast %broadcast_in_dim3A_1307 : vector<16x1xi32> to vector<16xi32>
    %gather3A_1309 = tpu.dynamic_gather %get3A_1303[%gather3A_1308] in [0] : vector<16xi32>, vector<16xi32> -> vector<16xi32>
    %select_n3A_1310 = arith.select %lt3A_58, %gather3A_1306, %gather3A_1309 : vector<16xi1>, vector<16xi32>
    %broadcast_in_dim3A_1311 = vector.shape_cast %select_n3A_55 : vector<16xi32> to vector<16x1xi32>
    %gather3A_1312 = vector.shape_cast %broadcast_in_dim3A_1311 : vector<16x1xi32> to vector<16xi32>
    %gather3A_1313 = tpu.dynamic_gather %get3A_1300[%gather3A_1312] in [0] : vector<16xi32>, vector<16xi32> -> vector<16xi32>
    %broadcast_in_dim3A_1314 = vector.shape_cast %select_n3A_55 : vector<16xi32> to vector<16x1xi32>
    %gather3A_1315 = vector.shape_cast %broadcast_in_dim3A_1314 : vector<16x1xi32> to vector<16xi32>
    %gather3A_1316 = tpu.dynamic_gather %get3A_1303[%gather3A_1315] in [0] : vector<16xi32>, vector<16xi32> -> vector<16xi32>
    %select_n3A_1317 = arith.select %lt3A_58, %gather3A_1313, %gather3A_1316 : vector<16xi1>, vector<16xi32>
    %mul3A_1318 = arith.constant 32 : i32
    %mul3A_1319 = vector.broadcast %mul3A_1318 : i32 to vector<16xi32>
    %mul3A_1320 = arith.muli %select_n3A_1310, %mul3A_1319 : vector<16xi32>
    %add3A_1321 = arith.addi %mul3A_1320, %select_n3A_1317 : vector<16xi32>
    %swap3A_1322 = arith.constant 688 : index
    %swap3A_1323 = tpu.vector_load %arg6[%swap3A_1322] {strides = array<i32>} : memref<784xi32, #tpu.memory_space<vmem>>, vector<16xi32>,
    %swap3A_1324 = vector.shape_cast %swap3A_1323 : vector<16xi32> to vector<16xi32>
    %swap3A_1325 = vector.shape_cast %add3A_1321 : vector<16xi32> to vector<16xi32>
    tpu.vector_store %arg6[%swap3A_1322], %swap3A_1325 {strides = array<i32>} : memref<784xi32, #tpu.memory_space<vmem>>, vector<16xi32>,
    %get3A_1326 = arith.constant 1408 : index
    %get3A_1327 = tpu.vector_load %arg5[%get3A_1326] {strides = array<i32>} : memref<1568xi32, #tpu.memory_space<vmem>>, vector<16xi32>,
    %get3A_1328 = vector.shape_cast %get3A_1327 : vector<16xi32> to vector<16xi32>
    %get3A_1329 = arith.constant 1424 : index
    %get3A_1330 = tpu.vector_load %arg5[%get3A_1329] {strides = array<i32>} : memref<1568xi32, #tpu.memory_space<vmem>>, vector<16xi32>,
    %get3A_1331 = vector.shape_cast %get3A_1330 : vector<16xi32> to vector<16xi32>
    %broadcast_in_dim3A_1332 = vector.shape_cast %select_n3A_27 : vector<16xi32> to vector<16x1xi32>
    %gather3A_1333 = vector.shape_cast %broadcast_in_dim3A_1332 : vector<16x1xi32> to vector<16xi32>
    %gather3A_1334 = tpu.dynamic_gather %get3A_1328[%gather3A_1333] in [0] : vector<16xi32>, vector<16xi32> -> vector<16xi32>
    %broadcast_in_dim3A_1335 = vector.shape_cast %select_n3A_27 : vector<16xi32> to vector<16x1xi32>
    %gather3A_1336 = vector.shape_cast %broadcast_in_dim3A_1335 : vector<16x1xi32> to vector<16xi32>
    %gather3A_1337 = tpu.dynamic_gather %get3A_1331[%gather3A_1336] in [0] : vector<16xi32>, vector<16xi32> -> vector<16xi32>
    %select_n3A_1338 = arith.select %lt3A_58, %gather3A_1334, %gather3A_1337 : vector<16xi1>, vector<16xi32>
    %broadcast_in_dim3A_1339 = vector.shape_cast %select_n3A_55 : vector<16xi32> to vector<16x1xi32>
    %gather3A_1340 = vector.shape_cast %broadcast_in_dim3A_1339 : vector<16x1xi32> to vector<16xi32>
    %gather3A_1341 = tpu.dynamic_gather %get3A_1328[%gather3A_1340] in [0] : vector<16xi32>, vector<16xi32> -> vector<16xi32>
    %broadcast_in_dim3A_1342 = vector.shape_cast %select_n3A_55 : vector<16xi32> to vector<16x1xi32>
    %gather3A_1343 = vector.shape_cast %broadcast_in_dim3A_1342 : vector<16x1xi32> to vector<16xi32>
    %gather3A_1344 = tpu.dynamic_gather %get3A_1331[%gather3A_1343] in [0] : vector<16xi32>, vector<16xi32> -> vector<16xi32>
    %select_n3A_1345 = arith.select %lt3A_58, %gather3A_1341, %gather3A_1344 : vector<16xi1>, vector<16xi32>
    %mul3A_1346 = arith.constant 32 : i32
    %mul3A_1347 = vector.broadcast %mul3A_1346 : i32 to vector<16xi32>
    %mul3A_1348 = arith.muli %select_n3A_1338, %mul3A_1347 : vector<16xi32>
    %add3A_1349 = arith.addi %mul3A_1348, %select_n3A_1345 : vector<16xi32>
    %swap3A_1350 = arith.constant 704 : index
    %swap3A_1351 = tpu.vector_load %arg6[%swap3A_1350] {strides = array<i32>} : memref<784xi32, #tpu.memory_space<vmem>>, vector<16xi32>,
    %swap3A_1352 = vector.shape_cast %swap3A_1351 : vector<16xi32> to vector<16xi32>
    %swap3A_1353 = vector.shape_cast %add3A_1349 : vector<16xi32> to vector<16xi32>
    tpu.vector_store %arg6[%swap3A_1350], %swap3A_1353 {strides = array<i32>} : memref<784xi32, #tpu.memory_space<vmem>>, vector<16xi32>,
    %get3A_1354 = arith.constant 1440 : index
    %get3A_1355 = tpu.vector_load %arg5[%get3A_1354] {strides = array<i32>} : memref<1568xi32, #tpu.memory_space<vmem>>, vector<16xi32>,
    %get3A_1356 = vector.shape_cast %get3A_1355 : vector<16xi32> to vector<16xi32>
    %get3A_1357 = arith.constant 1456 : index
    %get3A_1358 = tpu.vector_load %arg5[%get3A_1357] {strides = array<i32>} : memref<1568xi32, #tpu.memory_space<vmem>>, vector<16xi32>,
    %get3A_1359 = vector.shape_cast %get3A_1358 : vector<16xi32> to vector<16xi32>
    %broadcast_in_dim3A_1360 = vector.shape_cast %select_n3A_27 : vector<16xi32> to vector<16x1xi32>
    %gather3A_1361 = vector.shape_cast %broadcast_in_dim3A_1360 : vector<16x1xi32> to vector<16xi32>
    %gather3A_1362 = tpu.dynamic_gather %get3A_1356[%gather3A_1361] in [0] : vector<16xi32>, vector<16xi32> -> vector<16xi32>
    %broadcast_in_dim3A_1363 = vector.shape_cast %select_n3A_27 : vector<16xi32> to vector<16x1xi32>
    %gather3A_1364 = vector.shape_cast %broadcast_in_dim3A_1363 : vector<16x1xi32> to vector<16xi32>
    %gather3A_1365 = tpu.dynamic_gather %get3A_1359[%gather3A_1364] in [0] : vector<16xi32>, vector<16xi32> -> vector<16xi32>
    %select_n3A_1366 = arith.select %lt3A_58, %gather3A_1362, %gather3A_1365 : vector<16xi1>, vector<16xi32>
    %broadcast_in_dim3A_1367 = vector.shape_cast %select_n3A_55 : vector<16xi32> to vector<16x1xi32>
    %gather3A_1368 = vector.shape_cast %broadcast_in_dim3A_1367 : vector<16x1xi32> to vector<16xi32>
    %gather3A_1369 = tpu.dynamic_gather %get3A_1356[%gather3A_1368] in [0] : vector<16xi32>, vector<16xi32> -> vector<16xi32>
    %broadcast_in_dim3A_1370 = vector.shape_cast %select_n3A_55 : vector<16xi32> to vector<16x1xi32>
    %gather3A_1371 = vector.shape_cast %broadcast_in_dim3A_1370 : vector<16x1xi32> to vector<16xi32>
    %gather3A_1372 = tpu.dynamic_gather %get3A_1359[%gather3A_1371] in [0] : vector<16xi32>, vector<16xi32> -> vector<16xi32>
    %select_n3A_1373 = arith.select %lt3A_58, %gather3A_1369, %gather3A_1372 : vector<16xi1>, vector<16xi32>
    %mul3A_1374 = arith.constant 32 : i32
    %mul3A_1375 = vector.broadcast %mul3A_1374 : i32 to vector<16xi32>
    %mul3A_1376 = arith.muli %select_n3A_1366, %mul3A_1375 : vector<16xi32>
    %add3A_1377 = arith.addi %mul3A_1376, %select_n3A_1373 : vector<16xi32>
    %swap3A_1378 = arith.constant 720 : index
    %swap3A_1379 = tpu.vector_load %arg6[%swap3A_1378] {strides = array<i32>} : memref<784xi32, #tpu.memory_space<vmem>>, vector<16xi32>,
    %swap3A_1380 = vector.shape_cast %swap3A_1379 : vector<16xi32> to vector<16xi32>
    %swap3A_1381 = vector.shape_cast %add3A_1377 : vector<16xi32> to vector<16xi32>
    tpu.vector_store %arg6[%swap3A_1378], %swap3A_1381 {strides = array<i32>} : memref<784xi32, #tpu.memory_space<vmem>>, vector<16xi32>,
    %get3A_1382 = arith.constant 1472 : index
    %get3A_1383 = tpu.vector_load %arg5[%get3A_1382] {strides = array<i32>} : memref<1568xi32, #tpu.memory_space<vmem>>, vector<16xi32>,
    %get3A_1384 = vector.shape_cast %get3A_1383 : vector<16xi32> to vector<16xi32>
    %get3A_1385 = arith.constant 1488 : index
    %get3A_1386 = tpu.vector_load %arg5[%get3A_1385] {strides = array<i32>} : memref<1568xi32, #tpu.memory_space<vmem>>, vector<16xi32>,
    %get3A_1387 = vector.shape_cast %get3A_1386 : vector<16xi32> to vector<16xi32>
    %broadcast_in_dim3A_1388 = vector.shape_cast %select_n3A_27 : vector<16xi32> to vector<16x1xi32>
    %gather3A_1389 = vector.shape_cast %broadcast_in_dim3A_1388 : vector<16x1xi32> to vector<16xi32>
    %gather3A_1390 = tpu.dynamic_gather %get3A_1384[%gather3A_1389] in [0] : vector<16xi32>, vector<16xi32> -> vector<16xi32>
    %broadcast_in_dim3A_1391 = vector.shape_cast %select_n3A_27 : vector<16xi32> to vector<16x1xi32>
    %gather3A_1392 = vector.shape_cast %broadcast_in_dim3A_1391 : vector<16x1xi32> to vector<16xi32>
    %gather3A_1393 = tpu.dynamic_gather %get3A_1387[%gather3A_1392] in [0] : vector<16xi32>, vector<16xi32> -> vector<16xi32>
    %select_n3A_1394 = arith.select %lt3A_58, %gather3A_1390, %gather3A_1393 : vector<16xi1>, vector<16xi32>
    %broadcast_in_dim3A_1395 = vector.shape_cast %select_n3A_55 : vector<16xi32> to vector<16x1xi32>
    %gather3A_1396 = vector.shape_cast %broadcast_in_dim3A_1395 : vector<16x1xi32> to vector<16xi32>
    %gather3A_1397 = tpu.dynamic_gather %get3A_1384[%gather3A_1396] in [0] : vector<16xi32>, vector<16xi32> -> vector<16xi32>
    %broadcast_in_dim3A_1398 = vector.shape_cast %select_n3A_55 : vector<16xi32> to vector<16x1xi32>
    %gather3A_1399 = vector.shape_cast %broadcast_in_dim3A_1398 : vector<16x1xi32> to vector<16xi32>
    %gather3A_1400 = tpu.dynamic_gather %get3A_1387[%gather3A_1399] in [0] : vector<16xi32>, vector<16xi32> -> vector<16xi32>
    %select_n3A_1401 = arith.select %lt3A_58, %gather3A_1397, %gather3A_1400 : vector<16xi1>, vector<16xi32>
    %mul3A_1402 = arith.constant 32 : i32
    %mul3A_1403 = vector.broadcast %mul3A_1402 : i32 to vector<16xi32>
    %mul3A_1404 = arith.muli %select_n3A_1394, %mul3A_1403 : vector<16xi32>
    %add3A_1405 = arith.addi %mul3A_1404, %select_n3A_1401 : vector<16xi32>
    %swap3A_1406 = arith.constant 736 : index
    %swap3A_1407 = tpu.vector_load %arg6[%swap3A_1406] {strides = array<i32>} : memref<784xi32, #tpu.memory_space<vmem>>, vector<16xi32>,
    %swap3A_1408 = vector.shape_cast %swap3A_1407 : vector<16xi32> to vector<16xi32>
    %swap3A_1409 = vector.shape_cast %add3A_1405 : vector<16xi32> to vector<16xi32>
    tpu.vector_store %arg6[%swap3A_1406], %swap3A_1409 {strides = array<i32>} : memref<784xi32, #tpu.memory_space<vmem>>, vector<16xi32>,
    %get3A_1410 = arith.constant 1504 : index
    %get3A_1411 = tpu.vector_load %arg5[%get3A_1410] {strides = array<i32>} : memref<1568xi32, #tpu.memory_space<vmem>>, vector<16xi32>,
    %get3A_1412 = vector.shape_cast %get3A_1411 : vector<16xi32> to vector<16xi32>
    %get3A_1413 = arith.constant 1520 : index
    %get3A_1414 = tpu.vector_load %arg5[%get3A_1413] {strides = array<i32>} : memref<1568xi32, #tpu.memory_space<vmem>>, vector<16xi32>,
    %get3A_1415 = vector.shape_cast %get3A_1414 : vector<16xi32> to vector<16xi32>
    %broadcast_in_dim3A_1416 = vector.shape_cast %select_n3A_27 : vector<16xi32> to vector<16x1xi32>
    %gather3A_1417 = vector.shape_cast %broadcast_in_dim3A_1416 : vector<16x1xi32> to vector<16xi32>
    %gather3A_1418 = tpu.dynamic_gather %get3A_1412[%gather3A_1417] in [0] : vector<16xi32>, vector<16xi32> -> vector<16xi32>
    %broadcast_in_dim3A_1419 = vector.shape_cast %select_n3A_27 : vector<16xi32> to vector<16x1xi32>
    %gather3A_1420 = vector.shape_cast %broadcast_in_dim3A_1419 : vector<16x1xi32> to vector<16xi32>
    %gather3A_1421 = tpu.dynamic_gather %get3A_1415[%gather3A_1420] in [0] : vector<16xi32>, vector<16xi32> -> vector<16xi32>
    %select_n3A_1422 = arith.select %lt3A_58, %gather3A_1418, %gather3A_1421 : vector<16xi1>, vector<16xi32>
    %broadcast_in_dim3A_1423 = vector.shape_cast %select_n3A_55 : vector<16xi32> to vector<16x1xi32>
    %gather3A_1424 = vector.shape_cast %broadcast_in_dim3A_1423 : vector<16x1xi32> to vector<16xi32>
    %gather3A_1425 = tpu.dynamic_gather %get3A_1412[%gather3A_1424] in [0] : vector<16xi32>, vector<16xi32> -> vector<16xi32>
    %broadcast_in_dim3A_1426 = vector.shape_cast %select_n3A_55 : vector<16xi32> to vector<16x1xi32>
    %gather3A_1427 = vector.shape_cast %broadcast_in_dim3A_1426 : vector<16x1xi32> to vector<16xi32>
    %gather3A_1428 = tpu.dynamic_gather %get3A_1415[%gather3A_1427] in [0] : vector<16xi32>, vector<16xi32> -> vector<16xi32>
    %select_n3A_1429 = arith.select %lt3A_58, %gather3A_1425, %gather3A_1428 : vector<16xi1>, vector<16xi32>
    %mul3A_1430 = arith.constant 32 : i32
    %mul3A_1431 = vector.broadcast %mul3A_1430 : i32 to vector<16xi32>
    %mul3A_1432 = arith.muli %select_n3A_1422, %mul3A_1431 : vector<16xi32>
    %add3A_1433 = arith.addi %mul3A_1432, %select_n3A_1429 : vector<16xi32>
    %swap3A_1434 = arith.constant 752 : index
    %swap3A_1435 = tpu.vector_load %arg6[%swap3A_1434] {strides = array<i32>} : memref<784xi32, #tpu.memory_space<vmem>>, vector<16xi32>,
    %swap3A_1436 = vector.shape_cast %swap3A_1435 : vector<16xi32> to vector<16xi32>
    %swap3A_1437 = vector.shape_cast %add3A_1433 : vector<16xi32> to vector<16xi32>
    tpu.vector_store %arg6[%swap3A_1434], %swap3A_1437 {strides = array<i32>} : memref<784xi32, #tpu.memory_space<vmem>>, vector<16xi32>,
    %dma_start3A_1438 = arith.constant 640 : i32
    %dma_start3A_1439 = arith.constant 0 : i32
    %dma_start3A_1440 = tpu.memref_slice %arg7[%dma_start3A_1438, %dma_start3A_1439] : memref<784x128xf32, #tpu.memory_space<vmem>> -> memref<128x128xf32, #tpu.memory_space<vmem>>
    %dma_start3A_1441 = arith.constant 640 : i32
    %dma_start3A_1442 = tpu.memref_slice %arg6[%dma_start3A_1441] : memref<784xi32, #tpu.memory_space<vmem>> -> memref<128xi32, #tpu.memory_space<vmem>>
    %dma_start3A_1443 = arith.constant 0 : i32
    %dma_start3A_1444 = arith.constant 0 : i32
    %dma_start3A_1445 = tpu.memref_slice %arg2[%dma_start3A_1443, %dma_start3A_1444] : memref<1024x128xf32, #tpu.memory_space<hbm>> -> memref<1024x128xf32, #tpu.memory_space<hbm>>
    tpu.enqueue_indirect_dma source(%dma_start3A_1445 : memref<1024x128xf32, #tpu.memory_space<hbm>>) target(%dma_start3A_1440 : memref<128x128xf32, #tpu.memory_space<vmem>>) offsets(%dma_start3A_1442 : memref<128xi32, #tpu.memory_space<vmem>>) semaphore(%arg8 : memref<!tpu.dma_semaphore, #tpu.memory_space<semaphore_mem>>)
    %get3A_1446 = arith.constant 1536 : index
    %get3A_1447 = tpu.vector_load %arg5[%get3A_1446] {strides = array<i32>} : memref<1568xi32, #tpu.memory_space<vmem>>, vector<16xi32>,
    %get3A_1448 = vector.shape_cast %get3A_1447 : vector<16xi32> to vector<16xi32>
    %get3A_1449 = arith.constant 1552 : index
    %get3A_1450 = tpu.vector_load %arg5[%get3A_1449] {strides = array<i32>} : memref<1568xi32, #tpu.memory_space<vmem>>, vector<16xi32>,
    %get3A_1451 = vector.shape_cast %get3A_1450 : vector<16xi32> to vector<16xi32>
    %broadcast_in_dim3A_1452 = vector.shape_cast %select_n3A_27 : vector<16xi32> to vector<16x1xi32>
    %gather3A_1453 = vector.shape_cast %broadcast_in_dim3A_1452 : vector<16x1xi32> to vector<16xi32>
    %gather3A_1454 = tpu.dynamic_gather %get3A_1448[%gather3A_1453] in [0] : vector<16xi32>, vector<16xi32> -> vector<16xi32>
    %broadcast_in_dim3A_1455 = vector.shape_cast %select_n3A_27 : vector<16xi32> to vector<16x1xi32>
    %gather3A_1456 = vector.shape_cast %broadcast_in_dim3A_1455 : vector<16x1xi32> to vector<16xi32>
    %gather3A_1457 = tpu.dynamic_gather %get3A_1451[%gather3A_1456] in [0] : vector<16xi32>, vector<16xi32> -> vector<16xi32>
    %select_n3A_1458 = arith.select %lt3A_58, %gather3A_1454, %gather3A_1457 : vector<16xi1>, vector<16xi32>
    %broadcast_in_dim3A_1459 = vector.shape_cast %select_n3A_55 : vector<16xi32> to vector<16x1xi32>
    %gather3A_1460 = vector.shape_cast %broadcast_in_dim3A_1459 : vector<16x1xi32> to vector<16xi32>
    %gather3A_1461 = tpu.dynamic_gather %get3A_1448[%gather3A_1460] in [0] : vector<16xi32>, vector<16xi32> -> vector<16xi32>
    %broadcast_in_dim3A_1462 = vector.shape_cast %select_n3A_55 : vector<16xi32> to vector<16x1xi32>
    %gather3A_1463 = vector.shape_cast %broadcast_in_dim3A_1462 : vector<16x1xi32> to vector<16xi32>
    %gather3A_1464 = tpu.dynamic_gather %get3A_1451[%gather3A_1463] in [0] : vector<16xi32>, vector<16xi32> -> vector<16xi32>
    %select_n3A_1465 = arith.select %lt3A_58, %gather3A_1461, %gather3A_1464 : vector<16xi1>, vector<16xi32>
    %mul3A_1466 = arith.constant 32 : i32
    %mul3A_1467 = vector.broadcast %mul3A_1466 : i32 to vector<16xi32>
    %mul3A_1468 = arith.muli %select_n3A_1458, %mul3A_1467 : vector<16xi32>
    %add3A_1469 = arith.addi %mul3A_1468, %select_n3A_1465 : vector<16xi32>
    %swap3A_1470 = arith.constant 768 : index
    %swap3A_1471 = tpu.vector_load %arg6[%swap3A_1470] {strides = array<i32>} : memref<784xi32, #tpu.memory_space<vmem>>, vector<16xi32>,
    %swap3A_1472 = vector.shape_cast %swap3A_1471 : vector<16xi32> to vector<16xi32>
    %swap3A_1473 = vector.shape_cast %add3A_1469 : vector<16xi32> to vector<16xi32>
    tpu.vector_store %arg6[%swap3A_1470], %swap3A_1473 {strides = array<i32>} : memref<784xi32, #tpu.memory_space<vmem>>, vector<16xi32>,
    %dma_start3A_1474 = arith.constant 768 : i32
    %dma_start3A_1475 = arith.constant 0 : i32
    %dma_start3A_1476 = tpu.memref_slice %arg7[%dma_start3A_1474, %dma_start3A_1475] : memref<784x128xf32, #tpu.memory_space<vmem>> -> memref<16x128xf32, #tpu.memory_space<vmem>>
    %dma_start3A_1477 = arith.constant 768 : i32
    %dma_start3A_1478 = tpu.memref_slice %arg6[%dma_start3A_1477] : memref<784xi32, #tpu.memory_space<vmem>> -> memref<16xi32, #tpu.memory_space<vmem>>
    %dma_start3A_1479 = arith.constant 0 : i32
    %dma_start3A_1480 = arith.constant 0 : i32
    %dma_start3A_1481 = tpu.memref_slice %arg2[%dma_start3A_1479, %dma_start3A_1480] : memref<1024x128xf32, #tpu.memory_space<hbm>> -> memref<1024x128xf32, #tpu.memory_space<hbm>>
    tpu.enqueue_indirect_dma source(%dma_start3A_1481 : memref<1024x128xf32, #tpu.memory_space<hbm>>) target(%dma_start3A_1476 : memref<16x128xf32, #tpu.memory_space<vmem>>) offsets(%dma_start3A_1478 : memref<16xi32, #tpu.memory_space<vmem>>) semaphore(%arg8 : memref<!tpu.dma_semaphore, #tpu.memory_space<semaphore_mem>>)
    %dma_wait3A = arith.constant 0 : i32
    %dma_wait3A_1482 = arith.constant 0 : i32
    %dma_wait3A_1483 = tpu.memref_slice %arg7[%dma_wait3A, %dma_wait3A_1482] : memref<784x128xf32, #tpu.memory_space<vmem>> -> memref<128x128xf32, #tpu.memory_space<vmem>>
    %dma_wait3A_1484 = arith.constant 0 : i32
    %dma_wait3A_1485 = tpu.memref_slice %arg6[%dma_wait3A_1484] : memref<784xi32, #tpu.memory_space<vmem>> -> memref<128xi32, #tpu.memory_space<vmem>>
    %dma_wait3A_1486 = arith.constant 0 : i32
    %dma_wait3A_1487 = arith.constant 0 : i32
    %dma_wait3A_1488 = tpu.memref_slice %arg2[%dma_wait3A_1486, %dma_wait3A_1487] : memref<1024x128xf32, #tpu.memory_space<hbm>> -> memref<1024x128xf32, #tpu.memory_space<hbm>>
    tpu.wait_indirect_dma semaphore(%arg8 : memref<!tpu.dma_semaphore, #tpu.memory_space<semaphore_mem>>) src(%dma_wait3A_1488 : memref<1024x128xf32, #tpu.memory_space<hbm>>) dst(%dma_wait3A_1483 : memref<128x128xf32, #tpu.memory_space<vmem>>)
    %add3A_1489 = arith.constant 0 : i32
    %add3A_1490 = arith.addi %multiple_of3A, %add3A_1489 : i32
    %dma_start3A_1491 = arith.constant 0 : i32
    %dma_start3A_1492 = arith.constant 0 : i32
    %dma_start3A_1493 = tpu.memref_slice %arg7[%dma_start3A_1491, %dma_start3A_1492] : memref<784x128xf32, #tpu.memory_space<vmem>> -> memref<128x128xf32, #tpu.memory_space<vmem>>
    %dma_start3A_1494 = arith.constant 0 : i32
    %dma_start3A_1495 = tpu.memref_slice %arg4[%add3A_1490, %dma_start3A_1494] : memref<25000x128xf32, #tpu.memory_space<hbm>> -> memref<128x128xf32, #tpu.memory_space<hbm>>
    %dma_start3A_1496 = arith.constant 0 : i32
    %dma_start3A_1497 = tpu.memref_slice %arg4[%add3A_1490, %dma_start3A_1496] : memref<25000x128xf32, #tpu.memory_space<hbm>> -> memref<128x128xf32, #tpu.memory_space<hbm>>
    %dma_start3A_1498 = arith.constant 0 : i32
    %dma_start3A_1499 = arith.constant 0 : i32
    %dma_start3A_1500 = tpu.memref_slice %arg7[%dma_start3A_1498, %dma_start3A_1499] : memref<784x128xf32, #tpu.memory_space<vmem>> -> memref<128x128xf32, #tpu.memory_space<vmem>>
    tpu.enqueue_dma source(%dma_start3A_1500 : memref<128x128xf32, #tpu.memory_space<vmem>>) target(%dma_start3A_1497 : memref<128x128xf32, #tpu.memory_space<hbm>>) target_semaphore(%arg9 : memref<!tpu.dma_semaphore, #tpu.memory_space<semaphore_mem>>)
    %dma_wait3A_1501 = arith.constant 128 : i32
    %dma_wait3A_1502 = arith.constant 0 : i32
    %dma_wait3A_1503 = tpu.memref_slice %arg7[%dma_wait3A_1501, %dma_wait3A_1502] : memref<784x128xf32, #tpu.memory_space<vmem>> -> memref<128x128xf32, #tpu.memory_space<vmem>>
    %dma_wait3A_1504 = arith.constant 128 : i32
    %dma_wait3A_1505 = tpu.memref_slice %arg6[%dma_wait3A_1504] : memref<784xi32, #tpu.memory_space<vmem>> -> memref<128xi32, #tpu.memory_space<vmem>>
    %dma_wait3A_1506 = arith.constant 0 : i32
    %dma_wait3A_1507 = arith.constant 0 : i32
    %dma_wait3A_1508 = tpu.memref_slice %arg2[%dma_wait3A_1506, %dma_wait3A_1507] : memref<1024x128xf32, #tpu.memory_space<hbm>> -> memref<1024x128xf32, #tpu.memory_space<hbm>>
    tpu.wait_indirect_dma semaphore(%arg8 : memref<!tpu.dma_semaphore, #tpu.memory_space<semaphore_mem>>) src(%dma_wait3A_1508 : memref<1024x128xf32, #tpu.memory_space<hbm>>) dst(%dma_wait3A_1503 : memref<128x128xf32, #tpu.memory_space<vmem>>)
    %add3A_1509 = arith.constant 128 : i32
    %add3A_1510 = arith.addi %multiple_of3A, %add3A_1509 : i32
    %dma_start3A_1511 = arith.constant 128 : i32
    %dma_start3A_1512 = arith.constant 0 : i32
    %dma_start3A_1513 = tpu.memref_slice %arg7[%dma_start3A_1511, %dma_start3A_1512] : memref<784x128xf32, #tpu.memory_space<vmem>> -> memref<128x128xf32, #tpu.memory_space<vmem>>
    %dma_start3A_1514 = arith.constant 0 : i32
    %dma_start3A_1515 = tpu.memref_slice %arg4[%add3A_1510, %dma_start3A_1514] : memref<25000x128xf32, #tpu.memory_space<hbm>> -> memref<128x128xf32, #tpu.memory_space<hbm>>
    %dma_start3A_1516 = arith.constant 0 : i32
    %dma_start3A_1517 = tpu.memref_slice %arg4[%add3A_1510, %dma_start3A_1516] : memref<25000x128xf32, #tpu.memory_space<hbm>> -> memref<128x128xf32, #tpu.memory_space<hbm>>
    %dma_start3A_1518 = arith.constant 128 : i32
    %dma_start3A_1519 = arith.constant 0 : i32
    %dma_start3A_1520 = tpu.memref_slice %arg7[%dma_start3A_1518, %dma_start3A_1519] : memref<784x128xf32, #tpu.memory_space<vmem>> -> memref<128x128xf32, #tpu.memory_space<vmem>>
    tpu.enqueue_dma source(%dma_start3A_1520 : memref<128x128xf32, #tpu.memory_space<vmem>>) target(%dma_start3A_1517 : memref<128x128xf32, #tpu.memory_space<hbm>>) target_semaphore(%arg9 : memref<!tpu.dma_semaphore, #tpu.memory_space<semaphore_mem>>)
    %dma_wait3A_1521 = arith.constant 256 : i32
    %dma_wait3A_1522 = arith.constant 0 : i32
    %dma_wait3A_1523 = tpu.memref_slice %arg7[%dma_wait3A_1521, %dma_wait3A_1522] : memref<784x128xf32, #tpu.memory_space<vmem>> -> memref<128x128xf32, #tpu.memory_space<vmem>>
    %dma_wait3A_1524 = arith.constant 256 : i32
    %dma_wait3A_1525 = tpu.memref_slice %arg6[%dma_wait3A_1524] : memref<784xi32, #tpu.memory_space<vmem>> -> memref<128xi32, #tpu.memory_space<vmem>>
    %dma_wait3A_1526 = arith.constant 0 : i32
    %dma_wait3A_1527 = arith.constant 0 : i32
    %dma_wait3A_1528 = tpu.memref_slice %arg2[%dma_wait3A_1526, %dma_wait3A_1527] : memref<1024x128xf32, #tpu.memory_space<hbm>> -> memref<1024x128xf32, #tpu.memory_space<hbm>>
    tpu.wait_indirect_dma semaphore(%arg8 : memref<!tpu.dma_semaphore, #tpu.memory_space<semaphore_mem>>) src(%dma_wait3A_1528 : memref<1024x128xf32, #tpu.memory_space<hbm>>) dst(%dma_wait3A_1523 : memref<128x128xf32, #tpu.memory_space<vmem>>)
    %add3A_1529 = arith.constant 256 : i32
    %add3A_1530 = arith.addi %multiple_of3A, %add3A_1529 : i32
    %dma_start3A_1531 = arith.constant 256 : i32
    %dma_start3A_1532 = arith.constant 0 : i32
    %dma_start3A_1533 = tpu.memref_slice %arg7[%dma_start3A_1531, %dma_start3A_1532] : memref<784x128xf32, #tpu.memory_space<vmem>> -> memref<128x128xf32, #tpu.memory_space<vmem>>
    %dma_start3A_1534 = arith.constant 0 : i32
    %dma_start3A_1535 = tpu.memref_slice %arg4[%add3A_1530, %dma_start3A_1534] : memref<25000x128xf32, #tpu.memory_space<hbm>> -> memref<128x128xf32, #tpu.memory_space<hbm>>
    %dma_start3A_1536 = arith.constant 0 : i32
    %dma_start3A_1537 = tpu.memref_slice %arg4[%add3A_1530, %dma_start3A_1536] : memref<25000x128xf32, #tpu.memory_space<hbm>> -> memref<128x128xf32, #tpu.memory_space<hbm>>
    %dma_start3A_1538 = arith.constant 256 : i32
    %dma_start3A_1539 = arith.constant 0 : i32
    %dma_start3A_1540 = tpu.memref_slice %arg7[%dma_start3A_1538, %dma_start3A_1539] : memref<784x128xf32, #tpu.memory_space<vmem>> -> memref<128x128xf32, #tpu.memory_space<vmem>>
    tpu.enqueue_dma source(%dma_start3A_1540 : memref<128x128xf32, #tpu.memory_space<vmem>>) target(%dma_start3A_1537 : memref<128x128xf32, #tpu.memory_space<hbm>>) target_semaphore(%arg9 : memref<!tpu.dma_semaphore, #tpu.memory_space<semaphore_mem>>)
    %dma_wait3A_1541 = arith.constant 384 : i32
    %dma_wait3A_1542 = arith.constant 0 : i32
    %dma_wait3A_1543 = tpu.memref_slice %arg7[%dma_wait3A_1541, %dma_wait3A_1542] : memref<784x128xf32, #tpu.memory_space<vmem>> -> memref<128x128xf32, #tpu.memory_space<vmem>>
    %dma_wait3A_1544 = arith.constant 384 : i32
    %dma_wait3A_1545 = tpu.memref_slice %arg6[%dma_wait3A_1544] : memref<784xi32, #tpu.memory_space<vmem>> -> memref<128xi32, #tpu.memory_space<vmem>>
    %dma_wait3A_1546 = arith.constant 0 : i32
    %dma_wait3A_1547 = arith.constant 0 : i32
    %dma_wait3A_1548 = tpu.memref_slice %arg2[%dma_wait3A_1546, %dma_wait3A_1547] : memref<1024x128xf32, #tpu.memory_space<hbm>> -> memref<1024x128xf32, #tpu.memory_space<hbm>>
    tpu.wait_indirect_dma semaphore(%arg8 : memref<!tpu.dma_semaphore, #tpu.memory_space<semaphore_mem>>) src(%dma_wait3A_1548 : memref<1024x128xf32, #tpu.memory_space<hbm>>) dst(%dma_wait3A_1543 : memref<128x128xf32, #tpu.memory_space<vmem>>)
    %add3A_1549 = arith.constant 384 : i32
    %add3A_1550 = arith.addi %multiple_of3A, %add3A_1549 : i32
    %dma_start3A_1551 = arith.constant 384 : i32
    %dma_start3A_1552 = arith.constant 0 : i32
    %dma_start3A_1553 = tpu.memref_slice %arg7[%dma_start3A_1551, %dma_start3A_1552] : memref<784x128xf32, #tpu.memory_space<vmem>> -> memref<128x128xf32, #tpu.memory_space<vmem>>
    %dma_start3A_1554 = arith.constant 0 : i32
    %dma_start3A_1555 = tpu.memref_slice %arg4[%add3A_1550, %dma_start3A_1554] : memref<25000x128xf32, #tpu.memory_space<hbm>> -> memref<128x128xf32, #tpu.memory_space<hbm>>
    %dma_start3A_1556 = arith.constant 0 : i32
    %dma_start3A_1557 = tpu.memref_slice %arg4[%add3A_1550, %dma_start3A_1556] : memref<25000x128xf32, #tpu.memory_space<hbm>> -> memref<128x128xf32, #tpu.memory_space<hbm>>
    %dma_start3A_1558 = arith.constant 384 : i32
    %dma_start3A_1559 = arith.constant 0 : i32
    %dma_start3A_1560 = tpu.memref_slice %arg7[%dma_start3A_1558, %dma_start3A_1559] : memref<784x128xf32, #tpu.memory_space<vmem>> -> memref<128x128xf32, #tpu.memory_space<vmem>>
    tpu.enqueue_dma source(%dma_start3A_1560 : memref<128x128xf32, #tpu.memory_space<vmem>>) target(%dma_start3A_1557 : memref<128x128xf32, #tpu.memory_space<hbm>>) target_semaphore(%arg9 : memref<!tpu.dma_semaphore, #tpu.memory_space<semaphore_mem>>)
    %dma_wait3A_1561 = arith.constant 512 : i32
    %dma_wait3A_1562 = arith.constant 0 : i32
    %dma_wait3A_1563 = tpu.memref_slice %arg7[%dma_wait3A_1561, %dma_wait3A_1562] : memref<784x128xf32, #tpu.memory_space<vmem>> -> memref<128x128xf32, #tpu.memory_space<vmem>>
    %dma_wait3A_1564 = arith.constant 512 : i32
    %dma_wait3A_1565 = tpu.memref_slice %arg6[%dma_wait3A_1564] : memref<784xi32, #tpu.memory_space<vmem>> -> memref<128xi32, #tpu.memory_space<vmem>>
    %dma_wait3A_1566 = arith.constant 0 : i32
    %dma_wait3A_1567 = arith.constant 0 : i32
    %dma_wait3A_1568 = tpu.memref_slice %arg2[%dma_wait3A_1566, %dma_wait3A_1567] : memref<1024x128xf32, #tpu.memory_space<hbm>> -> memref<1024x128xf32, #tpu.memory_space<hbm>>
    tpu.wait_indirect_dma semaphore(%arg8 : memref<!tpu.dma_semaphore, #tpu.memory_space<semaphore_mem>>) src(%dma_wait3A_1568 : memref<1024x128xf32, #tpu.memory_space<hbm>>) dst(%dma_wait3A_1563 : memref<128x128xf32, #tpu.memory_space<vmem>>)
    %add3A_1569 = arith.constant 512 : i32
    %add3A_1570 = arith.addi %multiple_of3A, %add3A_1569 : i32
    %dma_start3A_1571 = arith.constant 512 : i32
    %dma_start3A_1572 = arith.constant 0 : i32
    %dma_start3A_1573 = tpu.memref_slice %arg7[%dma_start3A_1571, %dma_start3A_1572] : memref<784x128xf32, #tpu.memory_space<vmem>> -> memref<128x128xf32, #tpu.memory_space<vmem>>
    %dma_start3A_1574 = arith.constant 0 : i32
    %dma_start3A_1575 = tpu.memref_slice %arg4[%add3A_1570, %dma_start3A_1574] : memref<25000x128xf32, #tpu.memory_space<hbm>> -> memref<128x128xf32, #tpu.memory_space<hbm>>
    %dma_start3A_1576 = arith.constant 0 : i32
    %dma_start3A_1577 = tpu.memref_slice %arg4[%add3A_1570, %dma_start3A_1576] : memref<25000x128xf32, #tpu.memory_space<hbm>> -> memref<128x128xf32, #tpu.memory_space<hbm>>
    %dma_start3A_1578 = arith.constant 512 : i32
    %dma_start3A_1579 = arith.constant 0 : i32
    %dma_start3A_1580 = tpu.memref_slice %arg7[%dma_start3A_1578, %dma_start3A_1579] : memref<784x128xf32, #tpu.memory_space<vmem>> -> memref<128x128xf32, #tpu.memory_space<vmem>>
    tpu.enqueue_dma source(%dma_start3A_1580 : memref<128x128xf32, #tpu.memory_space<vmem>>) target(%dma_start3A_1577 : memref<128x128xf32, #tpu.memory_space<hbm>>) target_semaphore(%arg9 : memref<!tpu.dma_semaphore, #tpu.memory_space<semaphore_mem>>)
    %dma_wait3A_1581 = arith.constant 640 : i32
    %dma_wait3A_1582 = arith.constant 0 : i32
    %dma_wait3A_1583 = tpu.memref_slice %arg7[%dma_wait3A_1581, %dma_wait3A_1582] : memref<784x128xf32, #tpu.memory_space<vmem>> -> memref<128x128xf32, #tpu.memory_space<vmem>>
    %dma_wait3A_1584 = arith.constant 640 : i32
    %dma_wait3A_1585 = tpu.memref_slice %arg6[%dma_wait3A_1584] : memref<784xi32, #tpu.memory_space<vmem>> -> memref<128xi32, #tpu.memory_space<vmem>>
    %dma_wait3A_1586 = arith.constant 0 : i32
    %dma_wait3A_1587 = arith.constant 0 : i32
    %dma_wait3A_1588 = tpu.memref_slice %arg2[%dma_wait3A_1586, %dma_wait3A_1587] : memref<1024x128xf32, #tpu.memory_space<hbm>> -> memref<1024x128xf32, #tpu.memory_space<hbm>>
    tpu.wait_indirect_dma semaphore(%arg8 : memref<!tpu.dma_semaphore, #tpu.memory_space<semaphore_mem>>) src(%dma_wait3A_1588 : memref<1024x128xf32, #tpu.memory_space<hbm>>) dst(%dma_wait3A_1583 : memref<128x128xf32, #tpu.memory_space<vmem>>)
    %add3A_1589 = arith.constant 640 : i32
    %add3A_1590 = arith.addi %multiple_of3A, %add3A_1589 : i32
    %dma_start3A_1591 = arith.constant 640 : i32
    %dma_start3A_1592 = arith.constant 0 : i32
    %dma_start3A_1593 = tpu.memref_slice %arg7[%dma_start3A_1591, %dma_start3A_1592] : memref<784x128xf32, #tpu.memory_space<vmem>> -> memref<128x128xf32, #tpu.memory_space<vmem>>
    %dma_start3A_1594 = arith.constant 0 : i32
    %dma_start3A_1595 = tpu.memref_slice %arg4[%add3A_1590, %dma_start3A_1594] : memref<25000x128xf32, #tpu.memory_space<hbm>> -> memref<128x128xf32, #tpu.memory_space<hbm>>
    %dma_start3A_1596 = arith.constant 0 : i32
    %dma_start3A_1597 = tpu.memref_slice %arg4[%add3A_1590, %dma_start3A_1596] : memref<25000x128xf32, #tpu.memory_space<hbm>> -> memref<128x128xf32, #tpu.memory_space<hbm>>
    %dma_start3A_1598 = arith.constant 640 : i32
    %dma_start3A_1599 = arith.constant 0 : i32
    %dma_start3A_1600 = tpu.memref_slice %arg7[%dma_start3A_1598, %dma_start3A_1599] : memref<784x128xf32, #tpu.memory_space<vmem>> -> memref<128x128xf32, #tpu.memory_space<vmem>>
    tpu.enqueue_dma source(%dma_start3A_1600 : memref<128x128xf32, #tpu.memory_space<vmem>>) target(%dma_start3A_1597 : memref<128x128xf32, #tpu.memory_space<hbm>>) target_semaphore(%arg9 : memref<!tpu.dma_semaphore, #tpu.memory_space<semaphore_mem>>)
    %dma_wait3A_1601 = arith.constant 768 : i32
    %dma_wait3A_1602 = arith.constant 0 : i32
    %dma_wait3A_1603 = tpu.memref_slice %arg7[%dma_wait3A_1601, %dma_wait3A_1602] : memref<784x128xf32, #tpu.memory_space<vmem>> -> memref<16x128xf32, #tpu.memory_space<vmem>>
    %dma_wait3A_1604 = arith.constant 768 : i32
    %dma_wait3A_1605 = tpu.memref_slice %arg6[%dma_wait3A_1604] : memref<784xi32, #tpu.memory_space<vmem>> -> memref<16xi32, #tpu.memory_space<vmem>>
    %dma_wait3A_1606 = arith.constant 0 : i32
    %dma_wait3A_1607 = arith.constant 0 : i32
    %dma_wait3A_1608 = tpu.memref_slice %arg2[%dma_wait3A_1606, %dma_wait3A_1607] : memref<1024x128xf32, #tpu.memory_space<hbm>> -> memref<1024x128xf32, #tpu.memory_space<hbm>>
    tpu.wait_indirect_dma semaphore(%arg8 : memref<!tpu.dma_semaphore, #tpu.memory_space<semaphore_mem>>) src(%dma_wait3A_1608 : memref<1024x128xf32, #tpu.memory_space<hbm>>) dst(%dma_wait3A_1603 : memref<16x128xf32, #tpu.memory_space<vmem>>)
    %add3A_1609 = arith.constant 768 : i32
    %add3A_1610 = arith.addi %multiple_of3A, %add3A_1609 : i32
    %dma_start3A_1611 = arith.constant 768 : i32
    %dma_start3A_1612 = arith.constant 0 : i32
    %dma_start3A_1613 = tpu.memref_slice %arg7[%dma_start3A_1611, %dma_start3A_1612] : memref<784x128xf32, #tpu.memory_space<vmem>> -> memref<16x128xf32, #tpu.memory_space<vmem>>
    %dma_start3A_1614 = arith.constant 0 : i32
    %dma_start3A_1615 = tpu.memref_slice %arg4[%add3A_1610, %dma_start3A_1614] : memref<25000x128xf32, #tpu.memory_space<hbm>> -> memref<16x128xf32, #tpu.memory_space<hbm>>
    %dma_start3A_1616 = arith.constant 0 : i32
    %dma_start3A_1617 = tpu.memref_slice %arg4[%add3A_1610, %dma_start3A_1616] : memref<25000x128xf32, #tpu.memory_space<hbm>> -> memref<16x128xf32, #tpu.memory_space<hbm>>
    %dma_start3A_1618 = arith.constant 768 : i32
    %dma_start3A_1619 = arith.constant 0 : i32
    %dma_start3A_1620 = tpu.memref_slice %arg7[%dma_start3A_1618, %dma_start3A_1619] : memref<784x128xf32, #tpu.memory_space<vmem>> -> memref<16x128xf32, #tpu.memory_space<vmem>>
    tpu.enqueue_dma source(%dma_start3A_1620 : memref<16x128xf32, #tpu.memory_space<vmem>>) target(%dma_start3A_1617 : memref<16x128xf32, #tpu.memory_space<hbm>>) target_semaphore(%arg9 : memref<!tpu.dma_semaphore, #tpu.memory_space<semaphore_mem>>)
    %dma_wait3A_1621 = arith.constant 0 : i32
    %dma_wait3A_1622 = arith.constant 0 : i32
    %dma_wait3A_1623 = tpu.memref_slice %arg7[%dma_wait3A_1621, %dma_wait3A_1622] : memref<784x128xf32, #tpu.memory_space<vmem>> -> memref<128x128xf32, #tpu.memory_space<vmem>>
    %dma_wait3A_1624 = arith.constant 0 : i32
    %dma_wait3A_1625 = tpu.memref_slice %arg4[%add3A_1490, %dma_wait3A_1624] : memref<25000x128xf32, #tpu.memory_space<hbm>> -> memref<128x128xf32, #tpu.memory_space<hbm>>
    %dma_wait3A_1626 = arith.constant 0 : i32
    %dma_wait3A_1627 = tpu.memref_slice %arg4[%add3A_1490, %dma_wait3A_1626] : memref<25000x128xf32, #tpu.memory_space<hbm>> -> memref<128x128xf32, #tpu.memory_space<hbm>>
    %dma_wait3A_1628 = arith.constant 0 : i32
    %dma_wait3A_1629 = arith.constant 0 : i32
    %dma_wait3A_1630 = tpu.memref_slice %arg7[%dma_wait3A_1628, %dma_wait3A_1629] : memref<784x128xf32, #tpu.memory_space<vmem>> -> memref<128x128xf32, #tpu.memory_space<vmem>>
    tpu.wait_dma2 semaphore(%arg9 : memref<!tpu.dma_semaphore, #tpu.memory_space<semaphore_mem>>) src(%dma_wait3A_1630 : memref<128x128xf32, #tpu.memory_space<vmem>>) dst(%dma_wait3A_1627 : memref<128x128xf32, #tpu.memory_space<hbm>>)
    %dma_wait3A_1631 = arith.constant 128 : i32
    %dma_wait3A_1632 = arith.constant 0 : i32
    %dma_wait3A_1633 = tpu.memref_slice %arg7[%dma_wait3A_1631, %dma_wait3A_1632] : memref<784x128xf32, #tpu.memory_space<vmem>> -> memref<128x128xf32, #tpu.memory_space<vmem>>
    %dma_wait3A_1634 = arith.constant 0 : i32
    %dma_wait3A_1635 = tpu.memref_slice %arg4[%add3A_1510, %dma_wait3A_1634] : memref<25000x128xf32, #tpu.memory_space<hbm>> -> memref<128x128xf32, #tpu.memory_space<hbm>>
    %dma_wait3A_1636 = arith.constant 0 : i32
    %dma_wait3A_1637 = tpu.memref_slice %arg4[%add3A_1510, %dma_wait3A_1636] : memref<25000x128xf32, #tpu.memory_space<hbm>> -> memref<128x128xf32, #tpu.memory_space<hbm>>
    %dma_wait3A_1638 = arith.constant 128 : i32
    %dma_wait3A_1639 = arith.constant 0 : i32
    %dma_wait3A_1640 = tpu.memref_slice %arg7[%dma_wait3A_1638, %dma_wait3A_1639] : memref<784x128xf32, #tpu.memory_space<vmem>> -> memref<128x128xf32, #tpu.memory_space<vmem>>
    tpu.wait_dma2 semaphore(%arg9 : memref<!tpu.dma_semaphore, #tpu.memory_space<semaphore_mem>>) src(%dma_wait3A_1640 : memref<128x128xf32, #tpu.memory_space<vmem>>) dst(%dma_wait3A_1637 : memref<128x128xf32, #tpu.memory_space<hbm>>)
    %dma_wait3A_1641 = arith.constant 256 : i32
    %dma_wait3A_1642 = arith.constant 0 : i32
    %dma_wait3A_1643 = tpu.memref_slice %arg7[%dma_wait3A_1641, %dma_wait3A_1642] : memref<784x128xf32, #tpu.memory_space<vmem>> -> memref<128x128xf32, #tpu.memory_space<vmem>>
    %dma_wait3A_1644 = arith.constant 0 : i32
    %dma_wait3A_1645 = tpu.memref_slice %arg4[%add3A_1530, %dma_wait3A_1644] : memref<25000x128xf32, #tpu.memory_space<hbm>> -> memref<128x128xf32, #tpu.memory_space<hbm>>
    %dma_wait3A_1646 = arith.constant 0 : i32
    %dma_wait3A_1647 = tpu.memref_slice %arg4[%add3A_1530, %dma_wait3A_1646] : memref<25000x128xf32, #tpu.memory_space<hbm>> -> memref<128x128xf32, #tpu.memory_space<hbm>>
    %dma_wait3A_1648 = arith.constant 256 : i32
    %dma_wait3A_1649 = arith.constant 0 : i32
    %dma_wait3A_1650 = tpu.memref_slice %arg7[%dma_wait3A_1648, %dma_wait3A_1649] : memref<784x128xf32, #tpu.memory_space<vmem>> -> memref<128x128xf32, #tpu.memory_space<vmem>>
    tpu.wait_dma2 semaphore(%arg9 : memref<!tpu.dma_semaphore, #tpu.memory_space<semaphore_mem>>) src(%dma_wait3A_1650 : memref<128x128xf32, #tpu.memory_space<vmem>>) dst(%dma_wait3A_1647 : memref<128x128xf32, #tpu.memory_space<hbm>>)
    %dma_wait3A_1651 = arith.constant 384 : i32
    %dma_wait3A_1652 = arith.constant 0 : i32
    %dma_wait3A_1653 = tpu.memref_slice %arg7[%dma_wait3A_1651, %dma_wait3A_1652] : memref<784x128xf32, #tpu.memory_space<vmem>> -> memref<128x128xf32, #tpu.memory_space<vmem>>
    %dma_wait3A_1654 = arith.constant 0 : i32
    %dma_wait3A_1655 = tpu.memref_slice %arg4[%add3A_1550, %dma_wait3A_1654] : memref<25000x128xf32, #tpu.memory_space<hbm>> -> memref<128x128xf32, #tpu.memory_space<hbm>>
    %dma_wait3A_1656 = arith.constant 0 : i32
    %dma_wait3A_1657 = tpu.memref_slice %arg4[%add3A_1550, %dma_wait3A_1656] : memref<25000x128xf32, #tpu.memory_space<hbm>> -> memref<128x128xf32, #tpu.memory_space<hbm>>
    %dma_wait3A_1658 = arith.constant 384 : i32
    %dma_wait3A_1659 = arith.constant 0 : i32
    %dma_wait3A_1660 = tpu.memref_slice %arg7[%dma_wait3A_1658, %dma_wait3A_1659] : memref<784x128xf32, #tpu.memory_space<vmem>> -> memref<128x128xf32, #tpu.memory_space<vmem>>
    tpu.wait_dma2 semaphore(%arg9 : memref<!tpu.dma_semaphore, #tpu.memory_space<semaphore_mem>>) src(%dma_wait3A_1660 : memref<128x128xf32, #tpu.memory_space<vmem>>) dst(%dma_wait3A_1657 : memref<128x128xf32, #tpu.memory_space<hbm>>)
    %dma_wait3A_1661 = arith.constant 512 : i32
    %dma_wait3A_1662 = arith.constant 0 : i32
    %dma_wait3A_1663 = tpu.memref_slice %arg7[%dma_wait3A_1661, %dma_wait3A_1662] : memref<784x128xf32, #tpu.memory_space<vmem>> -> memref<128x128xf32, #tpu.memory_space<vmem>>
    %dma_wait3A_1664 = arith.constant 0 : i32
    %dma_wait3A_1665 = tpu.memref_slice %arg4[%add3A_1570, %dma_wait3A_1664] : memref<25000x128xf32, #tpu.memory_space<hbm>> -> memref<128x128xf32, #tpu.memory_space<hbm>>
    %dma_wait3A_1666 = arith.constant 0 : i32
    %dma_wait3A_1667 = tpu.memref_slice %arg4[%add3A_1570, %dma_wait3A_1666] : memref<25000x128xf32, #tpu.memory_space<hbm>> -> memref<128x128xf32, #tpu.memory_space<hbm>>
    %dma_wait3A_1668 = arith.constant 512 : i32
    %dma_wait3A_1669 = arith.constant 0 : i32
    %dma_wait3A_1670 = tpu.memref_slice %arg7[%dma_wait3A_1668, %dma_wait3A_1669] : memref<784x128xf32, #tpu.memory_space<vmem>> -> memref<128x128xf32, #tpu.memory_space<vmem>>
    tpu.wait_dma2 semaphore(%arg9 : memref<!tpu.dma_semaphore, #tpu.memory_space<semaphore_mem>>) src(%dma_wait3A_1670 : memref<128x128xf32, #tpu.memory_space<vmem>>) dst(%dma_wait3A_1667 : memref<128x128xf32, #tpu.memory_space<hbm>>)
    %dma_wait3A_1671 = arith.constant 640 : i32
    %dma_wait3A_1672 = arith.constant 0 : i32
    %dma_wait3A_1673 = tpu.memref_slice %arg7[%dma_wait3A_1671, %dma_wait3A_1672] : memref<784x128xf32, #tpu.memory_space<vmem>> -> memref<128x128xf32, #tpu.memory_space<vmem>>
    %dma_wait3A_1674 = arith.constant 0 : i32
    %dma_wait3A_1675 = tpu.memref_slice %arg4[%add3A_1590, %dma_wait3A_1674] : memref<25000x128xf32, #tpu.memory_space<hbm>> -> memref<128x128xf32, #tpu.memory_space<hbm>>
    %dma_wait3A_1676 = arith.constant 0 : i32
    %dma_wait3A_1677 = tpu.memref_slice %arg4[%add3A_1590, %dma_wait3A_1676] : memref<25000x128xf32, #tpu.memory_space<hbm>> -> memref<128x128xf32, #tpu.memory_space<hbm>>
    %dma_wait3A_1678 = arith.constant 640 : i32
    %dma_wait3A_1679 = arith.constant 0 : i32
    %dma_wait3A_1680 = tpu.memref_slice %arg7[%dma_wait3A_1678, %dma_wait3A_1679] : memref<784x128xf32, #tpu.memory_space<vmem>> -> memref<128x128xf32, #tpu.memory_space<vmem>>
    tpu.wait_dma2 semaphore(%arg9 : memref<!tpu.dma_semaphore, #tpu.memory_space<semaphore_mem>>) src(%dma_wait3A_1680 : memref<128x128xf32, #tpu.memory_space<vmem>>) dst(%dma_wait3A_1677 : memref<128x128xf32, #tpu.memory_space<hbm>>)
    %dma_wait3A_1681 = arith.constant 768 : i32
    %dma_wait3A_1682 = arith.constant 0 : i32
    %dma_wait3A_1683 = tpu.memref_slice %arg7[%dma_wait3A_1681, %dma_wait3A_1682] : memref<784x128xf32, #tpu.memory_space<vmem>> -> memref<16x128xf32, #tpu.memory_space<vmem>>
    %dma_wait3A_1684 = arith.constant 0 : i32
    %dma_wait3A_1685 = tpu.memref_slice %arg4[%add3A_1610, %dma_wait3A_1684] : memref<25000x128xf32, #tpu.memory_space<hbm>> -> memref<16x128xf32, #tpu.memory_space<hbm>>
    %dma_wait3A_1686 = arith.constant 0 : i32
    %dma_wait3A_1687 = tpu.memref_slice %arg4[%add3A_1610, %dma_wait3A_1686] : memref<25000x128xf32, #tpu.memory_space<hbm>> -> memref<16x128xf32, #tpu.memory_space<hbm>>
    %dma_wait3A_1688 = arith.constant 768 : i32
    %dma_wait3A_1689 = arith.constant 0 : i32
    %dma_wait3A_1690 = tpu.memref_slice %arg7[%dma_wait3A_1688, %dma_wait3A_1689] : memref<784x128xf32, #tpu.memory_space<vmem>> -> memref<16x128xf32, #tpu.memory_space<vmem>>
    tpu.wait_dma2 semaphore(%arg9 : memref<!tpu.dma_semaphore, #tpu.memory_space<semaphore_mem>>) src(%dma_wait3A_1690 : memref<16x128xf32, #tpu.memory_space<vmem>>) dst(%dma_wait3A_1687 : memref<16x128xf32, #tpu.memory_space<hbm>>)
    return
  }
}

module attributes {stable_mosaic.version = 14 : i64} {
  func.func @_table_body(%arg0: memref<20x32x64xf32, #tpu.memory_space<vmem>>, %arg1: memref<20x64xf32, #tpu.memory_space<vmem>>, %arg2: memref<1024x128xf32, #tpu.memory_space<vmem>>) attributes {dimension_semantics = [], scalar_prefetch = 0 : i64, scratch_operands = 0 : i64, tpu.core_type = #tpu.core_type<tc>} {
    %get3A = arith.constant 0 : index
    %get3A_0 = arith.constant 0 : index
    %get3A_1 = arith.constant 0 : index
    %get3A_2 = vector.load %arg0[%get3A, %get3A_0, %get3A_1] : memref<20x32x64xf32, #tpu.memory_space<vmem>>, vector<20x32x64xf32>
    %get3A_3 = arith.constant 0 : index
    %get3A_4 = arith.constant 0 : index
    %get3A_5 = vector.load %arg1[%get3A_3, %get3A_4] : memref<20x64xf32, #tpu.memory_space<vmem>>, vector<20x64xf32>
    %reduce_max3A = arith.constant dense<0xFF800000> : vector<20x64xf32>
    %reduce_max3A_6 = vector.multi_reduction <maximumf>, %get3A_2, %reduce_max3A [1] : vector<20x32x64xf32> to vector<20x64xf32>
    %broadcast_in_dim3A = vector.shape_cast %reduce_max3A_6 : vector<20x64xf32> to vector<20x1x64xf32>
    %sub3A = vector.broadcast %broadcast_in_dim3A : vector<20x1x64xf32> to vector<20x32x64xf32>
    %sub3A_7 = arith.subf %get3A_2, %sub3A : vector<20x32x64xf32>
    %exp3A = math.exp %sub3A_7 : vector<20x32x64xf32>
    %reduce_sum3A = arith.constant dense<0.000000e+00> : vector<20x64xf32>
    %reduce_sum3A_8 = vector.multi_reduction <add>, %exp3A, %reduce_sum3A [1] : vector<20x32x64xf32> to vector<20x64xf32>
    %broadcast_in_dim3A_9 = vector.shape_cast %reduce_sum3A_8 : vector<20x64xf32> to vector<20x1x64xf32>
    %div3A = vector.broadcast %broadcast_in_dim3A_9 : vector<20x1x64xf32> to vector<20x32x64xf32>
    %div3A_10 = arith.divf %exp3A, %div3A : vector<20x32x64xf32>
    %reduce_max3A_11 = arith.constant dense<0xFF800000> : vector<64xf32>
    %reduce_max3A_12 = vector.multi_reduction <maximumf>, %get3A_5, %reduce_max3A_11 [0] : vector<20x64xf32> to vector<64xf32>
    %broadcast_in_dim3A_13 = vector.shape_cast %reduce_max3A_12 : vector<64xf32> to vector<1x64xf32>
    %sub3A_14 = vector.broadcast %broadcast_in_dim3A_13 : vector<1x64xf32> to vector<20x64xf32>
    %sub3A_15 = arith.subf %get3A_5, %sub3A_14 : vector<20x64xf32>
    %exp3A_16 = math.exp %sub3A_15 : vector<20x64xf32>
    %reduce_sum3A_17 = arith.constant dense<0.000000e+00> : vector<64xf32>
    %reduce_sum3A_18 = vector.multi_reduction <add>, %exp3A_16, %reduce_sum3A_17 [0] : vector<20x64xf32> to vector<64xf32>
    %broadcast_in_dim3A_19 = vector.shape_cast %reduce_sum3A_18 : vector<64xf32> to vector<1x64xf32>
    %div3A_20 = vector.broadcast %broadcast_in_dim3A_19 : vector<1x64xf32> to vector<20x64xf32>
    %div3A_21 = arith.divf %exp3A_16, %div3A_20 : vector<20x64xf32>
    %broadcast_in_dim3A_22 = vector.shape_cast %div3A_21 : vector<20x64xf32> to vector<20x1x64xf32>
    %mul3A = vector.broadcast %broadcast_in_dim3A_22 : vector<20x1x64xf32> to vector<20x32x64xf32>
    %mul3A_23 = arith.mulf %mul3A, %div3A_10 : vector<20x32x64xf32>
    %add3A = arith.constant 9.99999993E-9 : f32
    %add3A_24 = vector.broadcast %add3A : f32 to vector<20x32x64xf32>
    %add3A_25 = arith.addf %mul3A_23, %add3A_24 : vector<20x32x64xf32>
    %reduce_sum3A_26 = arith.constant dense<0.000000e+00> : vector<32x64xf32>
    %reduce_sum3A_27 = vector.multi_reduction <add>, %add3A_25, %reduce_sum3A_26 [0] : vector<20x32x64xf32> to vector<32x64xf32>
    %log3A = math.log %reduce_sum3A_27 : vector<32x64xf32>
    %broadcast_in_dim3A_28 = vector.shape_cast %log3A : vector<32x64xf32> to vector<32x1x64xf32>
    %broadcast_in_dim3A_29 = vector.shape_cast %broadcast_in_dim3A_28 : vector<32x1x64xf32> to vector<32x1x64xf32>
    %broadcast_in_dim3A_30 = vector.broadcast %broadcast_in_dim3A_29 : vector<32x1x64xf32> to vector<32x32x64xf32>
    %broadcast_in_dim3A_31 = vector.shape_cast %log3A : vector<32x64xf32> to vector<1x32x64xf32>
    %broadcast_in_dim3A_32 = vector.shape_cast %broadcast_in_dim3A_31 : vector<1x32x64xf32> to vector<1x32x64xf32>
    %broadcast_in_dim3A_33 = vector.broadcast %broadcast_in_dim3A_32 : vector<1x32x64xf32> to vector<32x32x64xf32>
    %concatenate3A = tpu.concatenate %broadcast_in_dim3A_30, %broadcast_in_dim3A_33 in 2 : vector<32x32x64xf32>, vector<32x32x64xf32> -> vector<32x32x128xf32>
    %reshape3A = vector.shape_cast %concatenate3A : vector<32x32x128xf32> to vector<1024x128xf32>
    %swap3A = arith.constant 0 : index
    %swap3A_34 = arith.constant 0 : index
    %swap3A_35 = vector.load %arg2[%swap3A, %swap3A_34] : memref<1024x128xf32, #tpu.memory_space<vmem>>, vector<1024x128xf32>
    tpu.vector_store %arg2[%swap3A, %swap3A_34], %reshape3A {strides = array<i32>} : memref<1024x128xf32, #tpu.memory_space<vmem>>, vector<1024x128xf32>,
    return
  }
}

</mosaic_0001>

<sc_bundles>
// kernel: kernel.4.cloned.1.call-start
scs
__scs_entry_jumppad:
0x0: {  	(pc) =	sbr.rel $0x88, $3  }
0x1: {  	(tag) =	ssettag $0x0;
	lr =	simm.s32 $0x1  }
0x2: {  	[smem:$0x3F9E] =	sst lr;
	_ =	strace $0xD0000000  }
0x3: {  	_ = 	snop  }
0x4: {  	_ = 	snop  }
0x5: {  	_ = 	snop  }
0x6: {  	_ = 	snop  }
0x7: {  	_ = 	snop  }
__scs_overlays_trampoline_lowered:
0x8: {  	[smem:$0x3FAD] =	sst s0  }
0x9: {  	[smem:$0x3FAE] =	sst s1  }
0xa: {  	[smem:$0x3FAF] =	sst s2  }
0xb: {  	[smem:$0x3FB0] =	sst s3  }
0xc: {  	[smem:$0x3FB1] =	sst s4  }
0xd: {  	[smem:$0x3FB2] =	sst s5  }
0xe: {  	[smem:$0x3FB3] =	sst s6  }
0xf: {  	[smem:$0x3FB4] =	sst s7  }
0x10: {  	[smem:$0x3FB5] =	sst s8  }
0x11: {  	[smem:$0x3FB6] =	sst s9;
	s0 =	simm.s32 @!p0 $0x0  }
0x12: {  	s1 =	sld [smem:$0x3F9C];
	s0 =	simm.s32 @p0 $0x1  }
0x13: {  	[smem:$0x3FB7] =	sst s0;
	s0 =	simm.s32 @!p1 $0x0  }
0x14: {  	s2 =	sld [smem:$0x3F9B];
	s0 =	simm.s32 @p1 $0x1  }
0x15: {  	[smem:$0x3FB8] =	sst s0;
	s0 =	simm.s32 @!p2 $0x0  }
0x16: {  	s3 =	sld [smem:$0x3FDB];
	s0 =	simm.s32 @p2 $0x1  }
0x17: {  	s4 =	simm.s32 $0x1BF5;
	[smem:$0x3FBA] =	sst s0  }
0x18: {  	s0 =	sld [smem:$0x3F9D];
	_ =	swait.ge [sflag:s4], $0x0  }
0x19: {  	s7 =	sld [smem:$0x3F9E]  }
0x1a: {  	s8 =	sadd.s32 $0xFFFFE003, lr  }
0x1b: {  	s9 =	sadd.s32 $0xFFFFFEF7, lr;
	s5 =	simm.s32 $0xFFFFFFFF;
	p2 =	slt.u32 s8, $0xFFFFF086  }
0x1c: {  	p1 =	slt.u32 s9, $0xF7A;
	s5 =	simm.s32 @!p2 $0x0  }
0x1d: {  	s5 =	simm.s32 @p1 $0x1;
	p0 =	seq.s32 s7, s2  }
0x1e: {  	s7 =	smul.u32 @!p0 $0xF7A, s2;
	p2 =	seq.s32 @!p0 s5, $0x0  }
0x1f: {  	s9 =	smul.u32 $0xF7A, s1;
	s8 =	simm.s32 @!p0 $0x1BF5;
	p2 =	por !p2, p0  }
0x20: {  	[sflag:s8] =	ssyncset.s32 @!p0 $0xFFFFF086;
	s6 =	sadd.s32 @!p0 s3, s7;
	s7 =	simm.s32 @!p0 $0x108  }
0x21: {  	s3 =	sadd.s32 s3, s9;
	s6 =	sadd.s32 @!p0 $0x88, s6;
	s7 =	simm.s32 @p2 $0x1082  }
0x22: {  	[simem:s7], [sflag:s8] =	dma.local @!p0 [hbm:s6], $0xF7A  }
0x23: {  	s9 =	sor.u32 $0xD0000000, s2;
	s6 =	simm.s32 $0x108;
	_ =	swait.ge @!p0 [sflag:s8], $0x0  }
0x24: {  	s3 =	sadd.s32 $0x88, s3;
	s6 =	simm.s32 @!p1 $0x1082;
	[sflag:s4] =	ssyncset.s32 $0xFFFFF086  }
0x25: {  	[simem:s6], [sflag:s4] =	dma.local [hbm:s3], $0xF7A  }
0x26: {  	[smem:$0x3F9E] =	sst s1;
	(tag) =	ssettag s2;
	_ =	strace s9  }
0x27: {  	s1 =	sld [smem:$0x3FAE]  }
0x28: {  	s2 =	sld [smem:$0x3FAF]  }
0x29: {  	s4 =	sld [smem:$0x3FB1]  }
0x2a: {  	p0 =	seq.s32 s5, $0x0;
	s5 =	sld [smem:$0x3FB2]  }
0x2b: {  	s6 =	sld [smem:$0x3FB3]  }
0x2c: {  	s7 =	sld [smem:$0x3FB4]  }
0x2d: {  	s3 =	simm.s32 $0x108;
	s8 =	sld [smem:$0x3FB5]  }
0x2e: {  	s3 =	simm.s32 @!p0 $0x1082;
	s9 =	sld [smem:$0x3FB6]  }
0x2f: {  	lr =	sadd.s32 s0, s3;
	s0 =	sld [smem:$0x3FAD]  }
0x30: {  	s3 =	sld [smem:$0x3FB0]  }
0x31: {  	[smem:$0x3FB9] =	sst s10  }
0x32: {  	s10 =	sld [smem:$0x3FB7];
	_ =	sdelay $0x3  }
0x33: {  	p0 =	seq.s32 s10, $0x1;
	s10 =	sld [smem:$0x3FB9];
	_ =	sdelay $0x3  }
0x34: {  	[smem:$0x3FB9] =	sst s10  }
0x35: {  	s10 =	sld [smem:$0x3FB8];
	_ =	sdelay $0x3  }
0x36: {  	p1 =	seq.s32 s10, $0x1;
	s10 =	sld [smem:$0x3FB9];
	_ =	sdelay $0x3  }
0x37: {  	[smem:$0x3FB9] =	sst s10  }
0x38: {  	s10 =	sld [smem:$0x3FBA]  }
0x39: {  	_ = 	snop;
	(pc) =	sbr.ind lr, $3  }
0x3a: {  	_ = 	snop  }
0x3b: {  	_ = 	snop  }
0x3c: {  	p2 =	seq.s32 s10, $0x1;
	s10 =	sld [smem:$0x3FB9]  }
0x3d: {  	_ =	shalt  }
0x3e: {  	_ =	shalt  }
0x3f: {  	_ =	shalt  }
0x40: {  	_ =	shalt  }
0x41: {  	_ =	shalt  }
0x42: {  	_ =	shalt  }
0x43: {  	_ =	shalt  }
0x44: {  	_ =	shalt  }
0x45: {  	_ =	shalt  }
0x46: {  	_ =	shalt  }
0x47: {  	_ =	shalt  }
0x48: {  	_ =	shalt  }
0x49: {  	_ =	shalt  }
0x4a: {  	_ =	shalt  }
0x4b: {  	_ =	shalt  }
0x4c: {  	_ =	shalt  }
0x4d: {  	_ =	shalt  }
0x4e: {  	_ =	shalt  }
0x4f: {  	_ =	shalt  }
0x50: {  	_ =	shalt  }
0x51: {  	_ =	shalt  }
0x52: {  	_ =	shalt  }
0x53: {  	_ =	shalt  }
0x54: {  	_ =	shalt  }
0x55: {  	_ =	shalt  }
0x56: {  	_ =	shalt  }
0x57: {  	_ =	shalt  }
0x58: {  	_ =	shalt  }
0x59: {  	_ =	shalt  }
0x5a: {  	_ =	shalt  }
0x5b: {  	_ =	shalt  }
0x5c: {  	_ =	shalt  }
0x5d: {  	_ =	shalt  }
0x5e: {  	_ =	shalt  }
0x5f: {  	_ =	shalt  }
0x60: {  	_ =	shalt  }
0x61: {  	_ =	shalt  }
0x62: {  	_ =	shalt  }
0x63: {  	_ =	shalt  }
0x64: {  	_ =	shalt  }
0x65: {  	_ =	shalt  }
0x66: {  	_ =	shalt  }
0x67: {  	_ =	shalt  }
0x68: {  	_ =	shalt  }
0x69: {  	_ =	shalt  }
0x6a: {  	_ =	shalt  }
0x6b: {  	_ =	shalt  }
0x6c: {  	_ =	shalt  }
0x6d: {  	_ =	shalt  }
0x6e: {  	_ =	shalt  }
0x6f: {  	_ =	shalt  }
0x70: {  	_ =	shalt  }
0x71: {  	_ =	shalt  }
0x72: {  	_ =	shalt  }
0x73: {  	_ =	shalt  }
0x74: {  	_ =	shalt  }
0x75: {  	_ =	shalt  }
0x76: {  	_ =	shalt  }
0x77: {  	_ =	shalt  }
0x78: {  	_ =	shalt  }
0x79: {  	_ =	shalt  }
0x7a: {  	_ =	shalt  }
0x7b: {  	_ =	shalt  }
0x7c: {  	_ =	shalt  }
0x7d: {  	_ =	shalt  }
0x7e: {  	_ =	shalt  }
0x7f: {  	_ =	shalt  }
0x80: {  	_ =	shalt  }
0x81: {  	_ =	shalt  }
0x82: {  	_ =	shalt  }
0x83: {  	_ =	shalt  }
0x84: {  	_ =	shalt  }
0x85: {  	_ =	shalt  }
0x86: {  	_ =	shalt  }
0x87: {  	_ =	shalt  }
.Lfunc_end0:
.L_simem_size_0:
called_computation_lowered:
.L_overlay_start_0:
0x88: {  	s2 =	sld [smem:$0x3FD9]  }
0x89: {  	s3 =	sld [smem:$0x3FFE];
	_ =	sdelay $0x1  }
0x8a: {  	s1 =	srdreg.scid  }
0x8b: {  	s0 =	sand.u32 $0x1, s1  }
0x8c: {  	s17 =	sshll.u32 s0, $0xA;
	s2 =	sadd.s32 s3, s2  }
0x8d: {  	s2 =	sadd.s32 s2, s17  }
0x8e: {  	[smem:$0x3FC5] =	sst s2  }
0x8f: {  	_ = 	snop  }
0x90: {  	s2 =	sld [smem:$0x3FC9]  }
0x91: {  	s18 =	sld [smem:$0x3FD0];
	(tm) =	ssettm $0x1  }
0x92: {  	s4 =	sld [smem:$0x3FFB];
	_ =	sdelay $0x3  }
0x93: {  	_ =	strace s4  }
0x94: {  	s4 =	sld [smem:$0x3FFC];
	_ =	sdelay $0x3  }
0x95: {  	_ =	strace s4  }
0x96: {  	s4 =	sld [smem:$0x3FFD];
	_ =	sdelay $0x3  }
0x97: {  	_ =	strace s4  }
0x98: {  	_ =	strace $0x8FFFFFFF  }
0x99: {  	s19 =	sld [smem:$0x3FDB];
	_ =	sdelay $0x1  }
0x9a: {  	s5 =	simm.s32 $_scs_section_size  }
0x9b: {  	s6 =	simm.s32 $_size__tile_overlayer_lowered;
	s7 =	simm.s32 $_tile_overlayer_lowered  }
0x9c: {  	s22 =	simm.s32 $0x1BFF;
	s21 =	sshll.u32 s7, $0x1;
	s4 =	sadd.s32 s5, s19  }
0x9d: {  	s8 =	simm.s32 $0x0;
	s20 =	sshll.u32 s6, $0x1;
	s6 =	sadd.s32 s21, s4  }
0x9e: {  	[timem:s8], [sflag:s22] =	dma.local [hbm:s6], s20  }
0x9f: {  	_ =	swait.ge [sflag:s22], s20  }
0xa0: {  	s5 =	ssub.s32 $0x0, s20;
	[sflag:s22] =	ssyncset.done $0x0  }
0xa1: {  	[sflag:s22] =	ssyncadd.s32 s5;
	_ =	sdelay $0x1  }
0xa2: {  	s23 =	simm.s32 $0x1B8B  }
0xa3: {  	_ =	swait.ge [sflag:s23], $0x1  }
0xa4: {  	[sflag:s23] =	ssyncset.done $0x0  }
0xa5: {  	s25 =	simm.s32 $0x1B8E;
	s24 =	sld [smem:$0x3FFE];
	[sflag:s23] =	ssyncadd.s32 $0xFFFFFFFF  }
0xa6: {  	s26 =	simm.s32 $execute0_lowered;
	[smem:$0x3FD2] =	sst s25  }
0xa7: {  	s6 =	sshll.u32 s26, $0x1;
	_ =	strace $0x80000046;
	[dreg:$0x1] =	wrdreg $0xFFFFFFFF  }
0xa8: {  	s28 =	simm.s32 $_size_execute0_lowered;
	s4 =	sadd.s32 s4, s6;
	[dreg:$0x0] =	wrdreg $0x0  }
0xa9: {  	s6 =	sshll.u32 s28, $0x1;
	[dreg:$0x2] =	wrdreg s4  }
0xaa: {  	[dreg:$0x3] =	wrdreg s6  }
0xab: {  	[dreg:$0x4] =	wrdreg $0xC0  }
0xac: {  	_ =	task [dreg:s8], $0x5FFFF  }
0xad: {  	[dreg:$0x1] =	wrdreg $0xFFFFFFFF  }
0xae: {  	[dreg:$0x0] =	wrdreg $0x60  }
0xaf: {  	[dreg:$0x2] =	wrdreg s24  }
0xb0: {  	[dreg:$0x3] =	wrdreg s2  }
0xb1: {  	[dreg:$0x4] =	wrdreg s18  }
0xb2: {  	[dreg:$0x5] =	wrdreg $0x9  }
0xb3: {  	_ =	task.clear_ibuf [dreg:s8], $0x6FFFF;
	_ =	strace $0x90000046  }
0xb4: {  	s29 =	simm.s32 $0x9;
	_ =	strace $0x80000048  }
0xb5: {  	_ =	swait.ge [sflag:s29], $0x1  }
0xb6: {  	[sflag:s29] =	ssyncadd.s32 $0xFFFFFFFF  }
0xb7: {  	_ =	strace $0x90000048  }
0xb8: {  	_ =	sfence  }
0xb9: {  	s30 =	sld [smem:$0x0];
	_ =	sdelay $0x2  }
0xba: {  	s31 =	sshll.u32 s1, $0xD;
	s1 =	sshrl.u32 s1, $0x2  }
0xbb: {  	s3 =	sand.u32 $0x4000, s31;
	s1 =	sadd.s32 s1, s30  }
0xbc: {  	s0 =	sor.u32 s3, s0;
	s1 =	sshll.u32 s1, $0x11  }
0xbd: {  	s0 =	sor.u32 s1, s0  }
0xbe: {  	s0 =	sadd.s32 $0x8F2B, s0  }
0xbf: {  	[sflag:s0] =	ssyncadd.remote.s32 $0x1  }
0xc0: {  	_ =	sfence.sel $0xFFFF  }
0xc1: {  	[dreg:$0x0] =	wrdreg $0xFFFFFFFF;
	(pc) =	sbr.abs _section_cstart, $3  }
0xc2: {  	[dreg:$0x1] =	wrdreg $0xFFFFFFFF  }
0xc3: {  	_ =	task.clear_ibuf [dreg:s8], $0x2FFFF;
	_ =	strace $0x9FFFFFFF  }
0xc4: {  	(tm) =	ssettm $0x7FFFFFFF  }
0xc5: {  	_ =	shalt  }
tec
execute0_lowered:
.L_overlay_start_1:
0x0: {  	(tag) =	ssettag $0x1  }
0x1: {  	s3 =	rddreg [dreg:$0x0]  }
0x2: {  	s4 =	rddreg [dreg:$0x1]  }
0x3: {  	s1 =	srdreg.scid;
	s0 =	stileid.u32  }
0x4: {  	s5 =	rddreg [dreg:$0x2];
	s2 =	simm.s32 $0x0;
	s12 =	simm.s32 $0x3  }
0x5: {  	s13 =	simm.s32 $0x80;
	s14 =	simm.s32 $0x680;
	s15 =	simm.s32 $0xA00  }
0x6: {  	s16 =	simm.s32 $0x700;
	s17 =	simm.s32 $0x4A00;
	s18 =	simm.s32 $0x780  }
0x7: {  	s19 =	simm.s32 $0x8A00;
	s20 =	simm.s32 $0x800;
	s21 =	simm.s32 $0xCA00  }
0x8: {  	s22 =	simm.s32 $0x880;
	s23 =	simm.s32 $0x10A00;
	s24 =	simm.s32 $0x900  }
0x9: {  	s28 =	simm.s32 $0x980;
	s6 =	sand.u32 $0x1, s1;
	s7 =	sshll.u32 s0, $0x1  }
0xa: {  	s29 =	simm.s32 $0x18A00;
	s30 =	simm.s32 $0x1;
	s7 =	sor.u32 s6, s7  }
0xb: {  	s31 =	simm.s32 $0x2;
	[smem:$0x7FF] =	sst s2;
	s8 =	smul.u32 $0x310, s7  }
0xc: {  	s3 =	sadd.s32 $0xA00, s3;
	s6 =	ssub.s32 $0x2, s6;
	p0 =	seq.s32 s7, $0x1F  }
0xd: {  	_ =	strace $0x80000047;
	s25 =	sshrl.u32 s6, $0x1;
	s8 =	simm.s32 @p0 $0x5E98  }
0xe: {  	v0 =	vlaneseq.u32;
	s11 =	ssub.s32 s6, s25;
	s9 =	sshrl.u32 s8, $0x2;
	s8 =	sshll.u32 s8, $0x4  }
0xf: {  	v0 =	vand.u32 $0x7, v0;
	s25 =	simm.s32 $0x14A00;
	s26 =	sadd.s32 s4, s9;
	s4 =	sadd.s32 s5, s8  }
0x10: {  	v0 =	vmul.u32 $0x2, v0;
	s11 =	smax.u32 s11, $0x1;
	[dreg:$0x4] =	wrdreg s26;
	s5 =	sadd.s32 $0x800, s4  }
0x11: {  	s6 =	sadd.s32 $0x1000, s4;
	s7 =	sadd.s32 $0x1800, s4;
	s8 =	sadd.s32 $0x2000, s4  }
0x12: {  	vm0 =	vmmov $0xff;
	v1 =	vor.u32 $0x1, v0;
	s9 =	sadd.s32 $0x2800, s4;
	s10 =	sadd.s32 $0x3000, s4;
	s26 =	simm.s32 $0x10  }
.LBB2_1:
0x13: {  	s1 =	rddreg [dreg:$0x4]  }
0x14: {  	[tilespmem:s2], [sflag:$0x3] =	stream.linear.gather [hbm4b:s1+s2], $0x620, $0x38;
	[tilespmem:$0x19200] =	vst v63  }
0x15: {  	_ =	swait.ge [sflag:s12], $0x620  }
0x16: {  	[sflag:s12] =	ssyncset.done $0x0  }
0x17: {  	[sflag:s12] =	ssyncadd.s32 $0xFFFFF9E0  }
0x18: {  	v2 =	vld [tilespmem:$0x0]  }
0x19: {  	v3 =	vld [tilespmem:$0x10]  }
0x1a: {  	v4 =	vld [tilespmem:$0x20]  }
0x1b: {  	v5 =	vld [tilespmem:$0x30]  }
0x1c: {  	v6 =	vld [tilespmem:$0x40]  }
0x1d: {  	v9 =	vld [tilespmem:$0x50]  }
0x1e: {  	v12 =	vld [tilespmem:$0x60]  }
0x1f: {  	v17 =	vld [tilespmem:$0x70];
	v7 =	vperm.xlane v2, v0  }
0x20: {  	v19 =	vld [tilespmem:$0x80];
	v8 =	vperm.xlane v3, v0;
	v2 =	vperm.xlane v2, v1  }
0x21: {  	v13 =	vld [tilespmem:$0x90];
	v3 =	vperm.xlane v3, v1;
	v10 =	vperm.xlane v4, v0  }
0x22: {  	v23 =	vld [tilespmem:$0xA0];
	v11 =	vperm.xlane v5, v0;
	v4 =	vperm.xlane v4, v1  }
0x23: {  	v26 =	vld [tilespmem:$0xB0];
	v5 =	vperm.xlane v5, v1;
	v20 =	vperm.xlane v6, v0  }
0x24: {  	v15 =	vld [tilespmem:$0xC0];
	v21 =	vperm.xlane v9, v0;
	v6 =	vperm.xlane v6, v1  }
0x25: {  	v30 =	vld [tilespmem:$0xD0];
	v9 =	vperm.xlane v9, v1;
	v24 =	vperm.xlane v12, v0  }
0x26: {  	v31 =	vld [tilespmem:$0xE0];
	v25 =	vperm.xlane v17, v0;
	v12 =	vperm.xlane v12, v1  }
0x27: {  	v16 =	vld [tilespmem:$0xF0];
	v27 =	vperm.xlane v19, v0;
	v14 =	vperm.xlane v13, v0  }
0x28: {  	v28 =	vperm.xlane v19, v1;
	v29 =	vperm.xlane v13, v1  }
0x29: {  	v32 =	vperm.xlane v23, v0;
	v33 =	vperm.xlane v26, v0  }
0x2a: {  	v35 =	vperm.xlane v15, v0;
	v36 =	vperm.xlane v30, v0  }
0x2b: {  	v37 =	vperm.xlane v15, v1;
	v38 =	vperm.xlane v30, v1  }
0x2c: {  	v39 =	vperm.xlane v16, v0;
	v40 =	vperm.xlane v31, v1  }
0x2d: {  	v41 =	vperm.xlane v16, v1;
	v7 =	vsel vm0, v7, v8;
	v2 =	vsel vm0, v2, v3  }
0x2e: {  	v18 =	vsel vm0, v10, v11;
	v4 =	vsel vm0, v4, v5;
	v22 =	vsel vm0, v20, v21  }
0x2f: {  	v6 =	vsel vm0, v6, v9;
	v8 =	vperm.xlane v17, v1;
	v9 =	vsel vm0, v28, v29  }
0x30: {  	v5 =	vperm.xlane v23, v1;
	v11 =	vperm.xlane v26, v1;
	v3 =	vshll.u32 v7, $0x5  }
0x31: {  	v34 =	vsel vm0, v32, v33;
	v7 =	vshll.u32 v18, $0x5;
	v2 =	vadd.s32 v3, v2  }
0x32: {  	v3 =	vadd.s32 v7, v4;
	v4 =	vshll.u32 v22, $0x5;
	v7 =	vsel vm0, v24, v25  }
0x33: {  	v8 =	vsel vm0, v12, v8;
	v4 =	vadd.s32 v4, v6;
	v7 =	vshll.u32 v7, $0x5;
	[tilespmem:$0x680] =	vst v2  }
0x34: {  	v6 =	vsel vm0, v27, v14;
	v2 =	vsel vm0, v5, v11;
	[tilespmem:$0x690] =	vst v3;
	v3 =	vshll.u32 v34, $0x5  }
0x35: {  	v7 =	vadd.s32 v7, v8;
	[tilespmem:$0x6A0] =	vst v4;
	v2 =	vadd.s32 v3, v2;
	v3 =	vperm.xlane v31, v0  }
0x36: {  	v42 =	vsel vm0, v37, v38;
	v5 =	vsel vm0, v35, v36;
	v6 =	vshll.u32 v6, $0x5;
	[tilespmem:$0x6B0] =	vst v7  }
0x37: {  	v5 =	vshll.u32 v5, $0x5;
	v6 =	vadd.s32 v6, v9;
	[tilespmem:$0x6D0] =	vst v2;
	v3 =	vsel vm0, v3, v39  }
0x38: {  	v43 =	vsel vm0, v40, v41;
	v2 =	vadd.s32 v5, v42;
	[tilespmem:$0x6C0] =	vst v6;
	v3 =	vshll.u32 v3, $0x5  }
0x39: {  	[tilespmem:$0x6E0] =	vst v2;
	v2 =	vadd.s32 v3, v43  }
0x3a: {  	[tilespmem:$0x6F0] =	vst v2  }
0x3b: {  	[tilespmem:s15], [sflag:$0x1] =	stream.indirect.gather [hbm4b:s3+s13], $0x80, s14, s13, $0xb8;
	[tilespmem:$0x19200] =	vst v63  }
0x3c: {  	v2 =	vld [tilespmem:$0x100]  }
0x3d: {  	v3 =	vld [tilespmem:$0x110]  }
0x3e: {  	v44 =	vld [tilespmem:$0x120]  }
0x3f: {  	v45 =	vld [tilespmem:$0x130]  }
0x40: {  	v46 =	vld [tilespmem:$0x140]  }
0x41: {  	v49 =	vld [tilespmem:$0x150]  }
0x42: {  	v52 =	vld [tilespmem:$0x160];
	v47 =	vperm.xlane v2, v0;
	v48 =	vperm.xlane v3, v0  }
0x43: {  	v53 =	vld [tilespmem:$0x170];
	v2 =	vperm.xlane v2, v1;
	v3 =	vperm.xlane v3, v1  }
0x44: {  	v55 =	vld [tilespmem:$0x180];
	v50 =	vperm.xlane v44, v0;
	v51 =	vperm.xlane v45, v0  }
0x45: {  	v58 =	vld [tilespmem:$0x190];
	v4 =	vperm.xlane v44, v1;
	v5 =	vperm.xlane v45, v1  }
0x46: {  	v60 =	vld [tilespmem:$0x1A0];
	v56 =	vperm.xlane v46, v0;
	v57 =	vperm.xlane v49, v0  }
0x47: {  	v63 =	vld [tilespmem:$0x1B0];
	v6 =	vperm.xlane v46, v1;
	v9 =	vperm.xlane v49, v1  }
0x48: {  	v20 =	vld [tilespmem:$0x1C0];
	v61 =	vperm.xlane v52, v0;
	v62 =	vperm.xlane v53, v0  }
0x49: {  	v23 =	vld [tilespmem:$0x1D0];
	v12 =	vperm.xlane v52, v1;
	v8 =	vperm.xlane v53, v1  }
0x4a: {  	v27 =	vld [tilespmem:$0x1F0];
	v18 =	vperm.xlane v55, v0;
	v19 =	vperm.xlane v58, v0  }
0x4b: {  	v24 =	vld [tilespmem:$0x1E0];
	v21 =	vperm.xlane v55, v1;
	v22 =	vperm.xlane v58, v1  }
0x4c: {  	v25 =	vperm.xlane v60, v0;
	v26 =	vperm.xlane v63, v0  }
0x4d: {  	v11 =	vperm.xlane v63, v1;
	v29 =	vperm.xlane v20, v0  }
0x4e: {  	v30 =	vperm.xlane v23, v0;
	v31 =	vperm.xlane v20, v1  }
0x4f: {  	v32 =	vperm.xlane v23, v1;
	v33 =	vperm.xlane v27, v0  }
0x50: {  	v34 =	vperm.xlane v24, v1;
	v35 =	vperm.xlane v27, v1  }
0x51: {  	v7 =	vsel vm0, v47, v48;
	v2 =	vsel vm0, v2, v3;
	v54 =	vsel vm0, v50, v51  }
0x52: {  	v4 =	vsel vm0, v4, v5;
	v59 =	vsel vm0, v56, v57;
	v6 =	vsel vm0, v6, v9  }
0x53: {  	v8 =	vsel vm0, v12, v8;
	v9 =	vsel vm0, v21, v22;
	v3 =	vshll.u32 v7, $0x5  }
0x54: {  	v5 =	vperm.xlane v60, v1;
	v7 =	vshll.u32 v54, $0x5;
	v2 =	vadd.s32 v3, v2  }
0x55: {  	v3 =	vadd.s32 v7, v4;
	v4 =	vshll.u32 v59, $0x5;
	v7 =	vsel vm0, v61, v62  }
0x56: {  	v28 =	vsel vm0, v25, v26;
	v4 =	vadd.s32 v4, v6;
	v7 =	vshll.u32 v7, $0x5;
	[tilespmem:$0x700] =	vst v2  }
0x57: {  	v6 =	vsel vm0, v18, v19;
	v2 =	vsel vm0, v5, v11;
	[tilespmem:$0x710] =	vst v3;
	v3 =	vshll.u32 v28, $0x5  }
0x58: {  	v7 =	vadd.s32 v7, v8;
	[tilespmem:$0x720] =	vst v4;
	v2 =	vadd.s32 v3, v2;
	v3 =	vperm.xlane v24, v0  }
0x59: {  	v36 =	vsel vm0, v31, v32;
	v5 =	vsel vm0, v29, v30;
	v6 =	vshll.u32 v6, $0x5;
	[tilespmem:$0x730] =	vst v7  }
0x5a: {  	v5 =	vshll.u32 v5, $0x5;
	v6 =	vadd.s32 v6, v9;
	[tilespmem:$0x750] =	vst v2;
	v3 =	vsel vm0, v3, v33  }
0x5b: {  	v37 =	vsel vm0, v34, v35;
	v2 =	vadd.s32 v5, v36;
	[tilespmem:$0x740] =	vst v6;
	v3 =	vshll.u32 v3, $0x5  }
0x5c: {  	[tilespmem:$0x760] =	vst v2;
	v2 =	vadd.s32 v3, v37  }
0x5d: {  	[tilespmem:$0x770] =	vst v2  }
0x5e: {  	[tilespmem:s17], [sflag:$0x1] =	stream.indirect.gather [hbm4b:s3+s13], $0x80, s16, s13, $0xb8;
	[tilespmem:$0x19200] =	vst v63  }
0x5f: {  	v2 =	vld [tilespmem:$0x200]  }
0x60: {  	v3 =	vld [tilespmem:$0x210]  }
0x61: {  	v38 =	vld [tilespmem:$0x220]  }
0x62: {  	v39 =	vld [tilespmem:$0x230]  }
0x63: {  	v40 =	vld [tilespmem:$0x240]  }
0x64: {  	v43 =	vld [tilespmem:$0x250]  }
0x65: {  	v46 =	vld [tilespmem:$0x260];
	v41 =	vperm.xlane v2, v0;
	v42 =	vperm.xlane v3, v0  }
0x66: {  	v47 =	vld [tilespmem:$0x270];
	v2 =	vperm.xlane v2, v1;
	v3 =	vperm.xlane v3, v1  }
0x67: {  	v49 =	vld [tilespmem:$0x280];
	v44 =	vperm.xlane v38, v0;
	v45 =	vperm.xlane v39, v0  }
0x68: {  	v52 =	vld [tilespmem:$0x290];
	v4 =	vperm.xlane v38, v1;
	v5 =	vperm.xlane v39, v1  }
0x69: {  	v54 =	vld [tilespmem:$0x2A0];
	v50 =	vperm.xlane v40, v0;
	v51 =	vperm.xlane v43, v0  }
0x6a: {  	v57 =	vld [tilespmem:$0x2B0];
	v6 =	vperm.xlane v40, v1;
	v9 =	vperm.xlane v43, v1  }
0x6b: {  	v60 =	vld [tilespmem:$0x2C0];
	v55 =	vperm.xlane v46, v0;
	v56 =	vperm.xlane v47, v0  }
0x6c: {  	v63 =	vld [tilespmem:$0x2D0];
	v12 =	vperm.xlane v46, v1;
	v8 =	vperm.xlane v47, v1  }
0x6d: {  	v23 =	vld [tilespmem:$0x2F0];
	v58 =	vperm.xlane v49, v0;
	v59 =	vperm.xlane v52, v0  }
0x6e: {  	v20 =	vld [tilespmem:$0x2E0];
	v61 =	vperm.xlane v49, v1;
	v62 =	vperm.xlane v52, v1  }
0x6f: {  	v21 =	vperm.xlane v54, v0;
	v22 =	vperm.xlane v57, v0  }
0x70: {  	v11 =	vperm.xlane v57, v1;
	v25 =	vperm.xlane v60, v0  }
0x71: {  	v26 =	vperm.xlane v63, v0;
	v27 =	vperm.xlane v60, v1  }
0x72: {  	v28 =	vperm.xlane v63, v1;
	v29 =	vperm.xlane v23, v0  }
0x73: {  	v30 =	vperm.xlane v20, v1;
	v31 =	vperm.xlane v23, v1  }
0x74: {  	v7 =	vsel vm0, v41, v42;
	v2 =	vsel vm0, v2, v3;
	v48 =	vsel vm0, v44, v45  }
0x75: {  	v4 =	vsel vm0, v4, v5;
	v53 =	vsel vm0, v50, v51;
	v6 =	vsel vm0, v6, v9  }
0x76: {  	v8 =	vsel vm0, v12, v8;
	v9 =	vsel vm0, v61, v62;
	v3 =	vshll.u32 v7, $0x5  }
0x77: {  	v5 =	vperm.xlane v54, v1;
	v7 =	vshll.u32 v48, $0x5;
	v2 =	vadd.s32 v3, v2  }
0x78: {  	v3 =	vadd.s32 v7, v4;
	v4 =	vshll.u32 v53, $0x5;
	v7 =	vsel vm0, v55, v56  }
0x79: {  	v24 =	vsel vm0, v21, v22;
	v4 =	vadd.s32 v4, v6;
	v7 =	vshll.u32 v7, $0x5;
	[tilespmem:$0x780] =	vst v2  }
0x7a: {  	v6 =	vsel vm0, v58, v59;
	v2 =	vsel vm0, v5, v11;
	[tilespmem:$0x790] =	vst v3;
	v3 =	vshll.u32 v24, $0x5  }
0x7b: {  	v7 =	vadd.s32 v7, v8;
	[tilespmem:$0x7A0] =	vst v4;
	v2 =	vadd.s32 v3, v2;
	v3 =	vperm.xlane v20, v0  }
0x7c: {  	v32 =	vsel vm0, v27, v28;
	v5 =	vsel vm0, v25, v26;
	v6 =	vshll.u32 v6, $0x5;
	[tilespmem:$0x7B0] =	vst v7  }
0x7d: {  	v5 =	vshll.u32 v5, $0x5;
	v6 =	vadd.s32 v6, v9;
	[tilespmem:$0x7D0] =	vst v2;
	v3 =	vsel vm0, v3, v29  }
0x7e: {  	v33 =	vsel vm0, v30, v31;
	v2 =	vadd.s32 v5, v32;
	[tilespmem:$0x7C0] =	vst v6;
	v3 =	vshll.u32 v3, $0x5  }
0x7f: {  	[tilespmem:$0x7E0] =	vst v2;
	v2 =	vadd.s32 v3, v33  }
0x80: {  	[tilespmem:$0x7F0] =	vst v2  }
0x81: {  	[tilespmem:s19], [sflag:$0x1] =	stream.indirect.gather [hbm4b:s3+s13], $0x80, s18, s13, $0xb8;
	[tilespmem:$0x19200] =	vst v63  }
0x82: {  	v2 =	vld [tilespmem:$0x300]  }
0x83: {  	v3 =	vld [tilespmem:$0x310]  }
0x84: {  	v34 =	vld [tilespmem:$0x320]  }
0x85: {  	v35 =	vld [tilespmem:$0x330]  }
0x86: {  	v36 =	vld [tilespmem:$0x340]  }
0x87: {  	v39 =	vld [tilespmem:$0x350]  }
0x88: {  	v42 =	vld [tilespmem:$0x360];
	v37 =	vperm.xlane v2, v0;
	v38 =	vperm.xlane v3, v0  }
0x89: {  	v43 =	vld [tilespmem:$0x370];
	v2 =	vperm.xlane v2, v1;
	v3 =	vperm.xlane v3, v1  }
0x8a: {  	v45 =	vld [tilespmem:$0x380];
	v40 =	vperm.xlane v34, v0;
	v41 =	vperm.xlane v35, v0  }
0x8b: {  	v48 =	vld [tilespmem:$0x390];
	v4 =	vperm.xlane v34, v1;
	v5 =	vperm.xlane v35, v1  }
0x8c: {  	v50 =	vld [tilespmem:$0x3A0];
	v46 =	vperm.xlane v36, v0;
	v47 =	vperm.xlane v39, v0  }
0x8d: {  	v53 =	vld [tilespmem:$0x3B0];
	v6 =	vperm.xlane v36, v1;
	v9 =	vperm.xlane v39, v1  }
0x8e: {  	v56 =	vld [tilespmem:$0x3C0];
	v51 =	vperm.xlane v42, v0;
	v52 =	vperm.xlane v43, v0  }
0x8f: {  	v59 =	vld [tilespmem:$0x3D0];
	v12 =	vperm.xlane v42, v1;
	v8 =	vperm.xlane v43, v1  }
0x90: {  	v63 =	vld [tilespmem:$0x3F0];
	v54 =	vperm.xlane v45, v0;
	v55 =	vperm.xlane v48, v0  }
0x91: {  	v60 =	vld [tilespmem:$0x3E0];
	v57 =	vperm.xlane v45, v1;
	v58 =	vperm.xlane v48, v1  }
0x92: {  	v61 =	vperm.xlane v50, v0;
	v62 =	vperm.xlane v53, v0  }
0x93: {  	v11 =	vperm.xlane v53, v1;
	v21 =	vperm.xlane v56, v0  }
0x94: {  	v22 =	vperm.xlane v59, v0;
	v23 =	vperm.xlane v56, v1  }
0x95: {  	v24 =	vperm.xlane v59, v1;
	v25 =	vperm.xlane v63, v0  }
0x96: {  	v26 =	vperm.xlane v60, v1;
	v27 =	vperm.xlane v63, v1  }
0x97: {  	v7 =	vsel vm0, v37, v38;
	v2 =	vsel vm0, v2, v3;
	v44 =	vsel vm0, v40, v41  }
0x98: {  	v4 =	vsel vm0, v4, v5;
	v49 =	vsel vm0, v46, v47;
	v6 =	vsel vm0, v6, v9  }
0x99: {  	v8 =	vsel vm0, v12, v8;
	v9 =	vsel vm0, v57, v58;
	v3 =	vshll.u32 v7, $0x5  }
0x9a: {  	v5 =	vperm.xlane v50, v1;
	v7 =	vshll.u32 v44, $0x5;
	v2 =	vadd.s32 v3, v2  }
0x9b: {  	v3 =	vadd.s32 v7, v4;
	v4 =	vshll.u32 v49, $0x5;
	v7 =	vsel vm0, v51, v52  }
0x9c: {  	v20 =	vsel vm0, v61, v62;
	v4 =	vadd.s32 v4, v6;
	v7 =	vshll.u32 v7, $0x5;
	[tilespmem:$0x800] =	vst v2  }
0x9d: {  	v6 =	vsel vm0, v54, v55;
	v2 =	vsel vm0, v5, v11;
	[tilespmem:$0x810] =	vst v3;
	v3 =	vshll.u32 v20, $0x5  }
0x9e: {  	v7 =	vadd.s32 v7, v8;
	[tilespmem:$0x820] =	vst v4;
	v2 =	vadd.s32 v3, v2;
	v3 =	vperm.xlane v60, v0  }
0x9f: {  	v28 =	vsel vm0, v23, v24;
	v5 =	vsel vm0, v21, v22;
	v6 =	vshll.u32 v6, $0x5;
	[tilespmem:$0x830] =	vst v7  }
0xa0: {  	v5 =	vshll.u32 v5, $0x5;
	v6 =	vadd.s32 v6, v9;
	[tilespmem:$0x850] =	vst v2;
	v3 =	vsel vm0, v3, v25  }
0xa1: {  	v29 =	vsel vm0, v26, v27;
	v2 =	vadd.s32 v5, v28;
	[tilespmem:$0x840] =	vst v6;
	v3 =	vshll.u32 v3, $0x5  }
0xa2: {  	[tilespmem:$0x860] =	vst v2;
	v2 =	vadd.s32 v3, v29  }
0xa3: {  	[tilespmem:$0x870] =	vst v2  }
0xa4: {  	[tilespmem:s21], [sflag:$0x1] =	stream.indirect.gather [hbm4b:s3+s13], $0x80, s20, s13, $0xb8;
	[tilespmem:$0x19200] =	vst v63  }
0xa5: {  	v2 =	vld [tilespmem:$0x400]  }
0xa6: {  	v3 =	vld [tilespmem:$0x410]  }
0xa7: {  	v30 =	vld [tilespmem:$0x420]  }
0xa8: {  	v31 =	vld [tilespmem:$0x430]  }
0xa9: {  	v32 =	vld [tilespmem:$0x440]  }
0xaa: {  	v35 =	vld [tilespmem:$0x450]  }
0xab: {  	v38 =	vld [tilespmem:$0x460];
	v33 =	vperm.xlane v2, v0;
	v34 =	vperm.xlane v3, v0  }
0xac: {  	v39 =	vld [tilespmem:$0x470];
	v2 =	vperm.xlane v2, v1;
	v3 =	vperm.xlane v3, v1  }
0xad: {  	v41 =	vld [tilespmem:$0x480];
	v36 =	vperm.xlane v30, v0;
	v37 =	vperm.xlane v31, v0  }
0xae: {  	v44 =	vld [tilespmem:$0x490];
	v4 =	vperm.xlane v30, v1;
	v5 =	vperm.xlane v31, v1  }
0xaf: {  	v46 =	vld [tilespmem:$0x4A0];
	v42 =	vperm.xlane v32, v0;
	v43 =	vperm.xlane v35, v0  }
0xb0: {  	v49 =	vld [tilespmem:$0x4B0];
	v6 =	vperm.xlane v32, v1;
	v9 =	vperm.xlane v35, v1  }
0xb1: {  	v52 =	vld [tilespmem:$0x4C0];
	v47 =	vperm.xlane v38, v0;
	v48 =	vperm.xlane v39, v0  }
0xb2: {  	v55 =	vld [tilespmem:$0x4D0];
	v12 =	vperm.xlane v38, v1;
	v8 =	vperm.xlane v39, v1  }
0xb3: {  	v59 =	vld [tilespmem:$0x4F0];
	v50 =	vperm.xlane v41, v0;
	v51 =	vperm.xlane v44, v0  }
0xb4: {  	v56 =	vld [tilespmem:$0x4E0];
	v53 =	vperm.xlane v41, v1;
	v54 =	vperm.xlane v44, v1  }
0xb5: {  	v57 =	vperm.xlane v46, v0;
	v58 =	vperm.xlane v49, v0  }
0xb6: {  	v11 =	vperm.xlane v49, v1;
	v61 =	vperm.xlane v52, v0  }
0xb7: {  	v62 =	vperm.xlane v55, v0;
	v63 =	vperm.xlane v52, v1  }
0xb8: {  	v14 =	vperm.xlane v55, v1;
	v15 =	vperm.xlane v59, v0  }
0xb9: {  	v17 =	vperm.xlane v56, v1;
	v18 =	vperm.xlane v59, v1  }
0xba: {  	v7 =	vsel vm0, v33, v34;
	v2 =	vsel vm0, v2, v3;
	v40 =	vsel vm0, v36, v37  }
0xbb: {  	v4 =	vsel vm0, v4, v5;
	v45 =	vsel vm0, v42, v43;
	v6 =	vsel vm0, v6, v9  }
0xbc: {  	v8 =	vsel vm0, v12, v8;
	v9 =	vsel vm0, v53, v54;
	v3 =	vshll.u32 v7, $0x5  }
0xbd: {  	v5 =	vperm.xlane v46, v1;
	v7 =	vshll.u32 v40, $0x5;
	v2 =	vadd.s32 v3, v2  }
0xbe: {  	v3 =	vadd.s32 v7, v4;
	v4 =	vshll.u32 v45, $0x5;
	v7 =	vsel vm0, v47, v48  }
0xbf: {  	v60 =	vsel vm0, v57, v58;
	v4 =	vadd.s32 v4, v6;
	v7 =	vshll.u32 v7, $0x5;
	[tilespmem:$0x880] =	vst v2  }
0xc0: {  	v6 =	vsel vm0, v50, v51;
	v2 =	vsel vm0, v5, v11;
	[tilespmem:$0x890] =	vst v3;
	v3 =	vshll.u32 v60, $0x5  }
0xc1: {  	v7 =	vadd.s32 v7, v8;
	[tilespmem:$0x8A0] =	vst v4;
	v2 =	vadd.s32 v3, v2;
	v3 =	vperm.xlane v56, v0  }
0xc2: {  	v19 =	vsel vm0, v63, v14;
	v5 =	vsel vm0, v61, v62;
	v6 =	vshll.u32 v6, $0x5;
	[tilespmem:$0x8B0] =	vst v7  }
0xc3: {  	v5 =	vshll.u32 v5, $0x5;
	v6 =	vadd.s32 v6, v9;
	[tilespmem:$0x8D0] =	vst v2;
	v3 =	vsel vm0, v3, v15  }
0xc4: {  	v20 =	vsel vm0, v17, v18;
	v2 =	vadd.s32 v5, v19;
	[tilespmem:$0x8C0] =	vst v6;
	v3 =	vshll.u32 v3, $0x5  }
0xc5: {  	[tilespmem:$0x8E0] =	vst v2;
	v2 =	vadd.s32 v3, v20  }
0xc6: {  	[tilespmem:$0x8F0] =	vst v2  }
0xc7: {  	[tilespmem:s23], [sflag:$0x1] =	stream.indirect.gather [hbm4b:s3+s13], $0x80, s22, s13, $0xb8;
	[tilespmem:$0x19200] =	vst v63  }
0xc8: {  	v2 =	vld [tilespmem:$0x500]  }
0xc9: {  	v3 =	vld [tilespmem:$0x510]  }
0xca: {  	v21 =	vld [tilespmem:$0x520]  }
0xcb: {  	v22 =	vld [tilespmem:$0x530]  }
0xcc: {  	v23 =	vld [tilespmem:$0x540]  }
0xcd: {  	v26 =	vld [tilespmem:$0x550]  }
0xce: {  	v29 =	vld [tilespmem:$0x560];
	v24 =	vperm.xlane v2, v0;
	v25 =	vperm.xlane v3, v0  }
0xcf: {  	v30 =	vld [tilespmem:$0x570];
	v2 =	vperm.xlane v2, v1;
	v3 =	vperm.xlane v3, v1  }
0xd0: {  	v32 =	vld [tilespmem:$0x580];
	v27 =	vperm.xlane v21, v0;
	v28 =	vperm.xlane v22, v0  }
0xd1: {  	v35 =	vld [tilespmem:$0x590];
	v4 =	vperm.xlane v21, v1;
	v5 =	vperm.xlane v22, v1  }
0xd2: {  	v37 =	vld [tilespmem:$0x5A0];
	v33 =	vperm.xlane v23, v0;
	v34 =	vperm.xlane v26, v0  }
0xd3: {  	v40 =	vld [tilespmem:$0x5B0];
	v6 =	vperm.xlane v23, v1;
	v9 =	vperm.xlane v26, v1  }
0xd4: {  	v43 =	vld [tilespmem:$0x5C0];
	v38 =	vperm.xlane v29, v0;
	v39 =	vperm.xlane v30, v0  }
0xd5: {  	v46 =	vld [tilespmem:$0x5D0];
	v12 =	vperm.xlane v29, v1;
	v8 =	vperm.xlane v30, v1  }
0xd6: {  	v50 =	vld [tilespmem:$0x5F0];
	v41 =	vperm.xlane v32, v0;
	v42 =	vperm.xlane v35, v0  }
0xd7: {  	v47 =	vld [tilespmem:$0x5E0];
	v44 =	vperm.xlane v32, v1;
	v45 =	vperm.xlane v35, v1  }
0xd8: {  	v48 =	vperm.xlane v37, v0;
	v49 =	vperm.xlane v40, v0  }
0xd9: {  	v11 =	vperm.xlane v40, v1;
	v52 =	vperm.xlane v43, v0  }
0xda: {  	v53 =	vperm.xlane v46, v0;
	v54 =	vperm.xlane v43, v1  }
0xdb: {  	v55 =	vperm.xlane v46, v1;
	v56 =	vperm.xlane v50, v0  }
0xdc: {  	v57 =	vperm.xlane v47, v1;
	v58 =	vperm.xlane v50, v1  }
0xdd: {  	v7 =	vsel vm0, v24, v25;
	v2 =	vsel vm0, v2, v3;
	v31 =	vsel vm0, v27, v28  }
0xde: {  	v4 =	vsel vm0, v4, v5;
	v36 =	vsel vm0, v33, v34;
	v6 =	vsel vm0, v6, v9  }
0xdf: {  	v8 =	vsel vm0, v12, v8;
	v9 =	vsel vm0, v44, v45;
	v3 =	vshll.u32 v7, $0x5  }
0xe0: {  	v5 =	vperm.xlane v37, v1;
	v7 =	vshll.u32 v31, $0x5;
	v2 =	vadd.s32 v3, v2  }
0xe1: {  	v3 =	vadd.s32 v7, v4;
	v4 =	vshll.u32 v36, $0x5;
	v7 =	vsel vm0, v38, v39  }
0xe2: {  	v51 =	vsel vm0, v48, v49;
	v4 =	vadd.s32 v4, v6;
	v7 =	vshll.u32 v7, $0x5;
	[tilespmem:$0x900] =	vst v2  }
0xe3: {  	v6 =	vsel vm0, v41, v42;
	v2 =	vsel vm0, v5, v11;
	[tilespmem:$0x910] =	vst v3;
	v3 =	vshll.u32 v51, $0x5  }
0xe4: {  	v7 =	vadd.s32 v7, v8;
	[tilespmem:$0x920] =	vst v4;
	v2 =	vadd.s32 v3, v2;
	v3 =	vperm.xlane v47, v0  }
0xe5: {  	v59 =	vsel vm0, v54, v55;
	v5 =	vsel vm0, v52, v53;
	v6 =	vshll.u32 v6, $0x5;
	[tilespmem:$0x930] =	vst v7  }
0xe6: {  	v60 =	vshll.u32 v5, $0x5;
	v6 =	vadd.s32 v6, v9;
	[tilespmem:$0x950] =	vst v2;
	v3 =	vsel vm0, v3, v56  }
0xe7: {  	v61 =	vsel vm0, v57, v58;
	v2 =	vadd.s32 v60, v59;
	[tilespmem:$0x940] =	vst v6;
	v3 =	vshll.u32 v3, $0x5  }
0xe8: {  	[tilespmem:$0x960] =	vst v2;
	v2 =	vadd.s32 v3, v61  }
0xe9: {  	[tilespmem:$0x970] =	vst v2  }
0xea: {  	[tilespmem:s25], [sflag:$0x1] =	stream.indirect.gather [hbm4b:s3+s13], $0x80, s24, s13, $0xb8;
	[tilespmem:$0x19200] =	vst v63  }
0xeb: {  	v2 =	vld [tilespmem:$0x600]  }
0xec: {  	v3 =	vld [tilespmem:$0x610];
	_ =	sdelay $0x4  }
0xed: {  	v62 =	vperm.xlane v2, v0;
	v63 =	vperm.xlane v3, v0  }
0xee: {  	v2 =	vperm.xlane v2, v1;
	v3 =	vperm.xlane v3, v1  }
0xef: {  	v4 =	vsel vm0, v62, v63  }
0xf0: {  	v2 =	vsel vm0, v2, v3;
	v3 =	vshll.u32 v4, $0x5  }
0xf1: {  	v2 =	vadd.s32 v3, v2  }
0xf2: {  	[tilespmem:$0x980] =	vst v2  }
0xf3: {  	[tilespmem:s29], [sflag:$0x1] =	stream.indirect.gather [hbm4b:s3+s26], $0x80, s28, s26, $0xb8;
	[tilespmem:$0x19200] =	vst v63  }
0xf4: {  	_ =	swait.ge [sflag:s30], $0x4000  }
0xf5: {  	[sflag:s30] =	ssyncset.done $0x0  }
0xf6: {  	[sflag:s30] =	ssyncadd.s32 $0xFFFFC000  }
0xf7: {  	[hbm4b:s4+s2] =	stream.linear.scatter [tilespmem:s15], [sflag:$0x2], $0x4000, $0x38;
	[tilespmem:$0x19200] =	vst v63  }
0xf8: {  	_ =	swait.ge [sflag:s30], $0x4000  }
0xf9: {  	[sflag:s30] =	ssyncset.done $0x0  }
0xfa: {  	[sflag:s30] =	ssyncadd.s32 $0xFFFFC000  }
0xfb: {  	[hbm4b:s5+s2] =	stream.linear.scatter [tilespmem:s17], [sflag:$0x2], $0x4000, $0x38;
	[tilespmem:$0x19200] =	vst v63  }
0xfc: {  	_ =	swait.ge [sflag:s30], $0x4000  }
0xfd: {  	[sflag:s30] =	ssyncset.done $0x0  }
0xfe: {  	[sflag:s30] =	ssyncadd.s32 $0xFFFFC000  }
0xff: {  	[hbm4b:s6+s2] =	stream.linear.scatter [tilespmem:s19], [sflag:$0x2], $0x4000, $0x38;
	[tilespmem:$0x19200] =	vst v63  }
0x100: {  	_ =	swait.ge [sflag:s30], $0x4000  }
0x101: {  	[sflag:s30] =	ssyncset.done $0x0  }
0x102: {  	[sflag:s30] =	ssyncadd.s32 $0xFFFFC000  }
0x103: {  	[hbm4b:s7+s2] =	stream.linear.scatter [tilespmem:s21], [sflag:$0x2], $0x4000, $0x38;
	[tilespmem:$0x19200] =	vst v63  }
0x104: {  	_ =	swait.ge [sflag:s30], $0x4000  }
0x105: {  	[sflag:s30] =	ssyncset.done $0x0  }
0x106: {  	[sflag:s30] =	ssyncadd.s32 $0xFFFFC000  }
0x107: {  	[hbm4b:s8+s2] =	stream.linear.scatter [tilespmem:s23], [sflag:$0x2], $0x4000, $0x38;
	[tilespmem:$0x19200] =	vst v63  }
0x108: {  	_ =	swait.ge [sflag:s30], $0x4000  }
0x109: {  	[sflag:s30] =	ssyncset.done $0x0  }
0x10a: {  	[sflag:s30] =	ssyncadd.s32 $0xFFFFC000  }
0x10b: {  	[hbm4b:s9+s2] =	stream.linear.scatter [tilespmem:s25], [sflag:$0x2], $0x4000, $0x38;
	[tilespmem:$0x19200] =	vst v63  }
0x10c: {  	_ =	swait.ge [sflag:s30], $0x800  }
0x10d: {  	[sflag:s30] =	ssyncset.done $0x0  }
0x10e: {  	[sflag:s30] =	ssyncadd.s32 $0xFFFFF800  }
0x10f: {  	[hbm4b:s10+s2] =	stream.linear.scatter [tilespmem:s29], [sflag:$0x2], $0x800, $0x38;
	[tilespmem:$0x19200] =	vst v63  }
0x110: {  	_ =	swait.ge [sflag:s31], $0x4000  }
0x111: {  	[sflag:s31] =	ssyncset.done $0x0  }
0x112: {  	[sflag:s31] =	ssyncadd.s32 $0xFFFFC000  }
0x113: {  	_ =	swait.ge [sflag:s31], $0x4000  }
0x114: {  	[sflag:s31] =	ssyncset.done $0x0  }
0x115: {  	[sflag:s31] =	ssyncadd.s32 $0xFFFFC000  }
0x116: {  	_ =	swait.ge [sflag:s31], $0x4000  }
0x117: {  	[sflag:s31] =	ssyncset.done $0x0  }
0x118: {  	[sflag:s31] =	ssyncadd.s32 $0xFFFFC000  }
0x119: {  	_ =	swait.ge [sflag:s31], $0x4000  }
0x11a: {  	[sflag:s31] =	ssyncset.done $0x0  }
0x11b: {  	[sflag:s31] =	ssyncadd.s32 $0xFFFFC000  }
0x11c: {  	_ =	swait.ge [sflag:s31], $0x4000  }
0x11d: {  	[sflag:s31] =	ssyncset.done $0x0  }
0x11e: {  	[sflag:s31] =	ssyncadd.s32 $0xFFFFC000  }
0x11f: {  	p0 =	sne.s32 s11, $0x1;
	_ =	swait.ge [sflag:s31], $0x4000  }
.Ltmp0:
0x120: {  	[sflag:s31] =	ssyncset.done $0x0;
	(pc) =	sbr.rel @p0 .LBB2_1-.Ltmp0, $4  }
0x121: {  	[sflag:s31] =	ssyncadd.s32 $0xFFFFC000  }
0x122: {  	_ =	swait.ge [sflag:s31], $0x800  }
0x123: {  	[sflag:s31] =	ssyncset.done $0x0  }
0x124: {  	s11 =	sadd.s32 $0xFFFFFFFF, s11;
	[sflag:s31] =	ssyncadd.s32 $0xFFFFF800  }
0x125: {  	_ =	sfence.sel $0x180000  }
0x126: {  	[bflag:$0x0] =	sbarrier.arrive $0xFFFF  }
0x127: {  	_ =	strace $0x90000047  }
0x128: {  	[bflag:$0x2] =	sbarrier.arrive $0xFFFF  }
0x129: {  	p0 =	sne.s32 s0, $0x0;
	s0 =	rddreg [dreg:$0x3]  }
0x12a: {  	s0 =	sadd.s32 @!p0 $0x100000, s0  }
0x12b: {  	[sflag:s0] =	ssyncadd.tile.s32 @!p0 $0x1;
	_ =	shalt  }
.Lfunc_end2:
_tile_overlayer_lowered:
.L_overlay_start_2:
0x12c: {  	(tag) =	ssettag $0x2  }
0x12d: {  	s0 =	rddreg [dreg:$0x0];
	s2 =	stileid.u32  }
0x12e: {  	s1 =	rddreg [dreg:$0x1];
	p0 =	sne.s32 s2, $0x0  }
0x12f: {  	s3 =	rddreg [dreg:$0x2];
	[bflag:$0x3] =	sbarrier.arrive $0xFFFF;
	s2 =	simm.s32 @!p0 $0x1C03  }
0x130: {  	[timem:s3], [sflag:s2] =	dma.local @!p0 [hbm:s0], s1  }
0x131: {  	s0 =	simm.s32 @!p0 $0x3  }
0x132: {  	_ =	swait.ge @!p0 [sflag:s0], s1  }
0x133: {  	s1 =	ssub.s32 @!p0 $0x0, s1;
	[sflag:s0] =	ssyncset.done @!p0 $0x0  }
0x134: {  	[sflag:s0] =	ssyncadd.s32 @!p0 s1  }
0x135: {  	[bflag:$0x3] =	sbarrier.arrive $0xFFFF  }
0x136: {  	_ =	shalt  }

</sc_bundles>
